<compile_context>
chip_gen: v7x
topology: tpu7x:2x2x1
jax: 0.10.2.dev20260603
libtpu: 0.0.44.dev20260713+nightly
codegen_flags: <defaults>
</compile_context>

<pallas_src>
import jax
import jax.numpy as jnp
from jax import lax
from jax.experimental import pallas as pl
from jax.experimental.pallas import tpu as pltpu
from jax.experimental.pallas import tpu_sc as plsc

VOCAB = 100000
HID = 128
MAX2D = 1024
TYPES = 2
B, L = 1024, 200
N = B * L
EPS = 1e-12

NC, NS, LANES = 2, 16, 16
NW = NC * NS
TPW = N // NW
C = 128
NCHUNK = TPW // C
SPANS = HID // LANES


def _rsqrt16(v):
    y = plsc.bitcast(v, jnp.int32)
    y = jnp.int32(0x5F3759DF) - (y >> 1)
    r = plsc.bitcast(y, jnp.float32)
    for _ in range(3):
        r = r * (jnp.float32(1.5) - jnp.float32(0.5) * v * r * r)
    return r


def _body(ids_hbm, bb_hbm, tti_hbm, word_hbm, x_hbm, y_hbm, h_hbm, w_hbm,
          tt_hbm, gamma_hbm, beta_hbm, out_hbm, *sc):
    bb_v = sc[0:2]
    ids_v = sc[2:4]
    tti_v = sc[4:6]
    c0_v = sc[6:8]
    c1_v = sc[8:10]
    c2_v = sc[10:12]
    c3_v = sc[12:14]
    hh_v = sc[14:16]
    ww_v = sc[16:18]
    acc_v = sc[18:20]
    g_v, b_v, tt_v = sc[20], sc[21], sc[22]
    sem_g = sc[23:25]
    sem_i = sc[25:27]
    sem_o = sc[27:29]

    wid = lax.axis_index("c") * NS + lax.axis_index("s")
    base0 = wid * TPW

    pltpu.sync_copy(gamma_hbm, g_v)
    pltpu.sync_copy(beta_hbm, b_v)
    pltpu.sync_copy(tt_hbm, tt_v)

    iota = lax.iota(jnp.int32, LANES)
    gs = [g_v[pl.ds(s * LANES, LANES)] for s in range(SPANS)]
    bs = [b_v[pl.ds(s * LANES, LANES)] for s in range(SPANS)]
    tt0 = [tt_v[0, pl.ds(s * LANES, LANES)] for s in range(SPANS)]
    tt1 = [tt_v[1, pl.ds(s * LANES, LANES)] for s in range(SPANS)]

    def fire_idx(base, p):
        pltpu.async_copy(ids_hbm.at[pl.ds(base, C)], ids_v[p], sem_i[p])
        pltpu.async_copy(bb_hbm.at[pl.ds(base * 4, C * 4)], bb_v[p], sem_i[p])
        pltpu.async_copy(tti_hbm.at[pl.ds(base, C)], tti_v[p], sem_i[p])

    def wait_idx(base, p):
        pltpu.make_async_copy(ids_hbm.at[pl.ds(base, C)], ids_v[p],
                              sem_i[p]).wait()
        pltpu.make_async_copy(bb_hbm.at[pl.ds(base * 4, C * 4)], bb_v[p],
                              sem_i[p]).wait()
        pltpu.make_async_copy(tti_hbm.at[pl.ds(base, C)], tti_v[p],
                              sem_i[p]).wait()

    def wait_out(p):
        pltpu.make_async_copy(acc_v[p], out_hbm.at[pl.ds(base0, C)],
                              sem_o[p]).wait()

    def stage_and_fire(base, p):
        wait_idx(base, p)
        for i in range(C // LANES):
            f16 = (iota + i * LANES) * 4
            c0 = plsc.load_gather(bb_v[p], [f16])
            c1 = plsc.load_gather(bb_v[p], [f16 + 1])
            c2 = plsc.load_gather(bb_v[p], [f16 + 2])
            c3 = plsc.load_gather(bb_v[p], [f16 + 3])
            sl = pl.ds(i * LANES, LANES)
            c0_v[p][sl] = c0
            c1_v[p][sl] = c1
            c2_v[p][sl] = c2
            c3_v[p][sl] = c3
            hh_v[p][sl] = c3 - c1
            ww_v[p][sl] = c2 - c0

        av, ttv = acc_v[p], tti_v[p]

        @pl.when(base - base0 >= 2 * C)
        def _():
            wait_out(p)

        def pre_body(t, _):
            tsel = plsc.load_gather(ttv, [jnp.full((LANES,), 0, jnp.int32) + t]) > 0
            for s in range(SPANS):
                av[t, pl.ds(s * LANES, LANES)] = jnp.where(tsel, tt1[s], tt0[s])
            return 0

        lax.fori_loop(0, C, pre_body, 0)

        pltpu.async_copy(word_hbm.at[ids_v[p]], av, sem_g[p], add=True)
        pltpu.async_copy(x_hbm.at[c0_v[p]], av, sem_g[p], add=True)
        pltpu.async_copy(y_hbm.at[c1_v[p]], av, sem_g[p], add=True)
        pltpu.async_copy(x_hbm.at[c2_v[p]], av, sem_g[p], add=True)
        pltpu.async_copy(y_hbm.at[c3_v[p]], av, sem_g[p], add=True)
        pltpu.async_copy(h_hbm.at[hh_v[p]], av, sem_g[p], add=True)
        pltpu.async_copy(w_hbm.at[ww_v[p]], av, sem_g[p], add=True)

    def drain_gathers(p):
        for _ in range(7):
            pltpu.make_async_copy(word_hbm.at[ids_v[p]], acc_v[p],
                                  sem_g[p]).wait()

    def compute(base, p):
        av = acc_v[p]

        def tok_body(th, _):
            ts = (2 * th, 2 * th + 1)
            aa = [[], []]
            stats = [None, None]
            for k, t in enumerate(ts):
                ssum = jnp.zeros((LANES,), jnp.float32)
                ssq = jnp.zeros((LANES,), jnp.float32)
                for s in range(SPANS):
                    a = av[t, pl.ds(s * LANES, LANES)]
                    aa[k].append(a)
                    ssum = ssum + a
                    ssq = ssq + a * a
                stats[k] = (jnp.sum(ssum), jnp.sum(ssq))
            for k, t in enumerate(ts):
                tot, tot2 = stats[k]
                mean = tot * jnp.float32(1.0 / HID)
                var = tot2 * jnp.float32(1.0 / HID) - mean * mean
                rv = _rsqrt16(jnp.broadcast_to(var + jnp.float32(EPS), (LANES,)))
                mv = jnp.broadcast_to(mean, (LANES,))
                mr = mv * rv
                for s in range(SPANS):
                    av[t, pl.ds(s * LANES, LANES)] = (aa[k][s] * rv - mr) * gs[s] + bs[s]
            return 0

        lax.fori_loop(0, C // 2, tok_body, 0)
        pltpu.async_copy(av, out_hbm.at[pl.ds(base, C)], sem_o[p])

    fire_idx(base0, 0)
    stage_and_fire(base0, 0)
    fire_idx(base0 + C, 1)

    def pair_body(i, _):
        for b in (0, 1):
            ci = 2 * i + b
            base = base0 + ci * C

            @pl.when(ci + 1 < NCHUNK)
            def _():
                stage_and_fire(base + C, 1 - b)

            drain_gathers(b)

            @pl.when(ci + 2 < NCHUNK)
            def _():
                fire_idx(base + 2 * C, b)

            compute(base, b)
        return 0

    lax.fori_loop(0, NCHUNK // 2, pair_body, 0)

    wait_out(0)
    wait_out(1)


@jax.jit
def _run(ids, bb, tti, word_emb, x_pos, y_pos, h_pos, w_pos, tt_emb, gamma, beta):
    mesh = plsc.VectorSubcoreMesh(core_axis_name="c", subcore_axis_name="s")
    dbl = lambda t: [t, t]
    f = pl.kernel(
        _body,
        out_type=jax.ShapeDtypeStruct((N, HID), jnp.float32),
        mesh=mesh,
        compiler_params=pltpu.CompilerParams(needs_layout_passes=False),
        scratch_types=(
            dbl(pltpu.VMEM((C * 4,), jnp.int32))
            + dbl(pltpu.VMEM((C,), jnp.int32))
            + dbl(pltpu.VMEM((C,), jnp.int32))
            + dbl(pltpu.VMEM((C,), jnp.int32))
            + dbl(pltpu.VMEM((C,), jnp.int32))
            + dbl(pltpu.VMEM((C,), jnp.int32))
            + dbl(pltpu.VMEM((C,), jnp.int32))
            + dbl(pltpu.VMEM((C,), jnp.int32))
            + dbl(pltpu.VMEM((C,), jnp.int32))
            + dbl(pltpu.VMEM((C, HID), jnp.float32))
            + [pltpu.VMEM((HID,), jnp.float32)]
            + [pltpu.VMEM((HID,), jnp.float32)]
            + [pltpu.VMEM((TYPES, HID), jnp.float32)]
            + dbl(pltpu.SemaphoreType.DMA)
            + dbl(pltpu.SemaphoreType.DMA)
            + dbl(pltpu.SemaphoreType.DMA)
        ),
    )
    return f(ids, bb, tti, word_emb, x_pos, y_pos, h_pos, w_pos, tt_emb, gamma, beta)


def kernel(input_ids, bbox, token_type_ids, word_emb, x_pos, y_pos, h_pos, w_pos,
           tt_emb, gamma, beta):
    ids = input_ids.reshape(-1).astype(jnp.int32)
    bb = bbox.reshape(-1).astype(jnp.int32)
    tti = token_type_ids.reshape(-1).astype(jnp.int32)
    out = _run(ids, bb, tti, word_emb, x_pos, y_pos, h_pos, w_pos, tt_emb,
               gamma, beta)
    return out.reshape(input_ids.shape + (HID,))

# --- scband reference (transcript-rebuilt; emitter-appended) ---
"""Pipeline reference for scband-layout-lmpositionless-embeddings-35665408426562 (READ-ONLY COPY).

The authoritative reference and input builder live on the scoring server;
editing this copy changes nothing except your own understanding.
"""

import jax, jax.numpy as jnp
import numpy as np

VOCAB = 100000
HID = 128
MAX2D = 1024
TYPES = 2
B, L = 1024, 200
EPS = 1e-12

def setup_inputs(seed: int = 0) -> dict:
    key = jax.random.key(seed)
    ks = jax.random.split(key, 12)
    input_ids = jax.random.randint(ks[0], (B, L), 0, VOCAB, dtype=jnp.int64 if jax.config.jax_enable_x64 else jnp.int32)
    bbox = jnp.sort(jax.random.randint(ks[1], (B, L, 4), 0, 1000, dtype=jnp.int64 if jax.config.jax_enable_x64 else jnp.int32), axis=-1)
    token_type_ids = jax.random.randint(ks[2], (B, L), 0, TYPES, dtype=jnp.int64 if jax.config.jax_enable_x64 else jnp.int32)
    word_emb = jax.random.normal(ks[3], (VOCAB, HID), dtype=jnp.float32) * 0.02
    x_pos = jax.random.normal(ks[4], (MAX2D, HID), dtype=jnp.float32) * 0.02
    y_pos = jax.random.normal(ks[5], (MAX2D, HID), dtype=jnp.float32) * 0.02
    h_pos = jax.random.normal(ks[6], (MAX2D, HID), dtype=jnp.float32) * 0.02
    w_pos = jax.random.normal(ks[7], (MAX2D, HID), dtype=jnp.float32) * 0.02
    tt_emb = jax.random.normal(ks[8], (TYPES, HID), dtype=jnp.float32) * 0.02
    gamma = jnp.ones((HID,), dtype=jnp.float32)
    beta = jnp.zeros((HID,), dtype=jnp.float32)
    return {"input_ids": input_ids, "bbox": bbox, "token_type_ids": token_type_ids,
            "word_emb": word_emb, "x_pos": x_pos, "y_pos": y_pos, "h_pos": h_pos,
            "w_pos": w_pos, "tt_emb": tt_emb, "gamma": gamma, "beta": beta}

def _layer_norm(x, gamma, beta, eps=EPS):
    mean = jnp.mean(x, axis=-1, keepdims=True)
    var = jnp.mean(jnp.square(x - mean), axis=-1, keepdims=True)
    return (x - mean) / jnp.sqrt(var + eps) * gamma + beta

def reference(input_ids, bbox, token_type_ids, word_emb, x_pos, y_pos, h_pos, w_pos, tt_emb, gamma, beta):
    words = jnp.take(word_emb, input_ids, axis=0)
    left = jnp.take(x_pos, bbox[:, :, 0], axis=0)
    upper = jnp.take(y_pos, bbox[:, :, 1], axis=0)
    right = jnp.take(x_pos, bbox[:, :, 2], axis=0)
    lower = jnp.take(y_pos, bbox[:, :, 3], axis=0)
    h_e = jnp.take(h_pos, bbox[:, :, 3] - bbox[:, :, 1], axis=0)
    w_e = jnp.take(w_pos, bbox[:, :, 2] - bbox[:, :, 0], axis=0)
    tt = jnp.take(tt_emb, token_type_ids, axis=0)
    emb = words + left + upper + right + lower + h_e + w_e + tt
    emb = _layer_norm(emb, gamma, beta)
    # dropout p=0.0 -> identity
    return emb

if __name__ == "__main__":
    import jax
    _d = setup_inputs()
    print(jax.jit(kernel)(*tuple(_d.values())))

</pallas_src>

<mosaic_0001>
#map = affine_map<(d0, d1) -> (0)>
#map1 = affine_map<(d0, d1) -> (0, 0)>
module attributes {stable_mosaic.version = 14 : i64} {
  func.func @_body(%arg0: i32, %arg1: i32, %arg2: memref<204800xi32, #tpu.memory_space<hbm>>, %arg3: memref<819200xi32, #tpu.memory_space<hbm>>, %arg4: memref<204800xi32, #tpu.memory_space<hbm>>, %arg5: memref<100000x128xf32, #tpu.memory_space<hbm>>, %arg6: memref<1024x128xf32, #tpu.memory_space<hbm>>, %arg7: memref<1024x128xf32, #tpu.memory_space<hbm>>, %arg8: memref<1024x128xf32, #tpu.memory_space<hbm>>, %arg9: memref<1024x128xf32, #tpu.memory_space<hbm>>, %arg10: memref<2x128xf32, #tpu.memory_space<hbm>>, %arg11: memref<128xf32, #tpu.memory_space<hbm>>, %arg12: memref<128xf32, #tpu.memory_space<hbm>>, %arg13: memref<204800x128xf32, #tpu.memory_space<hbm>>, %arg14: memref<512xi32, #tpu.memory_space<vmem>>, %arg15: memref<512xi32, #tpu.memory_space<vmem>>, %arg16: memref<128xi32, #tpu.memory_space<vmem>>, %arg17: memref<128xi32, #tpu.memory_space<vmem>>, %arg18: memref<128xi32, #tpu.memory_space<vmem>>, %arg19: memref<128xi32, #tpu.memory_space<vmem>>, %arg20: memref<128xi32, #tpu.memory_space<vmem>>, %arg21: memref<128xi32, #tpu.memory_space<vmem>>, %arg22: memref<128xi32, #tpu.memory_space<vmem>>, %arg23: memref<128xi32, #tpu.memory_space<vmem>>, %arg24: memref<128xi32, #tpu.memory_space<vmem>>, %arg25: memref<128xi32, #tpu.memory_space<vmem>>, %arg26: memref<128xi32, #tpu.memory_space<vmem>>, %arg27: memref<128xi32, #tpu.memory_space<vmem>>, %arg28: memref<128xi32, #tpu.memory_space<vmem>>, %arg29: memref<128xi32, #tpu.memory_space<vmem>>, %arg30: memref<128xi32, #tpu.memory_space<vmem>>, %arg31: memref<128xi32, #tpu.memory_space<vmem>>, %arg32: memref<128x128xf32, #tpu.memory_space<vmem>>, %arg33: memref<128x128xf32, #tpu.memory_space<vmem>>, %arg34: memref<128xf32, #tpu.memory_space<vmem>>, %arg35: memref<128xf32, #tpu.memory_space<vmem>>, %arg36: memref<2x128xf32, #tpu.memory_space<vmem>>, %arg37: memref<!tpu.dma_semaphore, #tpu.memory_space<semaphore_mem>>, %arg38: memref<!tpu.dma_semaphore, #tpu.memory_space<semaphore_mem>>, %arg39: memref<!tpu.dma_semaphore, #tpu.memory_space<semaphore_mem>>, %arg40: memref<!tpu.dma_semaphore, #tpu.memory_space<semaphore_mem>>, %arg41: memref<!tpu.dma_semaphore, #tpu.memory_space<semaphore_mem>>, %arg42: memref<!tpu.dma_semaphore, #tpu.memory_space<semaphore_mem>>) attributes {dimension_semantics = [#tpu.dimension_semantics<core_parallel>, #tpu.dimension_semantics<subcore_parallel>], iteration_bounds = array<i64: 2, 16>, scalar_prefetch = 0 : i64, scratch_operands = 29 : i64, tpu.core_type = #tpu.core_type<sc_vector_subcore>, window_params = [{transform_indices = #map}, {transform_indices = #map}, {transform_indices = #map}, {transform_indices = #map1}, {transform_indices = #map1}, {transform_indices = #map1}, {transform_indices = #map1}, {transform_indices = #map1}, {transform_indices = #map1}, {transform_indices = #map}, {transform_indices = #map}, {transform_indices = #map1}]} {
    %mul3A = arith.constant 16 : i32
    %mul3A_0 = arith.muli %arg0, %mul3A : i32
    %add3A = arith.addi %mul3A_0, %arg1 : i32
    %mul3A_1 = arith.constant 6400 : i32
    %mul3A_2 = arith.muli %add3A, %mul3A_1 : i32
    "tpu.region"() ({
      %run_scoped3A = tpu.sem_alloc : memref<!tpu.dma_semaphore, #tpu.memory_space<semaphore_mem>>
      tpu.enqueue_dma source(%arg11 : memref<128xf32, #tpu.memory_space<hbm>>) target(%arg34 : memref<128xf32, #tpu.memory_space<vmem>>) target_semaphore(%run_scoped3A : memref<!tpu.dma_semaphore, #tpu.memory_space<semaphore_mem>>)
      tpu.wait_dma2 semaphore(%run_scoped3A : memref<!tpu.dma_semaphore, #tpu.memory_space<semaphore_mem>>) src(%arg11 : memref<128xf32, #tpu.memory_space<hbm>>) dst(%arg34 : memref<128xf32, #tpu.memory_space<vmem>>)
      tpu.yield
    }) : () -> ()
    "tpu.region"() ({
      %run_scoped3A = tpu.sem_alloc : memref<!tpu.dma_semaphore, #tpu.memory_space<semaphore_mem>>
      tpu.enqueue_dma source(%arg12 : memref<128xf32, #tpu.memory_space<hbm>>) target(%arg35 : memref<128xf32, #tpu.memory_space<vmem>>) target_semaphore(%run_scoped3A : memref<!tpu.dma_semaphore, #tpu.memory_space<semaphore_mem>>)
      tpu.wait_dma2 semaphore(%run_scoped3A : memref<!tpu.dma_semaphore, #tpu.memory_space<semaphore_mem>>) src(%arg12 : memref<128xf32, #tpu.memory_space<hbm>>) dst(%arg35 : memref<128xf32, #tpu.memory_space<vmem>>)
      tpu.yield
    }) : () -> ()
    "tpu.region"() ({
      %run_scoped3A = tpu.sem_alloc : memref<!tpu.dma_semaphore, #tpu.memory_space<semaphore_mem>>
      tpu.enqueue_dma source(%arg10 : memref<2x128xf32, #tpu.memory_space<hbm>>) target(%arg36 : memref<2x128xf32, #tpu.memory_space<vmem>>) target_semaphore(%run_scoped3A : memref<!tpu.dma_semaphore, #tpu.memory_space<semaphore_mem>>)
      tpu.wait_dma2 semaphore(%run_scoped3A : memref<!tpu.dma_semaphore, #tpu.memory_space<semaphore_mem>>) src(%arg10 : memref<2x128xf32, #tpu.memory_space<hbm>>) dst(%arg36 : memref<2x128xf32, #tpu.memory_space<vmem>>)
      tpu.yield
    }) : () -> ()
    %iota3A = tpu.iota {dimensions = array<i32: 0>} : vector<16xi32>
    %get3A = arith.constant 0 : index
    %get3A_3 = tpu.vector_load %arg34[%get3A] {strides = array<i32>} : memref<128xf32, #tpu.memory_space<vmem>>, vector<16xf32>,
    %get3A_4 = arith.constant 16 : index
    %get3A_5 = tpu.vector_load %arg34[%get3A_4] {strides = array<i32>} : memref<128xf32, #tpu.memory_space<vmem>>, vector<16xf32>,
    %get3A_6 = arith.constant 32 : index
    %get3A_7 = tpu.vector_load %arg34[%get3A_6] {strides = array<i32>} : memref<128xf32, #tpu.memory_space<vmem>>, vector<16xf32>,
    %get3A_8 = arith.constant 48 : index
    %get3A_9 = tpu.vector_load %arg34[%get3A_8] {strides = array<i32>} : memref<128xf32, #tpu.memory_space<vmem>>, vector<16xf32>,
    %get3A_10 = arith.constant 64 : index
    %get3A_11 = tpu.vector_load %arg34[%get3A_10] {strides = array<i32>} : memref<128xf32, #tpu.memory_space<vmem>>, vector<16xf32>,
    %get3A_12 = arith.constant 80 : index
    %get3A_13 = tpu.vector_load %arg34[%get3A_12] {strides = array<i32>} : memref<128xf32, #tpu.memory_space<vmem>>, vector<16xf32>,
    %get3A_14 = arith.constant 96 : index
    %get3A_15 = tpu.vector_load %arg34[%get3A_14] {strides = array<i32>} : memref<128xf32, #tpu.memory_space<vmem>>, vector<16xf32>,
    %get3A_16 = arith.constant 112 : index
    %get3A_17 = tpu.vector_load %arg34[%get3A_16] {strides = array<i32>} : memref<128xf32, #tpu.memory_space<vmem>>, vector<16xf32>,
    %get3A_18 = arith.constant 0 : index
    %get3A_19 = tpu.vector_load %arg35[%get3A_18] {strides = array<i32>} : memref<128xf32, #tpu.memory_space<vmem>>, vector<16xf32>,
    %get3A_20 = arith.constant 16 : index
    %get3A_21 = tpu.vector_load %arg35[%get3A_20] {strides = array<i32>} : memref<128xf32, #tpu.memory_space<vmem>>, vector<16xf32>,
    %get3A_22 = arith.constant 32 : index
    %get3A_23 = tpu.vector_load %arg35[%get3A_22] {strides = array<i32>} : memref<128xf32, #tpu.memory_space<vmem>>, vector<16xf32>,
    %get3A_24 = arith.constant 48 : index
    %get3A_25 = tpu.vector_load %arg35[%get3A_24] {strides = array<i32>} : memref<128xf32, #tpu.memory_space<vmem>>, vector<16xf32>,
    %get3A_26 = arith.constant 64 : index
    %get3A_27 = tpu.vector_load %arg35[%get3A_26] {strides = array<i32>} : memref<128xf32, #tpu.memory_space<vmem>>, vector<16xf32>,
    %get3A_28 = arith.constant 80 : index
    %get3A_29 = tpu.vector_load %arg35[%get3A_28] {strides = array<i32>} : memref<128xf32, #tpu.memory_space<vmem>>, vector<16xf32>,
    %get3A_30 = arith.constant 96 : index
    %get3A_31 = tpu.vector_load %arg35[%get3A_30] {strides = array<i32>} : memref<128xf32, #tpu.memory_space<vmem>>, vector<16xf32>,
    %get3A_32 = arith.constant 112 : index
    %get3A_33 = tpu.vector_load %arg35[%get3A_32] {strides = array<i32>} : memref<128xf32, #tpu.memory_space<vmem>>, vector<16xf32>,
    %get3A_34 = arith.constant 0 : i32
    %get3A_35 = arith.index_cast %get3A_34 : i32 to index
    %get3A_36 = arith.constant 0 : index
    %get3A_37 = tpu.vector_load %arg36[%get3A_35, %get3A_36] {strides = array<i32>} : memref<2x128xf32, #tpu.memory_space<vmem>>, vector<16xf32>,
    %get3A_38 = arith.constant 0 : i32
    %get3A_39 = arith.index_cast %get3A_38 : i32 to index
    %get3A_40 = arith.constant 16 : index
    %get3A_41 = tpu.vector_load %arg36[%get3A_39, %get3A_40] {strides = array<i32>} : memref<2x128xf32, #tpu.memory_space<vmem>>, vector<16xf32>,
    %get3A_42 = arith.constant 0 : i32
    %get3A_43 = arith.index_cast %get3A_42 : i32 to index
    %get3A_44 = arith.constant 32 : index
    %get3A_45 = tpu.vector_load %arg36[%get3A_43, %get3A_44] {strides = array<i32>} : memref<2x128xf32, #tpu.memory_space<vmem>>, vector<16xf32>,
    %get3A_46 = arith.constant 0 : i32
    %get3A_47 = arith.index_cast %get3A_46 : i32 to index
    %get3A_48 = arith.constant 48 : index
    %get3A_49 = tpu.vector_load %arg36[%get3A_47, %get3A_48] {strides = array<i32>} : memref<2x128xf32, #tpu.memory_space<vmem>>, vector<16xf32>,
    %get3A_50 = arith.constant 0 : i32
    %get3A_51 = arith.index_cast %get3A_50 : i32 to index
    %get3A_52 = arith.constant 64 : index
    %get3A_53 = tpu.vector_load %arg36[%get3A_51, %get3A_52] {strides = array<i32>} : memref<2x128xf32, #tpu.memory_space<vmem>>, vector<16xf32>,
    %get3A_54 = arith.constant 0 : i32
    %get3A_55 = arith.index_cast %get3A_54 : i32 to index
    %get3A_56 = arith.constant 80 : index
    %get3A_57 = tpu.vector_load %arg36[%get3A_55, %get3A_56] {strides = array<i32>} : memref<2x128xf32, #tpu.memory_space<vmem>>, vector<16xf32>,
    %get3A_58 = arith.constant 0 : i32
    %get3A_59 = arith.index_cast %get3A_58 : i32 to index
    %get3A_60 = arith.constant 96 : index
    %get3A_61 = tpu.vector_load %arg36[%get3A_59, %get3A_60] {strides = array<i32>} : memref<2x128xf32, #tpu.memory_space<vmem>>, vector<16xf32>,
    %get3A_62 = arith.constant 0 : i32
    %get3A_63 = arith.index_cast %get3A_62 : i32 to index
    %get3A_64 = arith.constant 112 : index
    %get3A_65 = tpu.vector_load %arg36[%get3A_63, %get3A_64] {strides = array<i32>} : memref<2x128xf32, #tpu.memory_space<vmem>>, vector<16xf32>,
    %get3A_66 = arith.constant 1 : i32
    %get3A_67 = arith.index_cast %get3A_66 : i32 to index
    %get3A_68 = arith.constant 0 : index
    %get3A_69 = tpu.vector_load %arg36[%get3A_67, %get3A_68] {strides = array<i32>} : memref<2x128xf32, #tpu.memory_space<vmem>>, vector<16xf32>,
    %get3A_70 = arith.constant 1 : i32
    %get3A_71 = arith.index_cast %get3A_70 : i32 to index
    %get3A_72 = arith.constant 16 : index
    %get3A_73 = tpu.vector_load %arg36[%get3A_71, %get3A_72] {strides = array<i32>} : memref<2x128xf32, #tpu.memory_space<vmem>>, vector<16xf32>,
    %get3A_74 = arith.constant 1 : i32
    %get3A_75 = arith.index_cast %get3A_74 : i32 to index
    %get3A_76 = arith.constant 32 : index
    %get3A_77 = tpu.vector_load %arg36[%get3A_75, %get3A_76] {strides = array<i32>} : memref<2x128xf32, #tpu.memory_space<vmem>>, vector<16xf32>,
    %get3A_78 = arith.constant 1 : i32
    %get3A_79 = arith.index_cast %get3A_78 : i32 to index
    %get3A_80 = arith.constant 48 : index
    %get3A_81 = tpu.vector_load %arg36[%get3A_79, %get3A_80] {strides = array<i32>} : memref<2x128xf32, #tpu.memory_space<vmem>>, vector<16xf32>,
    %get3A_82 = arith.constant 1 : i32
    %get3A_83 = arith.index_cast %get3A_82 : i32 to index
    %get3A_84 = arith.constant 64 : index
    %get3A_85 = tpu.vector_load %arg36[%get3A_83, %get3A_84] {strides = array<i32>} : memref<2x128xf32, #tpu.memory_space<vmem>>, vector<16xf32>,
    %get3A_86 = arith.constant 1 : i32
    %get3A_87 = arith.index_cast %get3A_86 : i32 to index
    %get3A_88 = arith.constant 80 : index
    %get3A_89 = tpu.vector_load %arg36[%get3A_87, %get3A_88] {strides = array<i32>} : memref<2x128xf32, #tpu.memory_space<vmem>>, vector<16xf32>,
    %get3A_90 = arith.constant 1 : i32
    %get3A_91 = arith.index_cast %get3A_90 : i32 to index
    %get3A_92 = arith.constant 96 : index
    %get3A_93 = tpu.vector_load %arg36[%get3A_91, %get3A_92] {strides = array<i32>} : memref<2x128xf32, #tpu.memory_space<vmem>>, vector<16xf32>,
    %get3A_94 = arith.constant 1 : i32
    %get3A_95 = arith.index_cast %get3A_94 : i32 to index
    %get3A_96 = arith.constant 112 : index
    %get3A_97 = tpu.vector_load %arg36[%get3A_95, %get3A_96] {strides = array<i32>} : memref<2x128xf32, #tpu.memory_space<vmem>>, vector<16xf32>,
    %dma_start3A = tpu.memref_slice %arg2[%mul3A_2] : memref<204800xi32, #tpu.memory_space<hbm>> -> memref<128xi32, #tpu.memory_space<hbm>>
    %dma_start3A_98 = tpu.memref_slice %arg2[%mul3A_2] : memref<204800xi32, #tpu.memory_space<hbm>> -> memref<128xi32, #tpu.memory_space<hbm>>
    tpu.enqueue_dma source(%dma_start3A_98 : memref<128xi32, #tpu.memory_space<hbm>>) target(%arg16 : memref<128xi32, #tpu.memory_space<vmem>>) target_semaphore(%arg39 : memref<!tpu.dma_semaphore, #tpu.memory_space<semaphore_mem>>)
    %mul3A_99 = arith.constant 4 : i32
    %mul3A_100 = arith.muli %mul3A_2, %mul3A_99 : i32
    %dma_start3A_101 = tpu.memref_slice %arg3[%mul3A_100] : memref<819200xi32, #tpu.memory_space<hbm>> -> memref<512xi32, #tpu.memory_space<hbm>>
    %dma_start3A_102 = tpu.memref_slice %arg3[%mul3A_100] : memref<819200xi32, #tpu.memory_space<hbm>> -> memref<512xi32, #tpu.memory_space<hbm>>
    tpu.enqueue_dma source(%dma_start3A_102 : memref<512xi32, #tpu.memory_space<hbm>>) target(%arg14 : memref<512xi32, #tpu.memory_space<vmem>>) target_semaphore(%arg39 : memref<!tpu.dma_semaphore, #tpu.memory_space<semaphore_mem>>)
    %dma_start3A_103 = tpu.memref_slice %arg4[%mul3A_2] : memref<204800xi32, #tpu.memory_space<hbm>> -> memref<128xi32, #tpu.memory_space<hbm>>
    %dma_start3A_104 = tpu.memref_slice %arg4[%mul3A_2] : memref<204800xi32, #tpu.memory_space<hbm>> -> memref<128xi32, #tpu.memory_space<hbm>>
    tpu.enqueue_dma source(%dma_start3A_104 : memref<128xi32, #tpu.memory_space<hbm>>) target(%arg18 : memref<128xi32, #tpu.memory_space<vmem>>) target_semaphore(%arg39 : memref<!tpu.dma_semaphore, #tpu.memory_space<semaphore_mem>>)
    %dma_wait3A = tpu.memref_slice %arg2[%mul3A_2] : memref<204800xi32, #tpu.memory_space<hbm>> -> memref<128xi32, #tpu.memory_space<hbm>>
    %dma_wait3A_105 = tpu.memref_slice %arg2[%mul3A_2] : memref<204800xi32, #tpu.memory_space<hbm>> -> memref<128xi32, #tpu.memory_space<hbm>>
    tpu.wait_dma2 semaphore(%arg39 : memref<!tpu.dma_semaphore, #tpu.memory_space<semaphore_mem>>) src(%dma_wait3A_105 : memref<128xi32, #tpu.memory_space<hbm>>) dst(%arg16 : memref<128xi32, #tpu.memory_space<vmem>>)
    %mul3A_106 = arith.constant 4 : i32
    %mul3A_107 = arith.muli %mul3A_2, %mul3A_106 : i32
    %dma_wait3A_108 = tpu.memref_slice %arg3[%mul3A_107] : memref<819200xi32, #tpu.memory_space<hbm>> -> memref<512xi32, #tpu.memory_space<hbm>>
    %dma_wait3A_109 = tpu.memref_slice %arg3[%mul3A_107] : memref<819200xi32, #tpu.memory_space<hbm>> -> memref<512xi32, #tpu.memory_space<hbm>>
    tpu.wait_dma2 semaphore(%arg39 : memref<!tpu.dma_semaphore, #tpu.memory_space<semaphore_mem>>) src(%dma_wait3A_109 : memref<512xi32, #tpu.memory_space<hbm>>) dst(%arg14 : memref<512xi32, #tpu.memory_space<vmem>>)
    %dma_wait3A_110 = tpu.memref_slice %arg4[%mul3A_2] : memref<204800xi32, #tpu.memory_space<hbm>> -> memref<128xi32, #tpu.memory_space<hbm>>
    %dma_wait3A_111 = tpu.memref_slice %arg4[%mul3A_2] : memref<204800xi32, #tpu.memory_space<hbm>> -> memref<128xi32, #tpu.memory_space<hbm>>
    tpu.wait_dma2 semaphore(%arg39 : memref<!tpu.dma_semaphore, #tpu.memory_space<semaphore_mem>>) src(%dma_wait3A_111 : memref<128xi32, #tpu.memory_space<hbm>>) dst(%arg18 : memref<128xi32, #tpu.memory_space<vmem>>)
    %add3A_112 = arith.constant 0 : i32
    %add3A_113 = vector.broadcast %add3A_112 : i32 to vector<16xi32>
    %add3A_114 = arith.addi %iota3A, %add3A_113 : vector<16xi32>
    %mul3A_115 = arith.constant 4 : i32
    %mul3A_116 = vector.broadcast %mul3A_115 : i32 to vector<16xi32>
    %mul3A_117 = arith.muli %add3A_114, %mul3A_116 : vector<16xi32>
    %gather3A = tpu.vector_load_idx %arg14[%mul3A_117] : memref<512xi32, #tpu.memory_space<vmem>>[vector<16xi32>], vector<16xi32>,
    %add3A_118 = arith.constant 1 : i32
    %add3A_119 = vector.broadcast %add3A_118 : i32 to vector<16xi32>
    %add3A_120 = arith.addi %mul3A_117, %add3A_119 : vector<16xi32>
    %gather3A_121 = tpu.vector_load_idx %arg14[%add3A_120] : memref<512xi32, #tpu.memory_space<vmem>>[vector<16xi32>], vector<16xi32>,
    %add3A_122 = arith.constant 2 : i32
    %add3A_123 = vector.broadcast %add3A_122 : i32 to vector<16xi32>
    %add3A_124 = arith.addi %mul3A_117, %add3A_123 : vector<16xi32>
    %gather3A_125 = tpu.vector_load_idx %arg14[%add3A_124] : memref<512xi32, #tpu.memory_space<vmem>>[vector<16xi32>], vector<16xi32>,
    %add3A_126 = arith.constant 3 : i32
    %add3A_127 = vector.broadcast %add3A_126 : i32 to vector<16xi32>
    %add3A_128 = arith.addi %mul3A_117, %add3A_127 : vector<16xi32>
    %gather3A_129 = tpu.vector_load_idx %arg14[%add3A_128] : memref<512xi32, #tpu.memory_space<vmem>>[vector<16xi32>], vector<16xi32>,
    %swap3A = arith.constant 0 : index
    %swap3A_130 = tpu.vector_load %arg20[%swap3A] {strides = array<i32>} : memref<128xi32, #tpu.memory_space<vmem>>, vector<16xi32>,
    tpu.vector_store %arg20[%swap3A], %gather3A {strides = array<i32>} : memref<128xi32, #tpu.memory_space<vmem>>, vector<16xi32>,
    %swap3A_131 = arith.constant 0 : index
    %swap3A_132 = tpu.vector_load %arg22[%swap3A_131] {strides = array<i32>} : memref<128xi32, #tpu.memory_space<vmem>>, vector<16xi32>,
    tpu.vector_store %arg22[%swap3A_131], %gather3A_121 {strides = array<i32>} : memref<128xi32, #tpu.memory_space<vmem>>, vector<16xi32>,
    %swap3A_133 = arith.constant 0 : index
    %swap3A_134 = tpu.vector_load %arg24[%swap3A_133] {strides = array<i32>} : memref<128xi32, #tpu.memory_space<vmem>>, vector<16xi32>,
    tpu.vector_store %arg24[%swap3A_133], %gather3A_125 {strides = array<i32>} : memref<128xi32, #tpu.memory_space<vmem>>, vector<16xi32>,
    %swap3A_135 = arith.constant 0 : index
    %swap3A_136 = tpu.vector_load %arg26[%swap3A_135] {strides = array<i32>} : memref<128xi32, #tpu.memory_space<vmem>>, vector<16xi32>,
    tpu.vector_store %arg26[%swap3A_135], %gather3A_129 {strides = array<i32>} : memref<128xi32, #tpu.memory_space<vmem>>, vector<16xi32>,
    %sub3A = arith.subi %gather3A_129, %gather3A_121 : vector<16xi32>
    %swap3A_137 = arith.constant 0 : index
    %swap3A_138 = tpu.vector_load %arg28[%swap3A_137] {strides = array<i32>} : memref<128xi32, #tpu.memory_space<vmem>>, vector<16xi32>,
    tpu.vector_store %arg28[%swap3A_137], %sub3A {strides = array<i32>} : memref<128xi32, #tpu.memory_space<vmem>>, vector<16xi32>,
    %sub3A_139 = arith.subi %gather3A_125, %gather3A : vector<16xi32>
    %swap3A_140 = arith.constant 0 : index
    %swap3A_141 = tpu.vector_load %arg30[%swap3A_140] {strides = array<i32>} : memref<128xi32, #tpu.memory_space<vmem>>, vector<16xi32>,
    tpu.vector_store %arg30[%swap3A_140], %sub3A_139 {strides = array<i32>} : memref<128xi32, #tpu.memory_space<vmem>>, vector<16xi32>,
    %add3A_142 = arith.constant 16 : i32
    %add3A_143 = vector.broadcast %add3A_142 : i32 to vector<16xi32>
    %add3A_144 = arith.addi %iota3A, %add3A_143 : vector<16xi32>
    %mul3A_145 = arith.constant 4 : i32
    %mul3A_146 = vector.broadcast %mul3A_145 : i32 to vector<16xi32>
    %mul3A_147 = arith.muli %add3A_144, %mul3A_146 : vector<16xi32>
    %gather3A_148 = tpu.vector_load_idx %arg14[%mul3A_147] : memref<512xi32, #tpu.memory_space<vmem>>[vector<16xi32>], vector<16xi32>,
    %add3A_149 = arith.constant 1 : i32
    %add3A_150 = vector.broadcast %add3A_149 : i32 to vector<16xi32>
    %add3A_151 = arith.addi %mul3A_147, %add3A_150 : vector<16xi32>
    %gather3A_152 = tpu.vector_load_idx %arg14[%add3A_151] : memref<512xi32, #tpu.memory_space<vmem>>[vector<16xi32>], vector<16xi32>,
    %add3A_153 = arith.constant 2 : i32
    %add3A_154 = vector.broadcast %add3A_153 : i32 to vector<16xi32>
    %add3A_155 = arith.addi %mul3A_147, %add3A_154 : vector<16xi32>
    %gather3A_156 = tpu.vector_load_idx %arg14[%add3A_155] : memref<512xi32, #tpu.memory_space<vmem>>[vector<16xi32>], vector<16xi32>,
    %add3A_157 = arith.constant 3 : i32
    %add3A_158 = vector.broadcast %add3A_157 : i32 to vector<16xi32>
    %add3A_159 = arith.addi %mul3A_147, %add3A_158 : vector<16xi32>
    %gather3A_160 = tpu.vector_load_idx %arg14[%add3A_159] : memref<512xi32, #tpu.memory_space<vmem>>[vector<16xi32>], vector<16xi32>,
    %swap3A_161 = arith.constant 16 : index
    %swap3A_162 = tpu.vector_load %arg20[%swap3A_161] {strides = array<i32>} : memref<128xi32, #tpu.memory_space<vmem>>, vector<16xi32>,
    tpu.vector_store %arg20[%swap3A_161], %gather3A_148 {strides = array<i32>} : memref<128xi32, #tpu.memory_space<vmem>>, vector<16xi32>,
    %swap3A_163 = arith.constant 16 : index
    %swap3A_164 = tpu.vector_load %arg22[%swap3A_163] {strides = array<i32>} : memref<128xi32, #tpu.memory_space<vmem>>, vector<16xi32>,
    tpu.vector_store %arg22[%swap3A_163], %gather3A_152 {strides = array<i32>} : memref<128xi32, #tpu.memory_space<vmem>>, vector<16xi32>,
    %swap3A_165 = arith.constant 16 : index
    %swap3A_166 = tpu.vector_load %arg24[%swap3A_165] {strides = array<i32>} : memref<128xi32, #tpu.memory_space<vmem>>, vector<16xi32>,
    tpu.vector_store %arg24[%swap3A_165], %gather3A_156 {strides = array<i32>} : memref<128xi32, #tpu.memory_space<vmem>>, vector<16xi32>,
    %swap3A_167 = arith.constant 16 : index
    %swap3A_168 = tpu.vector_load %arg26[%swap3A_167] {strides = array<i32>} : memref<128xi32, #tpu.memory_space<vmem>>, vector<16xi32>,
    tpu.vector_store %arg26[%swap3A_167], %gather3A_160 {strides = array<i32>} : memref<128xi32, #tpu.memory_space<vmem>>, vector<16xi32>,
    %sub3A_169 = arith.subi %gather3A_160, %gather3A_152 : vector<16xi32>
    %swap3A_170 = arith.constant 16 : index
    %swap3A_171 = tpu.vector_load %arg28[%swap3A_170] {strides = array<i32>} : memref<128xi32, #tpu.memory_space<vmem>>, vector<16xi32>,
    tpu.vector_store %arg28[%swap3A_170], %sub3A_169 {strides = array<i32>} : memref<128xi32, #tpu.memory_space<vmem>>, vector<16xi32>,
    %sub3A_172 = arith.subi %gather3A_156, %gather3A_148 : vector<16xi32>
    %swap3A_173 = arith.constant 16 : index
    %swap3A_174 = tpu.vector_load %arg30[%swap3A_173] {strides = array<i32>} : memref<128xi32, #tpu.memory_space<vmem>>, vector<16xi32>,
    tpu.vector_store %arg30[%swap3A_173], %sub3A_172 {strides = array<i32>} : memref<128xi32, #tpu.memory_space<vmem>>, vector<16xi32>,
    %add3A_175 = arith.constant 32 : i32
    %add3A_176 = vector.broadcast %add3A_175 : i32 to vector<16xi32>
    %add3A_177 = arith.addi %iota3A, %add3A_176 : vector<16xi32>
    %mul3A_178 = arith.constant 4 : i32
    %mul3A_179 = vector.broadcast %mul3A_178 : i32 to vector<16xi32>
    %mul3A_180 = arith.muli %add3A_177, %mul3A_179 : vector<16xi32>
    %gather3A_181 = tpu.vector_load_idx %arg14[%mul3A_180] : memref<512xi32, #tpu.memory_space<vmem>>[vector<16xi32>], vector<16xi32>,
    %add3A_182 = arith.constant 1 : i32
    %add3A_183 = vector.broadcast %add3A_182 : i32 to vector<16xi32>
    %add3A_184 = arith.addi %mul3A_180, %add3A_183 : vector<16xi32>
    %gather3A_185 = tpu.vector_load_idx %arg14[%add3A_184] : memref<512xi32, #tpu.memory_space<vmem>>[vector<16xi32>], vector<16xi32>,
    %add3A_186 = arith.constant 2 : i32
    %add3A_187 = vector.broadcast %add3A_186 : i32 to vector<16xi32>
    %add3A_188 = arith.addi %mul3A_180, %add3A_187 : vector<16xi32>
    %gather3A_189 = tpu.vector_load_idx %arg14[%add3A_188] : memref<512xi32, #tpu.memory_space<vmem>>[vector<16xi32>], vector<16xi32>,
    %add3A_190 = arith.constant 3 : i32
    %add3A_191 = vector.broadcast %add3A_190 : i32 to vector<16xi32>
    %add3A_192 = arith.addi %mul3A_180, %add3A_191 : vector<16xi32>
    %gather3A_193 = tpu.vector_load_idx %arg14[%add3A_192] : memref<512xi32, #tpu.memory_space<vmem>>[vector<16xi32>], vector<16xi32>,
    %swap3A_194 = arith.constant 32 : index
    %swap3A_195 = tpu.vector_load %arg20[%swap3A_194] {strides = array<i32>} : memref<128xi32, #tpu.memory_space<vmem>>, vector<16xi32>,
    tpu.vector_store %arg20[%swap3A_194], %gather3A_181 {strides = array<i32>} : memref<128xi32, #tpu.memory_space<vmem>>, vector<16xi32>,
    %swap3A_196 = arith.constant 32 : index
    %swap3A_197 = tpu.vector_load %arg22[%swap3A_196] {strides = array<i32>} : memref<128xi32, #tpu.memory_space<vmem>>, vector<16xi32>,
    tpu.vector_store %arg22[%swap3A_196], %gather3A_185 {strides = array<i32>} : memref<128xi32, #tpu.memory_space<vmem>>, vector<16xi32>,
    %swap3A_198 = arith.constant 32 : index
    %swap3A_199 = tpu.vector_load %arg24[%swap3A_198] {strides = array<i32>} : memref<128xi32, #tpu.memory_space<vmem>>, vector<16xi32>,
    tpu.vector_store %arg24[%swap3A_198], %gather3A_189 {strides = array<i32>} : memref<128xi32, #tpu.memory_space<vmem>>, vector<16xi32>,
    %swap3A_200 = arith.constant 32 : index
    %swap3A_201 = tpu.vector_load %arg26[%swap3A_200] {strides = array<i32>} : memref<128xi32, #tpu.memory_space<vmem>>, vector<16xi32>,
    tpu.vector_store %arg26[%swap3A_200], %gather3A_193 {strides = array<i32>} : memref<128xi32, #tpu.memory_space<vmem>>, vector<16xi32>,
    %sub3A_202 = arith.subi %gather3A_193, %gather3A_185 : vector<16xi32>
    %swap3A_203 = arith.constant 32 : index
    %swap3A_204 = tpu.vector_load %arg28[%swap3A_203] {strides = array<i32>} : memref<128xi32, #tpu.memory_space<vmem>>, vector<16xi32>,
    tpu.vector_store %arg28[%swap3A_203], %sub3A_202 {strides = array<i32>} : memref<128xi32, #tpu.memory_space<vmem>>, vector<16xi32>,
    %sub3A_205 = arith.subi %gather3A_189, %gather3A_181 : vector<16xi32>
    %swap3A_206 = arith.constant 32 : index
    %swap3A_207 = tpu.vector_load %arg30[%swap3A_206] {strides = array<i32>} : memref<128xi32, #tpu.memory_space<vmem>>, vector<16xi32>,
    tpu.vector_store %arg30[%swap3A_206], %sub3A_205 {strides = array<i32>} : memref<128xi32, #tpu.memory_space<vmem>>, vector<16xi32>,
    %add3A_208 = arith.constant 48 : i32
    %add3A_209 = vector.broadcast %add3A_208 : i32 to vector<16xi32>
    %add3A_210 = arith.addi %iota3A, %add3A_209 : vector<16xi32>
    %mul3A_211 = arith.constant 4 : i32
    %mul3A_212 = vector.broadcast %mul3A_211 : i32 to vector<16xi32>
    %mul3A_213 = arith.muli %add3A_210, %mul3A_212 : vector<16xi32>
    %gather3A_214 = tpu.vector_load_idx %arg14[%mul3A_213] : memref<512xi32, #tpu.memory_space<vmem>>[vector<16xi32>], vector<16xi32>,
    %add3A_215 = arith.constant 1 : i32
    %add3A_216 = vector.broadcast %add3A_215 : i32 to vector<16xi32>
    %add3A_217 = arith.addi %mul3A_213, %add3A_216 : vector<16xi32>
    %gather3A_218 = tpu.vector_load_idx %arg14[%add3A_217] : memref<512xi32, #tpu.memory_space<vmem>>[vector<16xi32>], vector<16xi32>,
    %add3A_219 = arith.constant 2 : i32
    %add3A_220 = vector.broadcast %add3A_219 : i32 to vector<16xi32>
    %add3A_221 = arith.addi %mul3A_213, %add3A_220 : vector<16xi32>
    %gather3A_222 = tpu.vector_load_idx %arg14[%add3A_221] : memref<512xi32, #tpu.memory_space<vmem>>[vector<16xi32>], vector<16xi32>,
    %add3A_223 = arith.constant 3 : i32
    %add3A_224 = vector.broadcast %add3A_223 : i32 to vector<16xi32>
    %add3A_225 = arith.addi %mul3A_213, %add3A_224 : vector<16xi32>
    %gather3A_226 = tpu.vector_load_idx %arg14[%add3A_225] : memref<512xi32, #tpu.memory_space<vmem>>[vector<16xi32>], vector<16xi32>,
    %swap3A_227 = arith.constant 48 : index
    %swap3A_228 = tpu.vector_load %arg20[%swap3A_227] {strides = array<i32>} : memref<128xi32, #tpu.memory_space<vmem>>, vector<16xi32>,
    tpu.vector_store %arg20[%swap3A_227], %gather3A_214 {strides = array<i32>} : memref<128xi32, #tpu.memory_space<vmem>>, vector<16xi32>,
    %swap3A_229 = arith.constant 48 : index
    %swap3A_230 = tpu.vector_load %arg22[%swap3A_229] {strides = array<i32>} : memref<128xi32, #tpu.memory_space<vmem>>, vector<16xi32>,
    tpu.vector_store %arg22[%swap3A_229], %gather3A_218 {strides = array<i32>} : memref<128xi32, #tpu.memory_space<vmem>>, vector<16xi32>,
    %swap3A_231 = arith.constant 48 : index
    %swap3A_232 = tpu.vector_load %arg24[%swap3A_231] {strides = array<i32>} : memref<128xi32, #tpu.memory_space<vmem>>, vector<16xi32>,
    tpu.vector_store %arg24[%swap3A_231], %gather3A_222 {strides = array<i32>} : memref<128xi32, #tpu.memory_space<vmem>>, vector<16xi32>,
    %swap3A_233 = arith.constant 48 : index
    %swap3A_234 = tpu.vector_load %arg26[%swap3A_233] {strides = array<i32>} : memref<128xi32, #tpu.memory_space<vmem>>, vector<16xi32>,
    tpu.vector_store %arg26[%swap3A_233], %gather3A_226 {strides = array<i32>} : memref<128xi32, #tpu.memory_space<vmem>>, vector<16xi32>,
    %sub3A_235 = arith.subi %gather3A_226, %gather3A_218 : vector<16xi32>
    %swap3A_236 = arith.constant 48 : index
    %swap3A_237 = tpu.vector_load %arg28[%swap3A_236] {strides = array<i32>} : memref<128xi32, #tpu.memory_space<vmem>>, vector<16xi32>,
    tpu.vector_store %arg28[%swap3A_236], %sub3A_235 {strides = array<i32>} : memref<128xi32, #tpu.memory_space<vmem>>, vector<16xi32>,
    %sub3A_238 = arith.subi %gather3A_222, %gather3A_214 : vector<16xi32>
    %swap3A_239 = arith.constant 48 : index
    %swap3A_240 = tpu.vector_load %arg30[%swap3A_239] {strides = array<i32>} : memref<128xi32, #tpu.memory_space<vmem>>, vector<16xi32>,
    tpu.vector_store %arg30[%swap3A_239], %sub3A_238 {strides = array<i32>} : memref<128xi32, #tpu.memory_space<vmem>>, vector<16xi32>,
    %add3A_241 = arith.constant 64 : i32
    %add3A_242 = vector.broadcast %add3A_241 : i32 to vector<16xi32>
    %add3A_243 = arith.addi %iota3A, %add3A_242 : vector<16xi32>
    %mul3A_244 = arith.constant 4 : i32
    %mul3A_245 = vector.broadcast %mul3A_244 : i32 to vector<16xi32>
    %mul3A_246 = arith.muli %add3A_243, %mul3A_245 : vector<16xi32>
    %gather3A_247 = tpu.vector_load_idx %arg14[%mul3A_246] : memref<512xi32, #tpu.memory_space<vmem>>[vector<16xi32>], vector<16xi32>,
    %add3A_248 = arith.constant 1 : i32
    %add3A_249 = vector.broadcast %add3A_248 : i32 to vector<16xi32>
    %add3A_250 = arith.addi %mul3A_246, %add3A_249 : vector<16xi32>
    %gather3A_251 = tpu.vector_load_idx %arg14[%add3A_250] : memref<512xi32, #tpu.memory_space<vmem>>[vector<16xi32>], vector<16xi32>,
    %add3A_252 = arith.constant 2 : i32
    %add3A_253 = vector.broadcast %add3A_252 : i32 to vector<16xi32>
    %add3A_254 = arith.addi %mul3A_246, %add3A_253 : vector<16xi32>
    %gather3A_255 = tpu.vector_load_idx %arg14[%add3A_254] : memref<512xi32, #tpu.memory_space<vmem>>[vector<16xi32>], vector<16xi32>,
    %add3A_256 = arith.constant 3 : i32
    %add3A_257 = vector.broadcast %add3A_256 : i32 to vector<16xi32>
    %add3A_258 = arith.addi %mul3A_246, %add3A_257 : vector<16xi32>
    %gather3A_259 = tpu.vector_load_idx %arg14[%add3A_258] : memref<512xi32, #tpu.memory_space<vmem>>[vector<16xi32>], vector<16xi32>,
    %swap3A_260 = arith.constant 64 : index
    %swap3A_261 = tpu.vector_load %arg20[%swap3A_260] {strides = array<i32>} : memref<128xi32, #tpu.memory_space<vmem>>, vector<16xi32>,
    tpu.vector_store %arg20[%swap3A_260], %gather3A_247 {strides = array<i32>} : memref<128xi32, #tpu.memory_space<vmem>>, vector<16xi32>,
    %swap3A_262 = arith.constant 64 : index
    %swap3A_263 = tpu.vector_load %arg22[%swap3A_262] {strides = array<i32>} : memref<128xi32, #tpu.memory_space<vmem>>, vector<16xi32>,
    tpu.vector_store %arg22[%swap3A_262], %gather3A_251 {strides = array<i32>} : memref<128xi32, #tpu.memory_space<vmem>>, vector<16xi32>,
    %swap3A_264 = arith.constant 64 : index
    %swap3A_265 = tpu.vector_load %arg24[%swap3A_264] {strides = array<i32>} : memref<128xi32, #tpu.memory_space<vmem>>, vector<16xi32>,
    tpu.vector_store %arg24[%swap3A_264], %gather3A_255 {strides = array<i32>} : memref<128xi32, #tpu.memory_space<vmem>>, vector<16xi32>,
    %swap3A_266 = arith.constant 64 : index
    %swap3A_267 = tpu.vector_load %arg26[%swap3A_266] {strides = array<i32>} : memref<128xi32, #tpu.memory_space<vmem>>, vector<16xi32>,
    tpu.vector_store %arg26[%swap3A_266], %gather3A_259 {strides = array<i32>} : memref<128xi32, #tpu.memory_space<vmem>>, vector<16xi32>,
    %sub3A_268 = arith.subi %gather3A_259, %gather3A_251 : vector<16xi32>
    %swap3A_269 = arith.constant 64 : index
    %swap3A_270 = tpu.vector_load %arg28[%swap3A_269] {strides = array<i32>} : memref<128xi32, #tpu.memory_space<vmem>>, vector<16xi32>,
    tpu.vector_store %arg28[%swap3A_269], %sub3A_268 {strides = array<i32>} : memref<128xi32, #tpu.memory_space<vmem>>, vector<16xi32>,
    %sub3A_271 = arith.subi %gather3A_255, %gather3A_247 : vector<16xi32>
    %swap3A_272 = arith.constant 64 : index
    %swap3A_273 = tpu.vector_load %arg30[%swap3A_272] {strides = array<i32>} : memref<128xi32, #tpu.memory_space<vmem>>, vector<16xi32>,
    tpu.vector_store %arg30[%swap3A_272], %sub3A_271 {strides = array<i32>} : memref<128xi32, #tpu.memory_space<vmem>>, vector<16xi32>,
    %add3A_274 = arith.constant 80 : i32
    %add3A_275 = vector.broadcast %add3A_274 : i32 to vector<16xi32>
    %add3A_276 = arith.addi %iota3A, %add3A_275 : vector<16xi32>
    %mul3A_277 = arith.constant 4 : i32
    %mul3A_278 = vector.broadcast %mul3A_277 : i32 to vector<16xi32>
    %mul3A_279 = arith.muli %add3A_276, %mul3A_278 : vector<16xi32>
    %gather3A_280 = tpu.vector_load_idx %arg14[%mul3A_279] : memref<512xi32, #tpu.memory_space<vmem>>[vector<16xi32>], vector<16xi32>,
    %add3A_281 = arith.constant 1 : i32
    %add3A_282 = vector.broadcast %add3A_281 : i32 to vector<16xi32>
    %add3A_283 = arith.addi %mul3A_279, %add3A_282 : vector<16xi32>
    %gather3A_284 = tpu.vector_load_idx %arg14[%add3A_283] : memref<512xi32, #tpu.memory_space<vmem>>[vector<16xi32>], vector<16xi32>,
    %add3A_285 = arith.constant 2 : i32
    %add3A_286 = vector.broadcast %add3A_285 : i32 to vector<16xi32>
    %add3A_287 = arith.addi %mul3A_279, %add3A_286 : vector<16xi32>
    %gather3A_288 = tpu.vector_load_idx %arg14[%add3A_287] : memref<512xi32, #tpu.memory_space<vmem>>[vector<16xi32>], vector<16xi32>,
    %add3A_289 = arith.constant 3 : i32
    %add3A_290 = vector.broadcast %add3A_289 : i32 to vector<16xi32>
    %add3A_291 = arith.addi %mul3A_279, %add3A_290 : vector<16xi32>
    %gather3A_292 = tpu.vector_load_idx %arg14[%add3A_291] : memref<512xi32, #tpu.memory_space<vmem>>[vector<16xi32>], vector<16xi32>,
    %swap3A_293 = arith.constant 80 : index
    %swap3A_294 = tpu.vector_load %arg20[%swap3A_293] {strides = array<i32>} : memref<128xi32, #tpu.memory_space<vmem>>, vector<16xi32>,
    tpu.vector_store %arg20[%swap3A_293], %gather3A_280 {strides = array<i32>} : memref<128xi32, #tpu.memory_space<vmem>>, vector<16xi32>,
    %swap3A_295 = arith.constant 80 : index
    %swap3A_296 = tpu.vector_load %arg22[%swap3A_295] {strides = array<i32>} : memref<128xi32, #tpu.memory_space<vmem>>, vector<16xi32>,
    tpu.vector_store %arg22[%swap3A_295], %gather3A_284 {strides = array<i32>} : memref<128xi32, #tpu.memory_space<vmem>>, vector<16xi32>,
    %swap3A_297 = arith.constant 80 : index
    %swap3A_298 = tpu.vector_load %arg24[%swap3A_297] {strides = array<i32>} : memref<128xi32, #tpu.memory_space<vmem>>, vector<16xi32>,
    tpu.vector_store %arg24[%swap3A_297], %gather3A_288 {strides = array<i32>} : memref<128xi32, #tpu.memory_space<vmem>>, vector<16xi32>,
    %swap3A_299 = arith.constant 80 : index
    %swap3A_300 = tpu.vector_load %arg26[%swap3A_299] {strides = array<i32>} : memref<128xi32, #tpu.memory_space<vmem>>, vector<16xi32>,
    tpu.vector_store %arg26[%swap3A_299], %gather3A_292 {strides = array<i32>} : memref<128xi32, #tpu.memory_space<vmem>>, vector<16xi32>,
    %sub3A_301 = arith.subi %gather3A_292, %gather3A_284 : vector<16xi32>
    %swap3A_302 = arith.constant 80 : index
    %swap3A_303 = tpu.vector_load %arg28[%swap3A_302] {strides = array<i32>} : memref<128xi32, #tpu.memory_space<vmem>>, vector<16xi32>,
    tpu.vector_store %arg28[%swap3A_302], %sub3A_301 {strides = array<i32>} : memref<128xi32, #tpu.memory_space<vmem>>, vector<16xi32>,
    %sub3A_304 = arith.subi %gather3A_288, %gather3A_280 : vector<16xi32>
    %swap3A_305 = arith.constant 80 : index
    %swap3A_306 = tpu.vector_load %arg30[%swap3A_305] {strides = array<i32>} : memref<128xi32, #tpu.memory_space<vmem>>, vector<16xi32>,
    tpu.vector_store %arg30[%swap3A_305], %sub3A_304 {strides = array<i32>} : memref<128xi32, #tpu.memory_space<vmem>>, vector<16xi32>,
    %add3A_307 = arith.constant 96 : i32
    %add3A_308 = vector.broadcast %add3A_307 : i32 to vector<16xi32>
    %add3A_309 = arith.addi %iota3A, %add3A_308 : vector<16xi32>
    %mul3A_310 = arith.constant 4 : i32
    %mul3A_311 = vector.broadcast %mul3A_310 : i32 to vector<16xi32>
    %mul3A_312 = arith.muli %add3A_309, %mul3A_311 : vector<16xi32>
    %gather3A_313 = tpu.vector_load_idx %arg14[%mul3A_312] : memref<512xi32, #tpu.memory_space<vmem>>[vector<16xi32>], vector<16xi32>,
    %add3A_314 = arith.constant 1 : i32
    %add3A_315 = vector.broadcast %add3A_314 : i32 to vector<16xi32>
    %add3A_316 = arith.addi %mul3A_312, %add3A_315 : vector<16xi32>
    %gather3A_317 = tpu.vector_load_idx %arg14[%add3A_316] : memref<512xi32, #tpu.memory_space<vmem>>[vector<16xi32>], vector<16xi32>,
    %add3A_318 = arith.constant 2 : i32
    %add3A_319 = vector.broadcast %add3A_318 : i32 to vector<16xi32>
    %add3A_320 = arith.addi %mul3A_312, %add3A_319 : vector<16xi32>
    %gather3A_321 = tpu.vector_load_idx %arg14[%add3A_320] : memref<512xi32, #tpu.memory_space<vmem>>[vector<16xi32>], vector<16xi32>,
    %add3A_322 = arith.constant 3 : i32
    %add3A_323 = vector.broadcast %add3A_322 : i32 to vector<16xi32>
    %add3A_324 = arith.addi %mul3A_312, %add3A_323 : vector<16xi32>
    %gather3A_325 = tpu.vector_load_idx %arg14[%add3A_324] : memref<512xi32, #tpu.memory_space<vmem>>[vector<16xi32>], vector<16xi32>,
    %swap3A_326 = arith.constant 96 : index
    %swap3A_327 = tpu.vector_load %arg20[%swap3A_326] {strides = array<i32>} : memref<128xi32, #tpu.memory_space<vmem>>, vector<16xi32>,
    tpu.vector_store %arg20[%swap3A_326], %gather3A_313 {strides = array<i32>} : memref<128xi32, #tpu.memory_space<vmem>>, vector<16xi32>,
    %swap3A_328 = arith.constant 96 : index
    %swap3A_329 = tpu.vector_load %arg22[%swap3A_328] {strides = array<i32>} : memref<128xi32, #tpu.memory_space<vmem>>, vector<16xi32>,
    tpu.vector_store %arg22[%swap3A_328], %gather3A_317 {strides = array<i32>} : memref<128xi32, #tpu.memory_space<vmem>>, vector<16xi32>,
    %swap3A_330 = arith.constant 96 : index
    %swap3A_331 = tpu.vector_load %arg24[%swap3A_330] {strides = array<i32>} : memref<128xi32, #tpu.memory_space<vmem>>, vector<16xi32>,
    tpu.vector_store %arg24[%swap3A_330], %gather3A_321 {strides = array<i32>} : memref<128xi32, #tpu.memory_space<vmem>>, vector<16xi32>,
    %swap3A_332 = arith.constant 96 : index
    %swap3A_333 = tpu.vector_load %arg26[%swap3A_332] {strides = array<i32>} : memref<128xi32, #tpu.memory_space<vmem>>, vector<16xi32>,
    tpu.vector_store %arg26[%swap3A_332], %gather3A_325 {strides = array<i32>} : memref<128xi32, #tpu.memory_space<vmem>>, vector<16xi32>,
    %sub3A_334 = arith.subi %gather3A_325, %gather3A_317 : vector<16xi32>
    %swap3A_335 = arith.constant 96 : index
    %swap3A_336 = tpu.vector_load %arg28[%swap3A_335] {strides = array<i32>} : memref<128xi32, #tpu.memory_space<vmem>>, vector<16xi32>,
    tpu.vector_store %arg28[%swap3A_335], %sub3A_334 {strides = array<i32>} : memref<128xi32, #tpu.memory_space<vmem>>, vector<16xi32>,
    %sub3A_337 = arith.subi %gather3A_321, %gather3A_313 : vector<16xi32>
    %swap3A_338 = arith.constant 96 : index
    %swap3A_339 = tpu.vector_load %arg30[%swap3A_338] {strides = array<i32>} : memref<128xi32, #tpu.memory_space<vmem>>, vector<16xi32>,
    tpu.vector_store %arg30[%swap3A_338], %sub3A_337 {strides = array<i32>} : memref<128xi32, #tpu.memory_space<vmem>>, vector<16xi32>,
    %add3A_340 = arith.constant 112 : i32
    %add3A_341 = vector.broadcast %add3A_340 : i32 to vector<16xi32>
    %add3A_342 = arith.addi %iota3A, %add3A_341 : vector<16xi32>
    %mul3A_343 = arith.constant 4 : i32
    %mul3A_344 = vector.broadcast %mul3A_343 : i32 to vector<16xi32>
    %mul3A_345 = arith.muli %add3A_342, %mul3A_344 : vector<16xi32>
    %gather3A_346 = tpu.vector_load_idx %arg14[%mul3A_345] : memref<512xi32, #tpu.memory_space<vmem>>[vector<16xi32>], vector<16xi32>,
    %add3A_347 = arith.constant 1 : i32
    %add3A_348 = vector.broadcast %add3A_347 : i32 to vector<16xi32>
    %add3A_349 = arith.addi %mul3A_345, %add3A_348 : vector<16xi32>
    %gather3A_350 = tpu.vector_load_idx %arg14[%add3A_349] : memref<512xi32, #tpu.memory_space<vmem>>[vector<16xi32>], vector<16xi32>,
    %add3A_351 = arith.constant 2 : i32
    %add3A_352 = vector.broadcast %add3A_351 : i32 to vector<16xi32>
    %add3A_353 = arith.addi %mul3A_345, %add3A_352 : vector<16xi32>
    %gather3A_354 = tpu.vector_load_idx %arg14[%add3A_353] : memref<512xi32, #tpu.memory_space<vmem>>[vector<16xi32>], vector<16xi32>,
    %add3A_355 = arith.constant 3 : i32
    %add3A_356 = vector.broadcast %add3A_355 : i32 to vector<16xi32>
    %add3A_357 = arith.addi %mul3A_345, %add3A_356 : vector<16xi32>
    %gather3A_358 = tpu.vector_load_idx %arg14[%add3A_357] : memref<512xi32, #tpu.memory_space<vmem>>[vector<16xi32>], vector<16xi32>,
    %swap3A_359 = arith.constant 112 : index
    %swap3A_360 = tpu.vector_load %arg20[%swap3A_359] {strides = array<i32>} : memref<128xi32, #tpu.memory_space<vmem>>, vector<16xi32>,
    tpu.vector_store %arg20[%swap3A_359], %gather3A_346 {strides = array<i32>} : memref<128xi32, #tpu.memory_space<vmem>>, vector<16xi32>,
    %swap3A_361 = arith.constant 112 : index
    %swap3A_362 = tpu.vector_load %arg22[%swap3A_361] {strides = array<i32>} : memref<128xi32, #tpu.memory_space<vmem>>, vector<16xi32>,
    tpu.vector_store %arg22[%swap3A_361], %gather3A_350 {strides = array<i32>} : memref<128xi32, #tpu.memory_space<vmem>>, vector<16xi32>,
    %swap3A_363 = arith.constant 112 : index
    %swap3A_364 = tpu.vector_load %arg24[%swap3A_363] {strides = array<i32>} : memref<128xi32, #tpu.memory_space<vmem>>, vector<16xi32>,
    tpu.vector_store %arg24[%swap3A_363], %gather3A_354 {strides = array<i32>} : memref<128xi32, #tpu.memory_space<vmem>>, vector<16xi32>,
    %swap3A_365 = arith.constant 112 : index
    %swap3A_366 = tpu.vector_load %arg26[%swap3A_365] {strides = array<i32>} : memref<128xi32, #tpu.memory_space<vmem>>, vector<16xi32>,
    tpu.vector_store %arg26[%swap3A_365], %gather3A_358 {strides = array<i32>} : memref<128xi32, #tpu.memory_space<vmem>>, vector<16xi32>,
    %sub3A_367 = arith.subi %gather3A_358, %gather3A_350 : vector<16xi32>
    %swap3A_368 = arith.constant 112 : index
    %swap3A_369 = tpu.vector_load %arg28[%swap3A_368] {strides = array<i32>} : memref<128xi32, #tpu.memory_space<vmem>>, vector<16xi32>,
    tpu.vector_store %arg28[%swap3A_368], %sub3A_367 {strides = array<i32>} : memref<128xi32, #tpu.memory_space<vmem>>, vector<16xi32>,
    %sub3A_370 = arith.subi %gather3A_354, %gather3A_346 : vector<16xi32>
    %swap3A_371 = arith.constant 112 : index
    %swap3A_372 = tpu.vector_load %arg30[%swap3A_371] {strides = array<i32>} : memref<128xi32, #tpu.memory_space<vmem>>, vector<16xi32>,
    tpu.vector_store %arg30[%swap3A_371], %sub3A_370 {strides = array<i32>} : memref<128xi32, #tpu.memory_space<vmem>>, vector<16xi32>,
    %sub3A_373 = arith.subi %mul3A_2, %mul3A_2 : i32
    %ge3A = arith.constant 256 : i32
    %ge3A_374 = arith.cmpi sge, %sub3A_373, %ge3A : i32
    %convert_element_type3A = arith.extui %ge3A_374 : i1 to i32
    %cond3A = arith.constant 0 : i32
    %cond3A_375 = arith.cmpi ne, %convert_element_type3A, %cond3A : i32
    scf.if %cond3A_375 {
      %dma_wait3A_428 = arith.constant 0 : i32
      %dma_wait3A_429 = tpu.memref_slice %arg13[%mul3A_2, %dma_wait3A_428] : memref<204800x128xf32, #tpu.memory_space<hbm>> -> memref<128x128xf32, #tpu.memory_space<hbm>>
      %dma_wait3A_430 = arith.constant 0 : i32
      %dma_wait3A_431 = tpu.memref_slice %arg13[%mul3A_2, %dma_wait3A_430] : memref<204800x128xf32, #tpu.memory_space<hbm>> -> memref<128x128xf32, #tpu.memory_space<hbm>>
      tpu.wait_dma2 semaphore(%arg41 : memref<!tpu.dma_semaphore, #tpu.memory_space<semaphore_mem>>) src(%arg32 : memref<128x128xf32, #tpu.memory_space<vmem>>) dst(%dma_wait3A_431 : memref<128x128xf32, #tpu.memory_space<hbm>>)
    } else {
    }
    %scan3A = arith.constant 0 : i32
    %scan3A_376 = arith.constant 0 : i32
    %scan3A_377 = arith.constant 128 : i32
    %scan3A_378 = arith.addi %scan3A_376, %scan3A_377 : i32
    %scan3A_379 = arith.constant 1 : i32
    %scan3A_380 = scf.for %scan3A_428 = %scan3A_376 to %scan3A_378 step %scan3A_379 iter_args(%scan3A_429 = %scan3A) -> (i32)  : i32 {
      %broadcast_in_dim3A = arith.constant 0 : i32
      %broadcast_in_dim3A_430 = vector.broadcast %broadcast_in_dim3A : i32 to vector<16xi32>
      %add3A_431 = vector.broadcast %scan3A_428 : i32 to vector<16xi32>
      %add3A_432 = arith.addi %broadcast_in_dim3A_430, %add3A_431 : vector<16xi32>
      %gather3A_433 = tpu.vector_load_idx %arg18[%add3A_432] : memref<128xi32, #tpu.memory_space<vmem>>[vector<16xi32>], vector<16xi32>,
      %gt3A = arith.constant 0 : i32
      %gt3A_434 = vector.broadcast %gt3A : i32 to vector<16xi32>
      %gt3A_435 = arith.cmpi sgt, %gather3A_433, %gt3A_434 : vector<16xi32>
      %select_n3A = arith.select %gt3A_435, %get3A_69, %get3A_37 : vector<16xi1>, vector<16xf32>
      %swap3A_436 = arith.index_cast %scan3A_428 : i32 to index
      %swap3A_437 = arith.constant 0 : index
      %swap3A_438 = tpu.vector_load %arg32[%swap3A_436, %swap3A_437] {strides = array<i32>} : memref<128x128xf32, #tpu.memory_space<vmem>>, vector<16xf32>,
      tpu.vector_store %arg32[%swap3A_436, %swap3A_437], %select_n3A {strides = array<i32>} : memref<128x128xf32, #tpu.memory_space<vmem>>, vector<16xf32>,
      %select_n3A_439 = arith.select %gt3A_435, %get3A_73, %get3A_41 : vector<16xi1>, vector<16xf32>
      %swap3A_440 = arith.index_cast %scan3A_428 : i32 to index
      %swap3A_441 = arith.constant 16 : index
      %swap3A_442 = tpu.vector_load %arg32[%swap3A_440, %swap3A_441] {strides = array<i32>} : memref<128x128xf32, #tpu.memory_space<vmem>>, vector<16xf32>,
      tpu.vector_store %arg32[%swap3A_440, %swap3A_441], %select_n3A_439 {strides = array<i32>} : memref<128x128xf32, #tpu.memory_space<vmem>>, vector<16xf32>,
      %select_n3A_443 = arith.select %gt3A_435, %get3A_77, %get3A_45 : vector<16xi1>, vector<16xf32>
      %swap3A_444 = arith.index_cast %scan3A_428 : i32 to index
      %swap3A_445 = arith.constant 32 : index
      %swap3A_446 = tpu.vector_load %arg32[%swap3A_444, %swap3A_445] {strides = array<i32>} : memref<128x128xf32, #tpu.memory_space<vmem>>, vector<16xf32>,
      tpu.vector_store %arg32[%swap3A_444, %swap3A_445], %select_n3A_443 {strides = array<i32>} : memref<128x128xf32, #tpu.memory_space<vmem>>, vector<16xf32>,
      %select_n3A_447 = arith.select %gt3A_435, %get3A_81, %get3A_49 : vector<16xi1>, vector<16xf32>
      %swap3A_448 = arith.index_cast %scan3A_428 : i32 to index
      %swap3A_449 = arith.constant 48 : index
      %swap3A_450 = tpu.vector_load %arg32[%swap3A_448, %swap3A_449] {strides = array<i32>} : memref<128x128xf32, #tpu.memory_space<vmem>>, vector<16xf32>,
      tpu.vector_store %arg32[%swap3A_448, %swap3A_449], %select_n3A_447 {strides = array<i32>} : memref<128x128xf32, #tpu.memory_space<vmem>>, vector<16xf32>,
      %select_n3A_451 = arith.select %gt3A_435, %get3A_85, %get3A_53 : vector<16xi1>, vector<16xf32>
      %swap3A_452 = arith.index_cast %scan3A_428 : i32 to index
      %swap3A_453 = arith.constant 64 : index
      %swap3A_454 = tpu.vector_load %arg32[%swap3A_452, %swap3A_453] {strides = array<i32>} : memref<128x128xf32, #tpu.memory_space<vmem>>, vector<16xf32>,
      tpu.vector_store %arg32[%swap3A_452, %swap3A_453], %select_n3A_451 {strides = array<i32>} : memref<128x128xf32, #tpu.memory_space<vmem>>, vector<16xf32>,
      %select_n3A_455 = arith.select %gt3A_435, %get3A_89, %get3A_57 : vector<16xi1>, vector<16xf32>
      %swap3A_456 = arith.index_cast %scan3A_428 : i32 to index
      %swap3A_457 = arith.constant 80 : index
      %swap3A_458 = tpu.vector_load %arg32[%swap3A_456, %swap3A_457] {strides = array<i32>} : memref<128x128xf32, #tpu.memory_space<vmem>>, vector<16xf32>,
      tpu.vector_store %arg32[%swap3A_456, %swap3A_457], %select_n3A_455 {strides = array<i32>} : memref<128x128xf32, #tpu.memory_space<vmem>>, vector<16xf32>,
      %select_n3A_459 = arith.select %gt3A_435, %get3A_93, %get3A_61 : vector<16xi1>, vector<16xf32>
      %swap3A_460 = arith.index_cast %scan3A_428 : i32 to index
      %swap3A_461 = arith.constant 96 : index
      %swap3A_462 = tpu.vector_load %arg32[%swap3A_460, %swap3A_461] {strides = array<i32>} : memref<128x128xf32, #tpu.memory_space<vmem>>, vector<16xf32>,
      tpu.vector_store %arg32[%swap3A_460, %swap3A_461], %select_n3A_459 {strides = array<i32>} : memref<128x128xf32, #tpu.memory_space<vmem>>, vector<16xf32>,
      %select_n3A_463 = arith.select %gt3A_435, %get3A_97, %get3A_65 : vector<16xi1>, vector<16xf32>
      %swap3A_464 = arith.index_cast %scan3A_428 : i32 to index
      %swap3A_465 = arith.constant 112 : index
      %swap3A_466 = tpu.vector_load %arg32[%swap3A_464, %swap3A_465] {strides = array<i32>} : memref<128x128xf32, #tpu.memory_space<vmem>>, vector<16xf32>,
      tpu.vector_store %arg32[%swap3A_464, %swap3A_465], %select_n3A_463 {strides = array<i32>} : memref<128x128xf32, #tpu.memory_space<vmem>>, vector<16xf32>,
      %scan3A_467 = arith.constant 0 : i32
      scf.yield %scan3A_467 : i32
    }
    %scan3A_381 = arith.constant 128 : i32
    %dma_start3A_382 = arith.constant 0 : i32
    %dma_start3A_383 = arith.constant 0 : i32
    %dma_start3A_384 = tpu.memref_slice %arg5[%dma_start3A_382, %dma_start3A_383] : memref<100000x128xf32, #tpu.memory_space<hbm>> -> memref<100000x128xf32, #tpu.memory_space<hbm>>
    tpu.enqueue_indirect_dma source(%dma_start3A_384 : memref<100000x128xf32, #tpu.memory_space<hbm>>) target(%arg32 : memref<128x128xf32, #tpu.memory_space<vmem>>) offsets(%arg16 : memref<128xi32, #tpu.memory_space<vmem>>) semaphore(%arg37 : memref<!tpu.dma_semaphore, #tpu.memory_space<semaphore_mem>>) {add = true}
    %dma_start3A_385 = arith.constant 0 : i32
    %dma_start3A_386 = arith.constant 0 : i32
    %dma_start3A_387 = tpu.memref_slice %arg6[%dma_start3A_385, %dma_start3A_386] : memref<1024x128xf32, #tpu.memory_space<hbm>> -> memref<1024x128xf32, #tpu.memory_space<hbm>>
    tpu.enqueue_indirect_dma source(%dma_start3A_387 : memref<1024x128xf32, #tpu.memory_space<hbm>>) target(%arg32 : memref<128x128xf32, #tpu.memory_space<vmem>>) offsets(%arg20 : memref<128xi32, #tpu.memory_space<vmem>>) semaphore(%arg37 : memref<!tpu.dma_semaphore, #tpu.memory_space<semaphore_mem>>) {add = true}
    %dma_start3A_388 = arith.constant 0 : i32
    %dma_start3A_389 = arith.constant 0 : i32
    %dma_start3A_390 = tpu.memref_slice %arg7[%dma_start3A_388, %dma_start3A_389] : memref<1024x128xf32, #tpu.memory_space<hbm>> -> memref<1024x128xf32, #tpu.memory_space<hbm>>
    tpu.enqueue_indirect_dma source(%dma_start3A_390 : memref<1024x128xf32, #tpu.memory_space<hbm>>) target(%arg32 : memref<128x128xf32, #tpu.memory_space<vmem>>) offsets(%arg22 : memref<128xi32, #tpu.memory_space<vmem>>) semaphore(%arg37 : memref<!tpu.dma_semaphore, #tpu.memory_space<semaphore_mem>>) {add = true}
    %dma_start3A_391 = arith.constant 0 : i32
    %dma_start3A_392 = arith.constant 0 : i32
    %dma_start3A_393 = tpu.memref_slice %arg6[%dma_start3A_391, %dma_start3A_392] : memref<1024x128xf32, #tpu.memory_space<hbm>> -> memref<1024x128xf32, #tpu.memory_space<hbm>>
    tpu.enqueue_indirect_dma source(%dma_start3A_393 : memref<1024x128xf32, #tpu.memory_space<hbm>>) target(%arg32 : memref<128x128xf32, #tpu.memory_space<vmem>>) offsets(%arg24 : memref<128xi32, #tpu.memory_space<vmem>>) semaphore(%arg37 : memref<!tpu.dma_semaphore, #tpu.memory_space<semaphore_mem>>) {add = true}
    %dma_start3A_394 = arith.constant 0 : i32
    %dma_start3A_395 = arith.constant 0 : i32
    %dma_start3A_396 = tpu.memref_slice %arg7[%dma_start3A_394, %dma_start3A_395] : memref<1024x128xf32, #tpu.memory_space<hbm>> -> memref<1024x128xf32, #tpu.memory_space<hbm>>
    tpu.enqueue_indirect_dma source(%dma_start3A_396 : memref<1024x128xf32, #tpu.memory_space<hbm>>) target(%arg32 : memref<128x128xf32, #tpu.memory_space<vmem>>) offsets(%arg26 : memref<128xi32, #tpu.memory_space<vmem>>) semaphore(%arg37 : memref<!tpu.dma_semaphore, #tpu.memory_space<semaphore_mem>>) {add = true}
    %dma_start3A_397 = arith.constant 0 : i32
    %dma_start3A_398 = arith.constant 0 : i32
    %dma_start3A_399 = tpu.memref_slice %arg8[%dma_start3A_397, %dma_start3A_398] : memref<1024x128xf32, #tpu.memory_space<hbm>> -> memref<1024x128xf32, #tpu.memory_space<hbm>>
    tpu.enqueue_indirect_dma source(%dma_start3A_399 : memref<1024x128xf32, #tpu.memory_space<hbm>>) target(%arg32 : memref<128x128xf32, #tpu.memory_space<vmem>>) offsets(%arg28 : memref<128xi32, #tpu.memory_space<vmem>>) semaphore(%arg37 : memref<!tpu.dma_semaphore, #tpu.memory_space<semaphore_mem>>) {add = true}
    %dma_start3A_400 = arith.constant 0 : i32
    %dma_start3A_401 = arith.constant 0 : i32
    %dma_start3A_402 = tpu.memref_slice %arg9[%dma_start3A_400, %dma_start3A_401] : memref<1024x128xf32, #tpu.memory_space<hbm>> -> memref<1024x128xf32, #tpu.memory_space<hbm>>
    tpu.enqueue_indirect_dma source(%dma_start3A_402 : memref<1024x128xf32, #tpu.memory_space<hbm>>) target(%arg32 : memref<128x128xf32, #tpu.memory_space<vmem>>) offsets(%arg30 : memref<128xi32, #tpu.memory_space<vmem>>) semaphore(%arg37 : memref<!tpu.dma_semaphore, #tpu.memory_space<semaphore_mem>>) {add = true}
    %add3A_403 = arith.constant 128 : i32
    %add3A_404 = arith.addi %mul3A_2, %add3A_403 : i32
    %dma_start3A_405 = tpu.memref_slice %arg2[%add3A_404] : memref<204800xi32, #tpu.memory_space<hbm>> -> memref<128xi32, #tpu.memory_space<hbm>>
    %dma_start3A_406 = tpu.memref_slice %arg2[%add3A_404] : memref<204800xi32, #tpu.memory_space<hbm>> -> memref<128xi32, #tpu.memory_space<hbm>>
    tpu.enqueue_dma source(%dma_start3A_406 : memref<128xi32, #tpu.memory_space<hbm>>) target(%arg17 : memref<128xi32, #tpu.memory_space<vmem>>) target_semaphore(%arg40 : memref<!tpu.dma_semaphore, #tpu.memory_space<semaphore_mem>>)
    %mul3A_407 = arith.constant 4 : i32
    %mul3A_408 = arith.muli %add3A_404, %mul3A_407 : i32
    %dma_start3A_409 = tpu.memref_slice %arg3[%mul3A_408] : memref<819200xi32, #tpu.memory_space<hbm>> -> memref<512xi32, #tpu.memory_space<hbm>>
    %dma_start3A_410 = tpu.memref_slice %arg3[%mul3A_408] : memref<819200xi32, #tpu.memory_space<hbm>> -> memref<512xi32, #tpu.memory_space<hbm>>
    tpu.enqueue_dma source(%dma_start3A_410 : memref<512xi32, #tpu.memory_space<hbm>>) target(%arg15 : memref<512xi32, #tpu.memory_space<vmem>>) target_semaphore(%arg40 : memref<!tpu.dma_semaphore, #tpu.memory_space<semaphore_mem>>)
    %dma_start3A_411 = tpu.memref_slice %arg4[%add3A_404] : memref<204800xi32, #tpu.memory_space<hbm>> -> memref<128xi32, #tpu.memory_space<hbm>>
    %dma_start3A_412 = tpu.memref_slice %arg4[%add3A_404] : memref<204800xi32, #tpu.memory_space<hbm>> -> memref<128xi32, #tpu.memory_space<hbm>>
    tpu.enqueue_dma source(%dma_start3A_412 : memref<128xi32, #tpu.memory_space<hbm>>) target(%arg19 : memref<128xi32, #tpu.memory_space<vmem>>) target_semaphore(%arg40 : memref<!tpu.dma_semaphore, #tpu.memory_space<semaphore_mem>>)
    %scan3A_413 = arith.constant 0 : i32
    %scan3A_414 = arith.constant 0 : i32
    %scan3A_415 = arith.constant 25 : i32
    %scan3A_416 = arith.addi %scan3A_414, %scan3A_415 : i32
    %scan3A_417 = arith.constant 1 : i32
    %scan3A_418 = scf.for %scan3A_428 = %scan3A_414 to %scan3A_416 step %scan3A_417 iter_args(%scan3A_429 = %scan3A_413) -> (i32)  : i32 {
      %mul3A_430 = arith.constant 2 : i32
      %mul3A_431 = arith.muli %mul3A_430, %scan3A_428 : i32
      %add3A_432 = arith.constant 0 : i32
      %add3A_433 = arith.addi %mul3A_431, %add3A_432 : i32
      %mul3A_434 = arith.constant 128 : i32
      %mul3A_435 = arith.muli %add3A_433, %mul3A_434 : i32
      %add3A_436 = arith.addi %mul3A_2, %mul3A_435 : i32
      %add3A_437 = arith.constant 1 : i32
      %add3A_438 = arith.addi %add3A_433, %add3A_437 : i32
      %lt3A = arith.constant 50 : i32
      %lt3A_439 = arith.cmpi slt, %add3A_438, %lt3A : i32
      %convert_element_type3A_440 = arith.extui %lt3A_439 : i1 to i32
      %cond3A_441 = arith.constant 0 : i32
      %cond3A_442 = arith.cmpi ne, %convert_element_type3A_440, %cond3A_441 : i32
      scf.if %cond3A_442 {
        %add3A_536 = arith.constant 128 : i32
        %add3A_537 = arith.addi %add3A_436, %add3A_536 : i32
        %dma_wait3A_538 = tpu.memref_slice %arg2[%add3A_537] : memref<204800xi32, #tpu.memory_space<hbm>> -> memref<128xi32, #tpu.memory_space<hbm>>
        %dma_wait3A_539 = tpu.memref_slice %arg2[%add3A_537] : memref<204800xi32, #tpu.memory_space<hbm>> -> memref<128xi32, #tpu.memory_space<hbm>>
        tpu.wait_dma2 semaphore(%arg40 : memref<!tpu.dma_semaphore, #tpu.memory_space<semaphore_mem>>) src(%dma_wait3A_539 : memref<128xi32, #tpu.memory_space<hbm>>) dst(%arg17 : memref<128xi32, #tpu.memory_space<vmem>>)
        %mul3A_540 = arith.constant 4 : i32
        %mul3A_541 = arith.muli %add3A_537, %mul3A_540 : i32
        %dma_wait3A_542 = tpu.memref_slice %arg3[%mul3A_541] : memref<819200xi32, #tpu.memory_space<hbm>> -> memref<512xi32, #tpu.memory_space<hbm>>
        %dma_wait3A_543 = tpu.memref_slice %arg3[%mul3A_541] : memref<819200xi32, #tpu.memory_space<hbm>> -> memref<512xi32, #tpu.memory_space<hbm>>
        tpu.wait_dma2 semaphore(%arg40 : memref<!tpu.dma_semaphore, #tpu.memory_space<semaphore_mem>>) src(%dma_wait3A_543 : memref<512xi32, #tpu.memory_space<hbm>>) dst(%arg15 : memref<512xi32, #tpu.memory_space<vmem>>)
        %dma_wait3A_544 = tpu.memref_slice %arg4[%add3A_537] : memref<204800xi32, #tpu.memory_space<hbm>> -> memref<128xi32, #tpu.memory_space<hbm>>
        %dma_wait3A_545 = tpu.memref_slice %arg4[%add3A_537] : memref<204800xi32, #tpu.memory_space<hbm>> -> memref<128xi32, #tpu.memory_space<hbm>>
        tpu.wait_dma2 semaphore(%arg40 : memref<!tpu.dma_semaphore, #tpu.memory_space<semaphore_mem>>) src(%dma_wait3A_545 : memref<128xi32, #tpu.memory_space<hbm>>) dst(%arg19 : memref<128xi32, #tpu.memory_space<vmem>>)
        %add3A_546 = arith.constant 0 : i32
        %add3A_547 = vector.broadcast %add3A_546 : i32 to vector<16xi32>
        %add3A_548 = arith.addi %iota3A, %add3A_547 : vector<16xi32>
        %mul3A_549 = arith.constant 4 : i32
        %mul3A_550 = vector.broadcast %mul3A_549 : i32 to vector<16xi32>
        %mul3A_551 = arith.muli %add3A_548, %mul3A_550 : vector<16xi32>
        %gather3A_552 = tpu.vector_load_idx %arg15[%mul3A_551] : memref<512xi32, #tpu.memory_space<vmem>>[vector<16xi32>], vector<16xi32>,
        %add3A_553 = arith.constant 1 : i32
        %add3A_554 = vector.broadcast %add3A_553 : i32 to vector<16xi32>
        %add3A_555 = arith.addi %mul3A_551, %add3A_554 : vector<16xi32>
        %gather3A_556 = tpu.vector_load_idx %arg15[%add3A_555] : memref<512xi32, #tpu.memory_space<vmem>>[vector<16xi32>], vector<16xi32>,
        %add3A_557 = arith.constant 2 : i32
        %add3A_558 = vector.broadcast %add3A_557 : i32 to vector<16xi32>
        %add3A_559 = arith.addi %mul3A_551, %add3A_558 : vector<16xi32>
        %gather3A_560 = tpu.vector_load_idx %arg15[%add3A_559] : memref<512xi32, #tpu.memory_space<vmem>>[vector<16xi32>], vector<16xi32>,
        %add3A_561 = arith.constant 3 : i32
        %add3A_562 = vector.broadcast %add3A_561 : i32 to vector<16xi32>
        %add3A_563 = arith.addi %mul3A_551, %add3A_562 : vector<16xi32>
        %gather3A_564 = tpu.vector_load_idx %arg15[%add3A_563] : memref<512xi32, #tpu.memory_space<vmem>>[vector<16xi32>], vector<16xi32>,
        %swap3A_565 = arith.constant 0 : index
        %swap3A_566 = tpu.vector_load %arg21[%swap3A_565] {strides = array<i32>} : memref<128xi32, #tpu.memory_space<vmem>>, vector<16xi32>,
        tpu.vector_store %arg21[%swap3A_565], %gather3A_552 {strides = array<i32>} : memref<128xi32, #tpu.memory_space<vmem>>, vector<16xi32>,
        %swap3A_567 = arith.constant 0 : index
        %swap3A_568 = tpu.vector_load %arg23[%swap3A_567] {strides = array<i32>} : memref<128xi32, #tpu.memory_space<vmem>>, vector<16xi32>,
        tpu.vector_store %arg23[%swap3A_567], %gather3A_556 {strides = array<i32>} : memref<128xi32, #tpu.memory_space<vmem>>, vector<16xi32>,
        %swap3A_569 = arith.constant 0 : index
        %swap3A_570 = tpu.vector_load %arg25[%swap3A_569] {strides = array<i32>} : memref<128xi32, #tpu.memory_space<vmem>>, vector<16xi32>,
        tpu.vector_store %arg25[%swap3A_569], %gather3A_560 {strides = array<i32>} : memref<128xi32, #tpu.memory_space<vmem>>, vector<16xi32>,
        %swap3A_571 = arith.constant 0 : index
        %swap3A_572 = tpu.vector_load %arg27[%swap3A_571] {strides = array<i32>} : memref<128xi32, #tpu.memory_space<vmem>>, vector<16xi32>,
        tpu.vector_store %arg27[%swap3A_571], %gather3A_564 {strides = array<i32>} : memref<128xi32, #tpu.memory_space<vmem>>, vector<16xi32>,
        %sub3A_573 = arith.subi %gather3A_564, %gather3A_556 : vector<16xi32>
        %swap3A_574 = arith.constant 0 : index
        %swap3A_575 = tpu.vector_load %arg29[%swap3A_574] {strides = array<i32>} : memref<128xi32, #tpu.memory_space<vmem>>, vector<16xi32>,
        tpu.vector_store %arg29[%swap3A_574], %sub3A_573 {strides = array<i32>} : memref<128xi32, #tpu.memory_space<vmem>>, vector<16xi32>,
        %sub3A_576 = arith.subi %gather3A_560, %gather3A_552 : vector<16xi32>
        %swap3A_577 = arith.constant 0 : index
        %swap3A_578 = tpu.vector_load %arg31[%swap3A_577] {strides = array<i32>} : memref<128xi32, #tpu.memory_space<vmem>>, vector<16xi32>,
        tpu.vector_store %arg31[%swap3A_577], %sub3A_576 {strides = array<i32>} : memref<128xi32, #tpu.memory_space<vmem>>, vector<16xi32>,
        %add3A_579 = arith.constant 16 : i32
        %add3A_580 = vector.broadcast %add3A_579 : i32 to vector<16xi32>
        %add3A_581 = arith.addi %iota3A, %add3A_580 : vector<16xi32>
        %mul3A_582 = arith.constant 4 : i32
        %mul3A_583 = vector.broadcast %mul3A_582 : i32 to vector<16xi32>
        %mul3A_584 = arith.muli %add3A_581, %mul3A_583 : vector<16xi32>
        %gather3A_585 = tpu.vector_load_idx %arg15[%mul3A_584] : memref<512xi32, #tpu.memory_space<vmem>>[vector<16xi32>], vector<16xi32>,
        %add3A_586 = arith.constant 1 : i32
        %add3A_587 = vector.broadcast %add3A_586 : i32 to vector<16xi32>
        %add3A_588 = arith.addi %mul3A_584, %add3A_587 : vector<16xi32>
        %gather3A_589 = tpu.vector_load_idx %arg15[%add3A_588] : memref<512xi32, #tpu.memory_space<vmem>>[vector<16xi32>], vector<16xi32>,
        %add3A_590 = arith.constant 2 : i32
        %add3A_591 = vector.broadcast %add3A_590 : i32 to vector<16xi32>
        %add3A_592 = arith.addi %mul3A_584, %add3A_591 : vector<16xi32>
        %gather3A_593 = tpu.vector_load_idx %arg15[%add3A_592] : memref<512xi32, #tpu.memory_space<vmem>>[vector<16xi32>], vector<16xi32>,
        %add3A_594 = arith.constant 3 : i32
        %add3A_595 = vector.broadcast %add3A_594 : i32 to vector<16xi32>
        %add3A_596 = arith.addi %mul3A_584, %add3A_595 : vector<16xi32>
        %gather3A_597 = tpu.vector_load_idx %arg15[%add3A_596] : memref<512xi32, #tpu.memory_space<vmem>>[vector<16xi32>], vector<16xi32>,
        %swap3A_598 = arith.constant 16 : index
        %swap3A_599 = tpu.vector_load %arg21[%swap3A_598] {strides = array<i32>} : memref<128xi32, #tpu.memory_space<vmem>>, vector<16xi32>,
        tpu.vector_store %arg21[%swap3A_598], %gather3A_585 {strides = array<i32>} : memref<128xi32, #tpu.memory_space<vmem>>, vector<16xi32>,
        %swap3A_600 = arith.constant 16 : index
        %swap3A_601 = tpu.vector_load %arg23[%swap3A_600] {strides = array<i32>} : memref<128xi32, #tpu.memory_space<vmem>>, vector<16xi32>,
        tpu.vector_store %arg23[%swap3A_600], %gather3A_589 {strides = array<i32>} : memref<128xi32, #tpu.memory_space<vmem>>, vector<16xi32>,
        %swap3A_602 = arith.constant 16 : index
        %swap3A_603 = tpu.vector_load %arg25[%swap3A_602] {strides = array<i32>} : memref<128xi32, #tpu.memory_space<vmem>>, vector<16xi32>,
        tpu.vector_store %arg25[%swap3A_602], %gather3A_593 {strides = array<i32>} : memref<128xi32, #tpu.memory_space<vmem>>, vector<16xi32>,
        %swap3A_604 = arith.constant 16 : index
        %swap3A_605 = tpu.vector_load %arg27[%swap3A_604] {strides = array<i32>} : memref<128xi32, #tpu.memory_space<vmem>>, vector<16xi32>,
        tpu.vector_store %arg27[%swap3A_604], %gather3A_597 {strides = array<i32>} : memref<128xi32, #tpu.memory_space<vmem>>, vector<16xi32>,
        %sub3A_606 = arith.subi %gather3A_597, %gather3A_589 : vector<16xi32>
        %swap3A_607 = arith.constant 16 : index
        %swap3A_608 = tpu.vector_load %arg29[%swap3A_607] {strides = array<i32>} : memref<128xi32, #tpu.memory_space<vmem>>, vector<16xi32>,
        tpu.vector_store %arg29[%swap3A_607], %sub3A_606 {strides = array<i32>} : memref<128xi32, #tpu.memory_space<vmem>>, vector<16xi32>,
        %sub3A_609 = arith.subi %gather3A_593, %gather3A_585 : vector<16xi32>
        %swap3A_610 = arith.constant 16 : index
        %swap3A_611 = tpu.vector_load %arg31[%swap3A_610] {strides = array<i32>} : memref<128xi32, #tpu.memory_space<vmem>>, vector<16xi32>,
        tpu.vector_store %arg31[%swap3A_610], %sub3A_609 {strides = array<i32>} : memref<128xi32, #tpu.memory_space<vmem>>, vector<16xi32>,
        %add3A_612 = arith.constant 32 : i32
        %add3A_613 = vector.broadcast %add3A_612 : i32 to vector<16xi32>
        %add3A_614 = arith.addi %iota3A, %add3A_613 : vector<16xi32>
        %mul3A_615 = arith.constant 4 : i32
        %mul3A_616 = vector.broadcast %mul3A_615 : i32 to vector<16xi32>
        %mul3A_617 = arith.muli %add3A_614, %mul3A_616 : vector<16xi32>
        %gather3A_618 = tpu.vector_load_idx %arg15[%mul3A_617] : memref<512xi32, #tpu.memory_space<vmem>>[vector<16xi32>], vector<16xi32>,
        %add3A_619 = arith.constant 1 : i32
        %add3A_620 = vector.broadcast %add3A_619 : i32 to vector<16xi32>
        %add3A_621 = arith.addi %mul3A_617, %add3A_620 : vector<16xi32>
        %gather3A_622 = tpu.vector_load_idx %arg15[%add3A_621] : memref<512xi32, #tpu.memory_space<vmem>>[vector<16xi32>], vector<16xi32>,
        %add3A_623 = arith.constant 2 : i32
        %add3A_624 = vector.broadcast %add3A_623 : i32 to vector<16xi32>
        %add3A_625 = arith.addi %mul3A_617, %add3A_624 : vector<16xi32>
        %gather3A_626 = tpu.vector_load_idx %arg15[%add3A_625] : memref<512xi32, #tpu.memory_space<vmem>>[vector<16xi32>], vector<16xi32>,
        %add3A_627 = arith.constant 3 : i32
        %add3A_628 = vector.broadcast %add3A_627 : i32 to vector<16xi32>
        %add3A_629 = arith.addi %mul3A_617, %add3A_628 : vector<16xi32>
        %gather3A_630 = tpu.vector_load_idx %arg15[%add3A_629] : memref<512xi32, #tpu.memory_space<vmem>>[vector<16xi32>], vector<16xi32>,
        %swap3A_631 = arith.constant 32 : index
        %swap3A_632 = tpu.vector_load %arg21[%swap3A_631] {strides = array<i32>} : memref<128xi32, #tpu.memory_space<vmem>>, vector<16xi32>,
        tpu.vector_store %arg21[%swap3A_631], %gather3A_618 {strides = array<i32>} : memref<128xi32, #tpu.memory_space<vmem>>, vector<16xi32>,
        %swap3A_633 = arith.constant 32 : index
        %swap3A_634 = tpu.vector_load %arg23[%swap3A_633] {strides = array<i32>} : memref<128xi32, #tpu.memory_space<vmem>>, vector<16xi32>,
        tpu.vector_store %arg23[%swap3A_633], %gather3A_622 {strides = array<i32>} : memref<128xi32, #tpu.memory_space<vmem>>, vector<16xi32>,
        %swap3A_635 = arith.constant 32 : index
        %swap3A_636 = tpu.vector_load %arg25[%swap3A_635] {strides = array<i32>} : memref<128xi32, #tpu.memory_space<vmem>>, vector<16xi32>,
        tpu.vector_store %arg25[%swap3A_635], %gather3A_626 {strides = array<i32>} : memref<128xi32, #tpu.memory_space<vmem>>, vector<16xi32>,
        %swap3A_637 = arith.constant 32 : index
        %swap3A_638 = tpu.vector_load %arg27[%swap3A_637] {strides = array<i32>} : memref<128xi32, #tpu.memory_space<vmem>>, vector<16xi32>,
        tpu.vector_store %arg27[%swap3A_637], %gather3A_630 {strides = array<i32>} : memref<128xi32, #tpu.memory_space<vmem>>, vector<16xi32>,
        %sub3A_639 = arith.subi %gather3A_630, %gather3A_622 : vector<16xi32>
        %swap3A_640 = arith.constant 32 : index
        %swap3A_641 = tpu.vector_load %arg29[%swap3A_640] {strides = array<i32>} : memref<128xi32, #tpu.memory_space<vmem>>, vector<16xi32>,
        tpu.vector_store %arg29[%swap3A_640], %sub3A_639 {strides = array<i32>} : memref<128xi32, #tpu.memory_space<vmem>>, vector<16xi32>,
        %sub3A_642 = arith.subi %gather3A_626, %gather3A_618 : vector<16xi32>
        %swap3A_643 = arith.constant 32 : index
        %swap3A_644 = tpu.vector_load %arg31[%swap3A_643] {strides = array<i32>} : memref<128xi32, #tpu.memory_space<vmem>>, vector<16xi32>,
        tpu.vector_store %arg31[%swap3A_643], %sub3A_642 {strides = array<i32>} : memref<128xi32, #tpu.memory_space<vmem>>, vector<16xi32>,
        %add3A_645 = arith.constant 48 : i32
        %add3A_646 = vector.broadcast %add3A_645 : i32 to vector<16xi32>
        %add3A_647 = arith.addi %iota3A, %add3A_646 : vector<16xi32>
        %mul3A_648 = arith.constant 4 : i32
        %mul3A_649 = vector.broadcast %mul3A_648 : i32 to vector<16xi32>
        %mul3A_650 = arith.muli %add3A_647, %mul3A_649 : vector<16xi32>
        %gather3A_651 = tpu.vector_load_idx %arg15[%mul3A_650] : memref<512xi32, #tpu.memory_space<vmem>>[vector<16xi32>], vector<16xi32>,
        %add3A_652 = arith.constant 1 : i32
        %add3A_653 = vector.broadcast %add3A_652 : i32 to vector<16xi32>
        %add3A_654 = arith.addi %mul3A_650, %add3A_653 : vector<16xi32>
        %gather3A_655 = tpu.vector_load_idx %arg15[%add3A_654] : memref<512xi32, #tpu.memory_space<vmem>>[vector<16xi32>], vector<16xi32>,
        %add3A_656 = arith.constant 2 : i32
        %add3A_657 = vector.broadcast %add3A_656 : i32 to vector<16xi32>
        %add3A_658 = arith.addi %mul3A_650, %add3A_657 : vector<16xi32>
        %gather3A_659 = tpu.vector_load_idx %arg15[%add3A_658] : memref<512xi32, #tpu.memory_space<vmem>>[vector<16xi32>], vector<16xi32>,
        %add3A_660 = arith.constant 3 : i32
        %add3A_661 = vector.broadcast %add3A_660 : i32 to vector<16xi32>
        %add3A_662 = arith.addi %mul3A_650, %add3A_661 : vector<16xi32>
        %gather3A_663 = tpu.vector_load_idx %arg15[%add3A_662] : memref<512xi32, #tpu.memory_space<vmem>>[vector<16xi32>], vector<16xi32>,
        %swap3A_664 = arith.constant 48 : index
        %swap3A_665 = tpu.vector_load %arg21[%swap3A_664] {strides = array<i32>} : memref<128xi32, #tpu.memory_space<vmem>>, vector<16xi32>,
        tpu.vector_store %arg21[%swap3A_664], %gather3A_651 {strides = array<i32>} : memref<128xi32, #tpu.memory_space<vmem>>, vector<16xi32>,
        %swap3A_666 = arith.constant 48 : index
        %swap3A_667 = tpu.vector_load %arg23[%swap3A_666] {strides = array<i32>} : memref<128xi32, #tpu.memory_space<vmem>>, vector<16xi32>,
        tpu.vector_store %arg23[%swap3A_666], %gather3A_655 {strides = array<i32>} : memref<128xi32, #tpu.memory_space<vmem>>, vector<16xi32>,
        %swap3A_668 = arith.constant 48 : index
        %swap3A_669 = tpu.vector_load %arg25[%swap3A_668] {strides = array<i32>} : memref<128xi32, #tpu.memory_space<vmem>>, vector<16xi32>,
        tpu.vector_store %arg25[%swap3A_668], %gather3A_659 {strides = array<i32>} : memref<128xi32, #tpu.memory_space<vmem>>, vector<16xi32>,
        %swap3A_670 = arith.constant 48 : index
        %swap3A_671 = tpu.vector_load %arg27[%swap3A_670] {strides = array<i32>} : memref<128xi32, #tpu.memory_space<vmem>>, vector<16xi32>,
        tpu.vector_store %arg27[%swap3A_670], %gather3A_663 {strides = array<i32>} : memref<128xi32, #tpu.memory_space<vmem>>, vector<16xi32>,
        %sub3A_672 = arith.subi %gather3A_663, %gather3A_655 : vector<16xi32>
        %swap3A_673 = arith.constant 48 : index
        %swap3A_674 = tpu.vector_load %arg29[%swap3A_673] {strides = array<i32>} : memref<128xi32, #tpu.memory_space<vmem>>, vector<16xi32>,
        tpu.vector_store %arg29[%swap3A_673], %sub3A_672 {strides = array<i32>} : memref<128xi32, #tpu.memory_space<vmem>>, vector<16xi32>,
        %sub3A_675 = arith.subi %gather3A_659, %gather3A_651 : vector<16xi32>
        %swap3A_676 = arith.constant 48 : index
        %swap3A_677 = tpu.vector_load %arg31[%swap3A_676] {strides = array<i32>} : memref<128xi32, #tpu.memory_space<vmem>>, vector<16xi32>,
        tpu.vector_store %arg31[%swap3A_676], %sub3A_675 {strides = array<i32>} : memref<128xi32, #tpu.memory_space<vmem>>, vector<16xi32>,
        %add3A_678 = arith.constant 64 : i32
        %add3A_679 = vector.broadcast %add3A_678 : i32 to vector<16xi32>
        %add3A_680 = arith.addi %iota3A, %add3A_679 : vector<16xi32>
        %mul3A_681 = arith.constant 4 : i32
        %mul3A_682 = vector.broadcast %mul3A_681 : i32 to vector<16xi32>
        %mul3A_683 = arith.muli %add3A_680, %mul3A_682 : vector<16xi32>
        %gather3A_684 = tpu.vector_load_idx %arg15[%mul3A_683] : memref<512xi32, #tpu.memory_space<vmem>>[vector<16xi32>], vector<16xi32>,
        %add3A_685 = arith.constant 1 : i32
        %add3A_686 = vector.broadcast %add3A_685 : i32 to vector<16xi32>
        %add3A_687 = arith.addi %mul3A_683, %add3A_686 : vector<16xi32>
        %gather3A_688 = tpu.vector_load_idx %arg15[%add3A_687] : memref<512xi32, #tpu.memory_space<vmem>>[vector<16xi32>], vector<16xi32>,
        %add3A_689 = arith.constant 2 : i32
        %add3A_690 = vector.broadcast %add3A_689 : i32 to vector<16xi32>
        %add3A_691 = arith.addi %mul3A_683, %add3A_690 : vector<16xi32>
        %gather3A_692 = tpu.vector_load_idx %arg15[%add3A_691] : memref<512xi32, #tpu.memory_space<vmem>>[vector<16xi32>], vector<16xi32>,
        %add3A_693 = arith.constant 3 : i32
        %add3A_694 = vector.broadcast %add3A_693 : i32 to vector<16xi32>
        %add3A_695 = arith.addi %mul3A_683, %add3A_694 : vector<16xi32>
        %gather3A_696 = tpu.vector_load_idx %arg15[%add3A_695] : memref<512xi32, #tpu.memory_space<vmem>>[vector<16xi32>], vector<16xi32>,
        %swap3A_697 = arith.constant 64 : index
        %swap3A_698 = tpu.vector_load %arg21[%swap3A_697] {strides = array<i32>} : memref<128xi32, #tpu.memory_space<vmem>>, vector<16xi32>,
        tpu.vector_store %arg21[%swap3A_697], %gather3A_684 {strides = array<i32>} : memref<128xi32, #tpu.memory_space<vmem>>, vector<16xi32>,
        %swap3A_699 = arith.constant 64 : index
        %swap3A_700 = tpu.vector_load %arg23[%swap3A_699] {strides = array<i32>} : memref<128xi32, #tpu.memory_space<vmem>>, vector<16xi32>,
        tpu.vector_store %arg23[%swap3A_699], %gather3A_688 {strides = array<i32>} : memref<128xi32, #tpu.memory_space<vmem>>, vector<16xi32>,
        %swap3A_701 = arith.constant 64 : index
        %swap3A_702 = tpu.vector_load %arg25[%swap3A_701] {strides = array<i32>} : memref<128xi32, #tpu.memory_space<vmem>>, vector<16xi32>,
        tpu.vector_store %arg25[%swap3A_701], %gather3A_692 {strides = array<i32>} : memref<128xi32, #tpu.memory_space<vmem>>, vector<16xi32>,
        %swap3A_703 = arith.constant 64 : index
        %swap3A_704 = tpu.vector_load %arg27[%swap3A_703] {strides = array<i32>} : memref<128xi32, #tpu.memory_space<vmem>>, vector<16xi32>,
        tpu.vector_store %arg27[%swap3A_703], %gather3A_696 {strides = array<i32>} : memref<128xi32, #tpu.memory_space<vmem>>, vector<16xi32>,
        %sub3A_705 = arith.subi %gather3A_696, %gather3A_688 : vector<16xi32>
        %swap3A_706 = arith.constant 64 : index
        %swap3A_707 = tpu.vector_load %arg29[%swap3A_706] {strides = array<i32>} : memref<128xi32, #tpu.memory_space<vmem>>, vector<16xi32>,
        tpu.vector_store %arg29[%swap3A_706], %sub3A_705 {strides = array<i32>} : memref<128xi32, #tpu.memory_space<vmem>>, vector<16xi32>,
        %sub3A_708 = arith.subi %gather3A_692, %gather3A_684 : vector<16xi32>
        %swap3A_709 = arith.constant 64 : index
        %swap3A_710 = tpu.vector_load %arg31[%swap3A_709] {strides = array<i32>} : memref<128xi32, #tpu.memory_space<vmem>>, vector<16xi32>,
        tpu.vector_store %arg31[%swap3A_709], %sub3A_708 {strides = array<i32>} : memref<128xi32, #tpu.memory_space<vmem>>, vector<16xi32>,
        %add3A_711 = arith.constant 80 : i32
        %add3A_712 = vector.broadcast %add3A_711 : i32 to vector<16xi32>
        %add3A_713 = arith.addi %iota3A, %add3A_712 : vector<16xi32>
        %mul3A_714 = arith.constant 4 : i32
        %mul3A_715 = vector.broadcast %mul3A_714 : i32 to vector<16xi32>
        %mul3A_716 = arith.muli %add3A_713, %mul3A_715 : vector<16xi32>
        %gather3A_717 = tpu.vector_load_idx %arg15[%mul3A_716] : memref<512xi32, #tpu.memory_space<vmem>>[vector<16xi32>], vector<16xi32>,
        %add3A_718 = arith.constant 1 : i32
        %add3A_719 = vector.broadcast %add3A_718 : i32 to vector<16xi32>
        %add3A_720 = arith.addi %mul3A_716, %add3A_719 : vector<16xi32>
        %gather3A_721 = tpu.vector_load_idx %arg15[%add3A_720] : memref<512xi32, #tpu.memory_space<vmem>>[vector<16xi32>], vector<16xi32>,
        %add3A_722 = arith.constant 2 : i32
        %add3A_723 = vector.broadcast %add3A_722 : i32 to vector<16xi32>
        %add3A_724 = arith.addi %mul3A_716, %add3A_723 : vector<16xi32>
        %gather3A_725 = tpu.vector_load_idx %arg15[%add3A_724] : memref<512xi32, #tpu.memory_space<vmem>>[vector<16xi32>], vector<16xi32>,
        %add3A_726 = arith.constant 3 : i32
        %add3A_727 = vector.broadcast %add3A_726 : i32 to vector<16xi32>
        %add3A_728 = arith.addi %mul3A_716, %add3A_727 : vector<16xi32>
        %gather3A_729 = tpu.vector_load_idx %arg15[%add3A_728] : memref<512xi32, #tpu.memory_space<vmem>>[vector<16xi32>], vector<16xi32>,
        %swap3A_730 = arith.constant 80 : index
        %swap3A_731 = tpu.vector_load %arg21[%swap3A_730] {strides = array<i32>} : memref<128xi32, #tpu.memory_space<vmem>>, vector<16xi32>,
        tpu.vector_store %arg21[%swap3A_730], %gather3A_717 {strides = array<i32>} : memref<128xi32, #tpu.memory_space<vmem>>, vector<16xi32>,
        %swap3A_732 = arith.constant 80 : index
        %swap3A_733 = tpu.vector_load %arg23[%swap3A_732] {strides = array<i32>} : memref<128xi32, #tpu.memory_space<vmem>>, vector<16xi32>,
        tpu.vector_store %arg23[%swap3A_732], %gather3A_721 {strides = array<i32>} : memref<128xi32, #tpu.memory_space<vmem>>, vector<16xi32>,
        %swap3A_734 = arith.constant 80 : index
        %swap3A_735 = tpu.vector_load %arg25[%swap3A_734] {strides = array<i32>} : memref<128xi32, #tpu.memory_space<vmem>>, vector<16xi32>,
        tpu.vector_store %arg25[%swap3A_734], %gather3A_725 {strides = array<i32>} : memref<128xi32, #tpu.memory_space<vmem>>, vector<16xi32>,
        %swap3A_736 = arith.constant 80 : index
        %swap3A_737 = tpu.vector_load %arg27[%swap3A_736] {strides = array<i32>} : memref<128xi32, #tpu.memory_space<vmem>>, vector<16xi32>,
        tpu.vector_store %arg27[%swap3A_736], %gather3A_729 {strides = array<i32>} : memref<128xi32, #tpu.memory_space<vmem>>, vector<16xi32>,
        %sub3A_738 = arith.subi %gather3A_729, %gather3A_721 : vector<16xi32>
        %swap3A_739 = arith.constant 80 : index
        %swap3A_740 = tpu.vector_load %arg29[%swap3A_739] {strides = array<i32>} : memref<128xi32, #tpu.memory_space<vmem>>, vector<16xi32>,
        tpu.vector_store %arg29[%swap3A_739], %sub3A_738 {strides = array<i32>} : memref<128xi32, #tpu.memory_space<vmem>>, vector<16xi32>,
        %sub3A_741 = arith.subi %gather3A_725, %gather3A_717 : vector<16xi32>
        %swap3A_742 = arith.constant 80 : index
        %swap3A_743 = tpu.vector_load %arg31[%swap3A_742] {strides = array<i32>} : memref<128xi32, #tpu.memory_space<vmem>>, vector<16xi32>,
        tpu.vector_store %arg31[%swap3A_742], %sub3A_741 {strides = array<i32>} : memref<128xi32, #tpu.memory_space<vmem>>, vector<16xi32>,
        %add3A_744 = arith.constant 96 : i32
        %add3A_745 = vector.broadcast %add3A_744 : i32 to vector<16xi32>
        %add3A_746 = arith.addi %iota3A, %add3A_745 : vector<16xi32>
        %mul3A_747 = arith.constant 4 : i32
        %mul3A_748 = vector.broadcast %mul3A_747 : i32 to vector<16xi32>
        %mul3A_749 = arith.muli %add3A_746, %mul3A_748 : vector<16xi32>
        %gather3A_750 = tpu.vector_load_idx %arg15[%mul3A_749] : memref<512xi32, #tpu.memory_space<vmem>>[vector<16xi32>], vector<16xi32>,
        %add3A_751 = arith.constant 1 : i32
        %add3A_752 = vector.broadcast %add3A_751 : i32 to vector<16xi32>
        %add3A_753 = arith.addi %mul3A_749, %add3A_752 : vector<16xi32>
        %gather3A_754 = tpu.vector_load_idx %arg15[%add3A_753] : memref<512xi32, #tpu.memory_space<vmem>>[vector<16xi32>], vector<16xi32>,
        %add3A_755 = arith.constant 2 : i32
        %add3A_756 = vector.broadcast %add3A_755 : i32 to vector<16xi32>
        %add3A_757 = arith.addi %mul3A_749, %add3A_756 : vector<16xi32>
        %gather3A_758 = tpu.vector_load_idx %arg15[%add3A_757] : memref<512xi32, #tpu.memory_space<vmem>>[vector<16xi32>], vector<16xi32>,
        %add3A_759 = arith.constant 3 : i32
        %add3A_760 = vector.broadcast %add3A_759 : i32 to vector<16xi32>
        %add3A_761 = arith.addi %mul3A_749, %add3A_760 : vector<16xi32>
        %gather3A_762 = tpu.vector_load_idx %arg15[%add3A_761] : memref<512xi32, #tpu.memory_space<vmem>>[vector<16xi32>], vector<16xi32>,
        %swap3A_763 = arith.constant 96 : index
        %swap3A_764 = tpu.vector_load %arg21[%swap3A_763] {strides = array<i32>} : memref<128xi32, #tpu.memory_space<vmem>>, vector<16xi32>,
        tpu.vector_store %arg21[%swap3A_763], %gather3A_750 {strides = array<i32>} : memref<128xi32, #tpu.memory_space<vmem>>, vector<16xi32>,
        %swap3A_765 = arith.constant 96 : index
        %swap3A_766 = tpu.vector_load %arg23[%swap3A_765] {strides = array<i32>} : memref<128xi32, #tpu.memory_space<vmem>>, vector<16xi32>,
        tpu.vector_store %arg23[%swap3A_765], %gather3A_754 {strides = array<i32>} : memref<128xi32, #tpu.memory_space<vmem>>, vector<16xi32>,
        %swap3A_767 = arith.constant 96 : index
        %swap3A_768 = tpu.vector_load %arg25[%swap3A_767] {strides = array<i32>} : memref<128xi32, #tpu.memory_space<vmem>>, vector<16xi32>,
        tpu.vector_store %arg25[%swap3A_767], %gather3A_758 {strides = array<i32>} : memref<128xi32, #tpu.memory_space<vmem>>, vector<16xi32>,
        %swap3A_769 = arith.constant 96 : index
        %swap3A_770 = tpu.vector_load %arg27[%swap3A_769] {strides = array<i32>} : memref<128xi32, #tpu.memory_space<vmem>>, vector<16xi32>,
        tpu.vector_store %arg27[%swap3A_769], %gather3A_762 {strides = array<i32>} : memref<128xi32, #tpu.memory_space<vmem>>, vector<16xi32>,
        %sub3A_771 = arith.subi %gather3A_762, %gather3A_754 : vector<16xi32>
        %swap3A_772 = arith.constant 96 : index
        %swap3A_773 = tpu.vector_load %arg29[%swap3A_772] {strides = array<i32>} : memref<128xi32, #tpu.memory_space<vmem>>, vector<16xi32>,
        tpu.vector_store %arg29[%swap3A_772], %sub3A_771 {strides = array<i32>} : memref<128xi32, #tpu.memory_space<vmem>>, vector<16xi32>,
        %sub3A_774 = arith.subi %gather3A_758, %gather3A_750 : vector<16xi32>
        %swap3A_775 = arith.constant 96 : index
        %swap3A_776 = tpu.vector_load %arg31[%swap3A_775] {strides = array<i32>} : memref<128xi32, #tpu.memory_space<vmem>>, vector<16xi32>,
        tpu.vector_store %arg31[%swap3A_775], %sub3A_774 {strides = array<i32>} : memref<128xi32, #tpu.memory_space<vmem>>, vector<16xi32>,
        %add3A_777 = arith.constant 112 : i32
        %add3A_778 = vector.broadcast %add3A_777 : i32 to vector<16xi32>
        %add3A_779 = arith.addi %iota3A, %add3A_778 : vector<16xi32>
        %mul3A_780 = arith.constant 4 : i32
        %mul3A_781 = vector.broadcast %mul3A_780 : i32 to vector<16xi32>
        %mul3A_782 = arith.muli %add3A_779, %mul3A_781 : vector<16xi32>
        %gather3A_783 = tpu.vector_load_idx %arg15[%mul3A_782] : memref<512xi32, #tpu.memory_space<vmem>>[vector<16xi32>], vector<16xi32>,
        %add3A_784 = arith.constant 1 : i32
        %add3A_785 = vector.broadcast %add3A_784 : i32 to vector<16xi32>
        %add3A_786 = arith.addi %mul3A_782, %add3A_785 : vector<16xi32>
        %gather3A_787 = tpu.vector_load_idx %arg15[%add3A_786] : memref<512xi32, #tpu.memory_space<vmem>>[vector<16xi32>], vector<16xi32>,
        %add3A_788 = arith.constant 2 : i32
        %add3A_789 = vector.broadcast %add3A_788 : i32 to vector<16xi32>
        %add3A_790 = arith.addi %mul3A_782, %add3A_789 : vector<16xi32>
        %gather3A_791 = tpu.vector_load_idx %arg15[%add3A_790] : memref<512xi32, #tpu.memory_space<vmem>>[vector<16xi32>], vector<16xi32>,
        %add3A_792 = arith.constant 3 : i32
        %add3A_793 = vector.broadcast %add3A_792 : i32 to vector<16xi32>
        %add3A_794 = arith.addi %mul3A_782, %add3A_793 : vector<16xi32>
        %gather3A_795 = tpu.vector_load_idx %arg15[%add3A_794] : memref<512xi32, #tpu.memory_space<vmem>>[vector<16xi32>], vector<16xi32>,
        %swap3A_796 = arith.constant 112 : index
        %swap3A_797 = tpu.vector_load %arg21[%swap3A_796] {strides = array<i32>} : memref<128xi32, #tpu.memory_space<vmem>>, vector<16xi32>,
        tpu.vector_store %arg21[%swap3A_796], %gather3A_783 {strides = array<i32>} : memref<128xi32, #tpu.memory_space<vmem>>, vector<16xi32>,
        %swap3A_798 = arith.constant 112 : index
        %swap3A_799 = tpu.vector_load %arg23[%swap3A_798] {strides = array<i32>} : memref<128xi32, #tpu.memory_space<vmem>>, vector<16xi32>,
        tpu.vector_store %arg23[%swap3A_798], %gather3A_787 {strides = array<i32>} : memref<128xi32, #tpu.memory_space<vmem>>, vector<16xi32>,
        %swap3A_800 = arith.constant 112 : index
        %swap3A_801 = tpu.vector_load %arg25[%swap3A_800] {strides = array<i32>} : memref<128xi32, #tpu.memory_space<vmem>>, vector<16xi32>,
        tpu.vector_store %arg25[%swap3A_800], %gather3A_791 {strides = array<i32>} : memref<128xi32, #tpu.memory_space<vmem>>, vector<16xi32>,
        %swap3A_802 = arith.constant 112 : index
        %swap3A_803 = tpu.vector_load %arg27[%swap3A_802] {strides = array<i32>} : memref<128xi32, #tpu.memory_space<vmem>>, vector<16xi32>,
        tpu.vector_store %arg27[%swap3A_802], %gather3A_795 {strides = array<i32>} : memref<128xi32, #tpu.memory_space<vmem>>, vector<16xi32>,
        %sub3A_804 = arith.subi %gather3A_795, %gather3A_787 : vector<16xi32>
        %swap3A_805 = arith.constant 112 : index
        %swap3A_806 = tpu.vector_load %arg29[%swap3A_805] {strides = array<i32>} : memref<128xi32, #tpu.memory_space<vmem>>, vector<16xi32>,
        tpu.vector_store %arg29[%swap3A_805], %sub3A_804 {strides = array<i32>} : memref<128xi32, #tpu.memory_space<vmem>>, vector<16xi32>,
        %sub3A_807 = arith.subi %gather3A_791, %gather3A_783 : vector<16xi32>
        %swap3A_808 = arith.constant 112 : index
        %swap3A_809 = tpu.vector_load %arg31[%swap3A_808] {strides = array<i32>} : memref<128xi32, #tpu.memory_space<vmem>>, vector<16xi32>,
        tpu.vector_store %arg31[%swap3A_808], %sub3A_807 {strides = array<i32>} : memref<128xi32, #tpu.memory_space<vmem>>, vector<16xi32>,
        %sub3A_810 = arith.subi %add3A_537, %mul3A_2 : i32
        %ge3A_811 = arith.constant 256 : i32
        %ge3A_812 = arith.cmpi sge, %sub3A_810, %ge3A_811 : i32
        %convert_element_type3A_813 = arith.extui %ge3A_812 : i1 to i32
        %cond3A_814 = arith.constant 0 : i32
        %cond3A_815 = arith.cmpi ne, %convert_element_type3A_813, %cond3A_814 : i32
        scf.if %cond3A_815 {
          %dma_wait3A_844 = arith.constant 0 : i32
          %dma_wait3A_845 = tpu.memref_slice %arg13[%mul3A_2, %dma_wait3A_844] : memref<204800x128xf32, #tpu.memory_space<hbm>> -> memref<128x128xf32, #tpu.memory_space<hbm>>
          %dma_wait3A_846 = arith.constant 0 : i32
          %dma_wait3A_847 = tpu.memref_slice %arg13[%mul3A_2, %dma_wait3A_846] : memref<204800x128xf32, #tpu.memory_space<hbm>> -> memref<128x128xf32, #tpu.memory_space<hbm>>
          tpu.wait_dma2 semaphore(%arg42 : memref<!tpu.dma_semaphore, #tpu.memory_space<semaphore_mem>>) src(%arg33 : memref<128x128xf32, #tpu.memory_space<vmem>>) dst(%dma_wait3A_847 : memref<128x128xf32, #tpu.memory_space<hbm>>)
        } else {
        }
        %scan3A_816 = arith.constant 0 : i32
        %scan3A_817 = arith.constant 0 : i32
        %scan3A_818 = arith.constant 128 : i32
        %scan3A_819 = arith.addi %scan3A_817, %scan3A_818 : i32
        %scan3A_820 = arith.constant 1 : i32
        %scan3A_821 = scf.for %scan3A_844 = %scan3A_817 to %scan3A_819 step %scan3A_820 iter_args(%scan3A_845 = %scan3A_816) -> (i32)  : i32 {
          %broadcast_in_dim3A = arith.constant 0 : i32
          %broadcast_in_dim3A_846 = vector.broadcast %broadcast_in_dim3A : i32 to vector<16xi32>
          %add3A_847 = vector.broadcast %scan3A_844 : i32 to vector<16xi32>
          %add3A_848 = arith.addi %broadcast_in_dim3A_846, %add3A_847 : vector<16xi32>
          %gather3A_849 = tpu.vector_load_idx %arg19[%add3A_848] : memref<128xi32, #tpu.memory_space<vmem>>[vector<16xi32>], vector<16xi32>,
          %gt3A = arith.constant 0 : i32
          %gt3A_850 = vector.broadcast %gt3A : i32 to vector<16xi32>
          %gt3A_851 = arith.cmpi sgt, %gather3A_849, %gt3A_850 : vector<16xi32>
          %select_n3A = arith.select %gt3A_851, %get3A_69, %get3A_37 : vector<16xi1>, vector<16xf32>
          %swap3A_852 = arith.index_cast %scan3A_844 : i32 to index
          %swap3A_853 = arith.constant 0 : index
          %swap3A_854 = tpu.vector_load %arg33[%swap3A_852, %swap3A_853] {strides = array<i32>} : memref<128x128xf32, #tpu.memory_space<vmem>>, vector<16xf32>,
          tpu.vector_store %arg33[%swap3A_852, %swap3A_853], %select_n3A {strides = array<i32>} : memref<128x128xf32, #tpu.memory_space<vmem>>, vector<16xf32>,
          %select_n3A_855 = arith.select %gt3A_851, %get3A_73, %get3A_41 : vector<16xi1>, vector<16xf32>
          %swap3A_856 = arith.index_cast %scan3A_844 : i32 to index
          %swap3A_857 = arith.constant 16 : index
          %swap3A_858 = tpu.vector_load %arg33[%swap3A_856, %swap3A_857] {strides = array<i32>} : memref<128x128xf32, #tpu.memory_space<vmem>>, vector<16xf32>,
          tpu.vector_store %arg33[%swap3A_856, %swap3A_857], %select_n3A_855 {strides = array<i32>} : memref<128x128xf32, #tpu.memory_space<vmem>>, vector<16xf32>,
          %select_n3A_859 = arith.select %gt3A_851, %get3A_77, %get3A_45 : vector<16xi1>, vector<16xf32>
          %swap3A_860 = arith.index_cast %scan3A_844 : i32 to index
          %swap3A_861 = arith.constant 32 : index
          %swap3A_862 = tpu.vector_load %arg33[%swap3A_860, %swap3A_861] {strides = array<i32>} : memref<128x128xf32, #tpu.memory_space<vmem>>, vector<16xf32>,
          tpu.vector_store %arg33[%swap3A_860, %swap3A_861], %select_n3A_859 {strides = array<i32>} : memref<128x128xf32, #tpu.memory_space<vmem>>, vector<16xf32>,
          %select_n3A_863 = arith.select %gt3A_851, %get3A_81, %get3A_49 : vector<16xi1>, vector<16xf32>
          %swap3A_864 = arith.index_cast %scan3A_844 : i32 to index
          %swap3A_865 = arith.constant 48 : index
          %swap3A_866 = tpu.vector_load %arg33[%swap3A_864, %swap3A_865] {strides = array<i32>} : memref<128x128xf32, #tpu.memory_space<vmem>>, vector<16xf32>,
          tpu.vector_store %arg33[%swap3A_864, %swap3A_865], %select_n3A_863 {strides = array<i32>} : memref<128x128xf32, #tpu.memory_space<vmem>>, vector<16xf32>,
          %select_n3A_867 = arith.select %gt3A_851, %get3A_85, %get3A_53 : vector<16xi1>, vector<16xf32>
          %swap3A_868 = arith.index_cast %scan3A_844 : i32 to index
          %swap3A_869 = arith.constant 64 : index
          %swap3A_870 = tpu.vector_load %arg33[%swap3A_868, %swap3A_869] {strides = array<i32>} : memref<128x128xf32, #tpu.memory_space<vmem>>, vector<16xf32>,
          tpu.vector_store %arg33[%swap3A_868, %swap3A_869], %select_n3A_867 {strides = array<i32>} : memref<128x128xf32, #tpu.memory_space<vmem>>, vector<16xf32>,
          %select_n3A_871 = arith.select %gt3A_851, %get3A_89, %get3A_57 : vector<16xi1>, vector<16xf32>
          %swap3A_872 = arith.index_cast %scan3A_844 : i32 to index
          %swap3A_873 = arith.constant 80 : index
          %swap3A_874 = tpu.vector_load %arg33[%swap3A_872, %swap3A_873] {strides = array<i32>} : memref<128x128xf32, #tpu.memory_space<vmem>>, vector<16xf32>,
          tpu.vector_store %arg33[%swap3A_872, %swap3A_873], %select_n3A_871 {strides = array<i32>} : memref<128x128xf32, #tpu.memory_space<vmem>>, vector<16xf32>,
          %select_n3A_875 = arith.select %gt3A_851, %get3A_93, %get3A_61 : vector<16xi1>, vector<16xf32>
          %swap3A_876 = arith.index_cast %scan3A_844 : i32 to index
          %swap3A_877 = arith.constant 96 : index
          %swap3A_878 = tpu.vector_load %arg33[%swap3A_876, %swap3A_877] {strides = array<i32>} : memref<128x128xf32, #tpu.memory_space<vmem>>, vector<16xf32>,
          tpu.vector_store %arg33[%swap3A_876, %swap3A_877], %select_n3A_875 {strides = array<i32>} : memref<128x128xf32, #tpu.memory_space<vmem>>, vector<16xf32>,
          %select_n3A_879 = arith.select %gt3A_851, %get3A_97, %get3A_65 : vector<16xi1>, vector<16xf32>
          %swap3A_880 = arith.index_cast %scan3A_844 : i32 to index
          %swap3A_881 = arith.constant 112 : index
          %swap3A_882 = tpu.vector_load %arg33[%swap3A_880, %swap3A_881] {strides = array<i32>} : memref<128x128xf32, #tpu.memory_space<vmem>>, vector<16xf32>,
          tpu.vector_store %arg33[%swap3A_880, %swap3A_881], %select_n3A_879 {strides = array<i32>} : memref<128x128xf32, #tpu.memory_space<vmem>>, vector<16xf32>,
          %scan3A_883 = arith.constant 0 : i32
          scf.yield %scan3A_883 : i32
        }
        %scan3A_822 = arith.constant 128 : i32
        %dma_start3A_823 = arith.constant 0 : i32
        %dma_start3A_824 = arith.constant 0 : i32
        %dma_start3A_825 = tpu.memref_slice %arg5[%dma_start3A_823, %dma_start3A_824] : memref<100000x128xf32, #tpu.memory_space<hbm>> -> memref<100000x128xf32, #tpu.memory_space<hbm>>
        tpu.enqueue_indirect_dma source(%dma_start3A_825 : memref<100000x128xf32, #tpu.memory_space<hbm>>) target(%arg33 : memref<128x128xf32, #tpu.memory_space<vmem>>) offsets(%arg17 : memref<128xi32, #tpu.memory_space<vmem>>) semaphore(%arg38 : memref<!tpu.dma_semaphore, #tpu.memory_space<semaphore_mem>>) {add = true}
        %dma_start3A_826 = arith.constant 0 : i32
        %dma_start3A_827 = arith.constant 0 : i32
        %dma_start3A_828 = tpu.memref_slice %arg6[%dma_start3A_826, %dma_start3A_827] : memref<1024x128xf32, #tpu.memory_space<hbm>> -> memref<1024x128xf32, #tpu.memory_space<hbm>>
        tpu.enqueue_indirect_dma source(%dma_start3A_828 : memref<1024x128xf32, #tpu.memory_space<hbm>>) target(%arg33 : memref<128x128xf32, #tpu.memory_space<vmem>>) offsets(%arg21 : memref<128xi32, #tpu.memory_space<vmem>>) semaphore(%arg38 : memref<!tpu.dma_semaphore, #tpu.memory_space<semaphore_mem>>) {add = true}
        %dma_start3A_829 = arith.constant 0 : i32
        %dma_start3A_830 = arith.constant 0 : i32
        %dma_start3A_831 = tpu.memref_slice %arg7[%dma_start3A_829, %dma_start3A_830] : memref<1024x128xf32, #tpu.memory_space<hbm>> -> memref<1024x128xf32, #tpu.memory_space<hbm>>
        tpu.enqueue_indirect_dma source(%dma_start3A_831 : memref<1024x128xf32, #tpu.memory_space<hbm>>) target(%arg33 : memref<128x128xf32, #tpu.memory_space<vmem>>) offsets(%arg23 : memref<128xi32, #tpu.memory_space<vmem>>) semaphore(%arg38 : memref<!tpu.dma_semaphore, #tpu.memory_space<semaphore_mem>>) {add = true}
        %dma_start3A_832 = arith.constant 0 : i32
        %dma_start3A_833 = arith.constant 0 : i32
        %dma_start3A_834 = tpu.memref_slice %arg6[%dma_start3A_832, %dma_start3A_833] : memref<1024x128xf32, #tpu.memory_space<hbm>> -> memref<1024x128xf32, #tpu.memory_space<hbm>>
        tpu.enqueue_indirect_dma source(%dma_start3A_834 : memref<1024x128xf32, #tpu.memory_space<hbm>>) target(%arg33 : memref<128x128xf32, #tpu.memory_space<vmem>>) offsets(%arg25 : memref<128xi32, #tpu.memory_space<vmem>>) semaphore(%arg38 : memref<!tpu.dma_semaphore, #tpu.memory_space<semaphore_mem>>) {add = true}
        %dma_start3A_835 = arith.constant 0 : i32
        %dma_start3A_836 = arith.constant 0 : i32
        %dma_start3A_837 = tpu.memref_slice %arg7[%dma_start3A_835, %dma_start3A_836] : memref<1024x128xf32, #tpu.memory_space<hbm>> -> memref<1024x128xf32, #tpu.memory_space<hbm>>
        tpu.enqueue_indirect_dma source(%dma_start3A_837 : memref<1024x128xf32, #tpu.memory_space<hbm>>) target(%arg33 : memref<128x128xf32, #tpu.memory_space<vmem>>) offsets(%arg27 : memref<128xi32, #tpu.memory_space<vmem>>) semaphore(%arg38 : memref<!tpu.dma_semaphore, #tpu.memory_space<semaphore_mem>>) {add = true}
        %dma_start3A_838 = arith.constant 0 : i32
        %dma_start3A_839 = arith.constant 0 : i32
        %dma_start3A_840 = tpu.memref_slice %arg8[%dma_start3A_838, %dma_start3A_839] : memref<1024x128xf32, #tpu.memory_space<hbm>> -> memref<1024x128xf32, #tpu.memory_space<hbm>>
        tpu.enqueue_indirect_dma source(%dma_start3A_840 : memref<1024x128xf32, #tpu.memory_space<hbm>>) target(%arg33 : memref<128x128xf32, #tpu.memory_space<vmem>>) offsets(%arg29 : memref<128xi32, #tpu.memory_space<vmem>>) semaphore(%arg38 : memref<!tpu.dma_semaphore, #tpu.memory_space<semaphore_mem>>) {add = true}
        %dma_start3A_841 = arith.constant 0 : i32
        %dma_start3A_842 = arith.constant 0 : i32
        %dma_start3A_843 = tpu.memref_slice %arg9[%dma_start3A_841, %dma_start3A_842] : memref<1024x128xf32, #tpu.memory_space<hbm>> -> memref<1024x128xf32, #tpu.memory_space<hbm>>
        tpu.enqueue_indirect_dma source(%dma_start3A_843 : memref<1024x128xf32, #tpu.memory_space<hbm>>) target(%arg33 : memref<128x128xf32, #tpu.memory_space<vmem>>) offsets(%arg31 : memref<128xi32, #tpu.memory_space<vmem>>) semaphore(%arg38 : memref<!tpu.dma_semaphore, #tpu.memory_space<semaphore_mem>>) {add = true}
      } else {
      }
      %dma_wait3A_443 = arith.constant 0 : i32
      %dma_wait3A_444 = arith.constant 0 : i32
      %dma_wait3A_445 = tpu.memref_slice %arg5[%dma_wait3A_443, %dma_wait3A_444] : memref<100000x128xf32, #tpu.memory_space<hbm>> -> memref<100000x128xf32, #tpu.memory_space<hbm>>
      tpu.wait_indirect_dma semaphore(%arg37 : memref<!tpu.dma_semaphore, #tpu.memory_space<semaphore_mem>>) src(%dma_wait3A_445 : memref<100000x128xf32, #tpu.memory_space<hbm>>) dst(%arg32 : memref<128x128xf32, #tpu.memory_space<vmem>>)
      %dma_wait3A_446 = arith.constant 0 : i32
      %dma_wait3A_447 = arith.constant 0 : i32
      %dma_wait3A_448 = tpu.memref_slice %arg5[%dma_wait3A_446, %dma_wait3A_447] : memref<100000x128xf32, #tpu.memory_space<hbm>> -> memref<100000x128xf32, #tpu.memory_space<hbm>>
      tpu.wait_indirect_dma semaphore(%arg37 : memref<!tpu.dma_semaphore, #tpu.memory_space<semaphore_mem>>) src(%dma_wait3A_448 : memref<100000x128xf32, #tpu.memory_space<hbm>>) dst(%arg32 : memref<128x128xf32, #tpu.memory_space<vmem>>)
      %dma_wait3A_449 = arith.constant 0 : i32
      %dma_wait3A_450 = arith.constant 0 : i32
      %dma_wait3A_451 = tpu.memref_slice %arg5[%dma_wait3A_449, %dma_wait3A_450] : memref<100000x128xf32, #tpu.memory_space<hbm>> -> memref<100000x128xf32, #tpu.memory_space<hbm>>
      tpu.wait_indirect_dma semaphore(%arg37 : memref<!tpu.dma_semaphore, #tpu.memory_space<semaphore_mem>>) src(%dma_wait3A_451 : memref<100000x128xf32, #tpu.memory_space<hbm>>) dst(%arg32 : memref<128x128xf32, #tpu.memory_space<vmem>>)
      %dma_wait3A_452 = arith.constant 0 : i32
      %dma_wait3A_453 = arith.constant 0 : i32
      %dma_wait3A_454 = tpu.memref_slice %arg5[%dma_wait3A_452, %dma_wait3A_453] : memref<100000x128xf32, #tpu.memory_space<hbm>> -> memref<100000x128xf32, #tpu.memory_space<hbm>>
      tpu.wait_indirect_dma semaphore(%arg37 : memref<!tpu.dma_semaphore, #tpu.memory_space<semaphore_mem>>) src(%dma_wait3A_454 : memref<100000x128xf32, #tpu.memory_space<hbm>>) dst(%arg32 : memref<128x128xf32, #tpu.memory_space<vmem>>)
      %dma_wait3A_455 = arith.constant 0 : i32
      %dma_wait3A_456 = arith.constant 0 : i32
      %dma_wait3A_457 = tpu.memref_slice %arg5[%dma_wait3A_455, %dma_wait3A_456] : memref<100000x128xf32, #tpu.memory_space<hbm>> -> memref<100000x128xf32, #tpu.memory_space<hbm>>
      tpu.wait_indirect_dma semaphore(%arg37 : memref<!tpu.dma_semaphore, #tpu.memory_space<semaphore_mem>>) src(%dma_wait3A_457 : memref<100000x128xf32, #tpu.memory_space<hbm>>) dst(%arg32 : memref<128x128xf32, #tpu.memory_space<vmem>>)
      %dma_wait3A_458 = arith.constant 0 : i32
      %dma_wait3A_459 = arith.constant 0 : i32
      %dma_wait3A_460 = tpu.memref_slice %arg5[%dma_wait3A_458, %dma_wait3A_459] : memref<100000x128xf32, #tpu.memory_space<hbm>> -> memref<100000x128xf32, #tpu.memory_space<hbm>>
      tpu.wait_indirect_dma semaphore(%arg37 : memref<!tpu.dma_semaphore, #tpu.memory_space<semaphore_mem>>) src(%dma_wait3A_460 : memref<100000x128xf32, #tpu.memory_space<hbm>>) dst(%arg32 : memref<128x128xf32, #tpu.memory_space<vmem>>)
      %dma_wait3A_461 = arith.constant 0 : i32
      %dma_wait3A_462 = arith.constant 0 : i32
      %dma_wait3A_463 = tpu.memref_slice %arg5[%dma_wait3A_461, %dma_wait3A_462] : memref<100000x128xf32, #tpu.memory_space<hbm>> -> memref<100000x128xf32, #tpu.memory_space<hbm>>
      tpu.wait_indirect_dma semaphore(%arg37 : memref<!tpu.dma_semaphore, #tpu.memory_space<semaphore_mem>>) src(%dma_wait3A_463 : memref<100000x128xf32, #tpu.memory_space<hbm>>) dst(%arg32 : memref<128x128xf32, #tpu.memory_space<vmem>>)
      %add3A_464 = arith.constant 2 : i32
      %add3A_465 = arith.addi %add3A_433, %add3A_464 : i32
      %lt3A_466 = arith.constant 50 : i32
      %lt3A_467 = arith.cmpi slt, %add3A_465, %lt3A_466 : i32
      %convert_element_type3A_468 = arith.extui %lt3A_467 : i1 to i32
      %cond3A_469 = arith.constant 0 : i32
      %cond3A_470 = arith.cmpi ne, %convert_element_type3A_468, %cond3A_469 : i32
      scf.if %cond3A_470 {
        %add3A_536 = arith.constant 256 : i32
        %add3A_537 = arith.addi %add3A_436, %add3A_536 : i32
        %dma_start3A_538 = tpu.memref_slice %arg2[%add3A_537] : memref<204800xi32, #tpu.memory_space<hbm>> -> memref<128xi32, #tpu.memory_space<hbm>>
        %dma_start3A_539 = tpu.memref_slice %arg2[%add3A_537] : memref<204800xi32, #tpu.memory_space<hbm>> -> memref<128xi32, #tpu.memory_space<hbm>>
        tpu.enqueue_dma source(%dma_start3A_539 : memref<128xi32, #tpu.memory_space<hbm>>) target(%arg16 : memref<128xi32, #tpu.memory_space<vmem>>) target_semaphore(%arg39 : memref<!tpu.dma_semaphore, #tpu.memory_space<semaphore_mem>>)
        %mul3A_540 = arith.constant 4 : i32
        %mul3A_541 = arith.muli %add3A_537, %mul3A_540 : i32
        %dma_start3A_542 = tpu.memref_slice %arg3[%mul3A_541] : memref<819200xi32, #tpu.memory_space<hbm>> -> memref<512xi32, #tpu.memory_space<hbm>>
        %dma_start3A_543 = tpu.memref_slice %arg3[%mul3A_541] : memref<819200xi32, #tpu.memory_space<hbm>> -> memref<512xi32, #tpu.memory_space<hbm>>
        tpu.enqueue_dma source(%dma_start3A_543 : memref<512xi32, #tpu.memory_space<hbm>>) target(%arg14 : memref<512xi32, #tpu.memory_space<vmem>>) target_semaphore(%arg39 : memref<!tpu.dma_semaphore, #tpu.memory_space<semaphore_mem>>)
        %dma_start3A_544 = tpu.memref_slice %arg4[%add3A_537] : memref<204800xi32, #tpu.memory_space<hbm>> -> memref<128xi32, #tpu.memory_space<hbm>>
        %dma_start3A_545 = tpu.memref_slice %arg4[%add3A_537] : memref<204800xi32, #tpu.memory_space<hbm>> -> memref<128xi32, #tpu.memory_space<hbm>>
        tpu.enqueue_dma source(%dma_start3A_545 : memref<128xi32, #tpu.memory_space<hbm>>) target(%arg18 : memref<128xi32, #tpu.memory_space<vmem>>) target_semaphore(%arg39 : memref<!tpu.dma_semaphore, #tpu.memory_space<semaphore_mem>>)
      } else {
      }
      %scan3A_471 = arith.constant 0 : i32
      %scan3A_472 = arith.constant 0 : i32
      %scan3A_473 = arith.constant 64 : i32
      %scan3A_474 = arith.addi %scan3A_472, %scan3A_473 : i32
      %scan3A_475 = arith.constant 1 : i32
      %scan3A_476 = scf.for %scan3A_536 = %scan3A_472 to %scan3A_474 step %scan3A_475 iter_args(%scan3A_537 = %scan3A_471) -> (i32)  : i32 {
        %mul3A_538 = arith.constant 2 : i32
        %mul3A_539 = arith.muli %mul3A_538, %scan3A_536 : i32
        %mul3A_540 = arith.constant 2 : i32
        %mul3A_541 = arith.muli %mul3A_540, %scan3A_536 : i32
        %add3A_542 = arith.constant 1 : i32
        %add3A_543 = arith.addi %mul3A_541, %add3A_542 : i32
        %broadcast_in_dim3A = arith.constant 0.000000e+00 : f32
        %broadcast_in_dim3A_544 = vector.broadcast %broadcast_in_dim3A : f32 to vector<16xf32>
        %broadcast_in_dim3A_545 = arith.constant 0.000000e+00 : f32
        %broadcast_in_dim3A_546 = vector.broadcast %broadcast_in_dim3A_545 : f32 to vector<16xf32>
        %get3A_547 = arith.index_cast %mul3A_539 : i32 to index
        %get3A_548 = arith.constant 0 : index
        %get3A_549 = tpu.vector_load %arg32[%get3A_547, %get3A_548] {strides = array<i32>} : memref<128x128xf32, #tpu.memory_space<vmem>>, vector<16xf32>,
        %add3A_550 = arith.addf %broadcast_in_dim3A_544, %get3A_549 : vector<16xf32>
        %mul3A_551 = arith.mulf %get3A_549, %get3A_549 : vector<16xf32>
        %add3A_552 = arith.addf %broadcast_in_dim3A_546, %mul3A_551 : vector<16xf32>
        %get3A_553 = arith.index_cast %mul3A_539 : i32 to index
        %get3A_554 = arith.constant 16 : index
        %get3A_555 = tpu.vector_load %arg32[%get3A_553, %get3A_554] {strides = array<i32>} : memref<128x128xf32, #tpu.memory_space<vmem>>, vector<16xf32>,
        %add3A_556 = arith.addf %add3A_550, %get3A_555 : vector<16xf32>
        %mul3A_557 = arith.mulf %get3A_555, %get3A_555 : vector<16xf32>
        %add3A_558 = arith.addf %add3A_552, %mul3A_557 : vector<16xf32>
        %get3A_559 = arith.index_cast %mul3A_539 : i32 to index
        %get3A_560 = arith.constant 32 : index
        %get3A_561 = tpu.vector_load %arg32[%get3A_559, %get3A_560] {strides = array<i32>} : memref<128x128xf32, #tpu.memory_space<vmem>>, vector<16xf32>,
        %add3A_562 = arith.addf %add3A_556, %get3A_561 : vector<16xf32>
        %mul3A_563 = arith.mulf %get3A_561, %get3A_561 : vector<16xf32>
        %add3A_564 = arith.addf %add3A_558, %mul3A_563 : vector<16xf32>
        %get3A_565 = arith.index_cast %mul3A_539 : i32 to index
        %get3A_566 = arith.constant 48 : index
        %get3A_567 = tpu.vector_load %arg32[%get3A_565, %get3A_566] {strides = array<i32>} : memref<128x128xf32, #tpu.memory_space<vmem>>, vector<16xf32>,
        %add3A_568 = arith.addf %add3A_562, %get3A_567 : vector<16xf32>
        %mul3A_569 = arith.mulf %get3A_567, %get3A_567 : vector<16xf32>
        %add3A_570 = arith.addf %add3A_564, %mul3A_569 : vector<16xf32>
        %get3A_571 = arith.index_cast %mul3A_539 : i32 to index
        %get3A_572 = arith.constant 64 : index
        %get3A_573 = tpu.vector_load %arg32[%get3A_571, %get3A_572] {strides = array<i32>} : memref<128x128xf32, #tpu.memory_space<vmem>>, vector<16xf32>,
        %add3A_574 = arith.addf %add3A_568, %get3A_573 : vector<16xf32>
        %mul3A_575 = arith.mulf %get3A_573, %get3A_573 : vector<16xf32>
        %add3A_576 = arith.addf %add3A_570, %mul3A_575 : vector<16xf32>
        %get3A_577 = arith.index_cast %mul3A_539 : i32 to index
        %get3A_578 = arith.constant 80 : index
        %get3A_579 = tpu.vector_load %arg32[%get3A_577, %get3A_578] {strides = array<i32>} : memref<128x128xf32, #tpu.memory_space<vmem>>, vector<16xf32>,
        %add3A_580 = arith.addf %add3A_574, %get3A_579 : vector<16xf32>
        %mul3A_581 = arith.mulf %get3A_579, %get3A_579 : vector<16xf32>
        %add3A_582 = arith.addf %add3A_576, %mul3A_581 : vector<16xf32>
        %get3A_583 = arith.index_cast %mul3A_539 : i32 to index
        %get3A_584 = arith.constant 96 : index
        %get3A_585 = tpu.vector_load %arg32[%get3A_583, %get3A_584] {strides = array<i32>} : memref<128x128xf32, #tpu.memory_space<vmem>>, vector<16xf32>,
        %add3A_586 = arith.addf %add3A_580, %get3A_585 : vector<16xf32>
        %mul3A_587 = arith.mulf %get3A_585, %get3A_585 : vector<16xf32>
        %add3A_588 = arith.addf %add3A_582, %mul3A_587 : vector<16xf32>
        %get3A_589 = arith.index_cast %mul3A_539 : i32 to index
        %get3A_590 = arith.constant 112 : index
        %get3A_591 = tpu.vector_load %arg32[%get3A_589, %get3A_590] {strides = array<i32>} : memref<128x128xf32, #tpu.memory_space<vmem>>, vector<16xf32>,
        %add3A_592 = arith.addf %add3A_586, %get3A_591 : vector<16xf32>
        %mul3A_593 = arith.mulf %get3A_591, %get3A_591 : vector<16xf32>
        %add3A_594 = arith.addf %add3A_588, %mul3A_593 : vector<16xf32>
        %reduce_sum3A = arith.constant true
        %reduce_sum3A_595 = vector.broadcast %reduce_sum3A : i1 to vector<16xi1>
        %reduce_sum3A_596 = tpu.scan <sum>, %add3A_592 masked %reduce_sum3A_595 : vector<16xf32>, vector<16xi1> -> vector<16xf32>
        %reduce_sum3A_597 = vector.extract %reduce_sum3A_596[15] : f32 from vector<16xf32>
        %reduce_sum3A_598 = arith.constant true
        %reduce_sum3A_599 = vector.broadcast %reduce_sum3A_598 : i1 to vector<16xi1>
        %reduce_sum3A_600 = tpu.scan <sum>, %add3A_594 masked %reduce_sum3A_599 : vector<16xf32>, vector<16xi1> -> vector<16xf32>
        %reduce_sum3A_601 = vector.extract %reduce_sum3A_600[15] : f32 from vector<16xf32>
        %broadcast_in_dim3A_602 = arith.constant 0.000000e+00 : f32
        %broadcast_in_dim3A_603 = vector.broadcast %broadcast_in_dim3A_602 : f32 to vector<16xf32>
        %broadcast_in_dim3A_604 = arith.constant 0.000000e+00 : f32
        %broadcast_in_dim3A_605 = vector.broadcast %broadcast_in_dim3A_604 : f32 to vector<16xf32>
        %get3A_606 = arith.index_cast %add3A_543 : i32 to index
        %get3A_607 = arith.constant 0 : index
        %get3A_608 = tpu.vector_load %arg32[%get3A_606, %get3A_607] {strides = array<i32>} : memref<128x128xf32, #tpu.memory_space<vmem>>, vector<16xf32>,
        %add3A_609 = arith.addf %broadcast_in_dim3A_603, %get3A_608 : vector<16xf32>
        %mul3A_610 = arith.mulf %get3A_608, %get3A_608 : vector<16xf32>
        %add3A_611 = arith.addf %broadcast_in_dim3A_605, %mul3A_610 : vector<16xf32>
        %get3A_612 = arith.index_cast %add3A_543 : i32 to index
        %get3A_613 = arith.constant 16 : index
        %get3A_614 = tpu.vector_load %arg32[%get3A_612, %get3A_613] {strides = array<i32>} : memref<128x128xf32, #tpu.memory_space<vmem>>, vector<16xf32>,
        %add3A_615 = arith.addf %add3A_609, %get3A_614 : vector<16xf32>
        %mul3A_616 = arith.mulf %get3A_614, %get3A_614 : vector<16xf32>
        %add3A_617 = arith.addf %add3A_611, %mul3A_616 : vector<16xf32>
        %get3A_618 = arith.index_cast %add3A_543 : i32 to index
        %get3A_619 = arith.constant 32 : index
        %get3A_620 = tpu.vector_load %arg32[%get3A_618, %get3A_619] {strides = array<i32>} : memref<128x128xf32, #tpu.memory_space<vmem>>, vector<16xf32>,
        %add3A_621 = arith.addf %add3A_615, %get3A_620 : vector<16xf32>
        %mul3A_622 = arith.mulf %get3A_620, %get3A_620 : vector<16xf32>
        %add3A_623 = arith.addf %add3A_617, %mul3A_622 : vector<16xf32>
        %get3A_624 = arith.index_cast %add3A_543 : i32 to index
        %get3A_625 = arith.constant 48 : index
        %get3A_626 = tpu.vector_load %arg32[%get3A_624, %get3A_625] {strides = array<i32>} : memref<128x128xf32, #tpu.memory_space<vmem>>, vector<16xf32>,
        %add3A_627 = arith.addf %add3A_621, %get3A_626 : vector<16xf32>
        %mul3A_628 = arith.mulf %get3A_626, %get3A_626 : vector<16xf32>
        %add3A_629 = arith.addf %add3A_623, %mul3A_628 : vector<16xf32>
        %get3A_630 = arith.index_cast %add3A_543 : i32 to index
        %get3A_631 = arith.constant 64 : index
        %get3A_632 = tpu.vector_load %arg32[%get3A_630, %get3A_631] {strides = array<i32>} : memref<128x128xf32, #tpu.memory_space<vmem>>, vector<16xf32>,
        %add3A_633 = arith.addf %add3A_627, %get3A_632 : vector<16xf32>
        %mul3A_634 = arith.mulf %get3A_632, %get3A_632 : vector<16xf32>
        %add3A_635 = arith.addf %add3A_629, %mul3A_634 : vector<16xf32>
        %get3A_636 = arith.index_cast %add3A_543 : i32 to index
        %get3A_637 = arith.constant 80 : index
        %get3A_638 = tpu.vector_load %arg32[%get3A_636, %get3A_637] {strides = array<i32>} : memref<128x128xf32, #tpu.memory_space<vmem>>, vector<16xf32>,
        %add3A_639 = arith.addf %add3A_633, %get3A_638 : vector<16xf32>
        %mul3A_640 = arith.mulf %get3A_638, %get3A_638 : vector<16xf32>
        %add3A_641 = arith.addf %add3A_635, %mul3A_640 : vector<16xf32>
        %get3A_642 = arith.index_cast %add3A_543 : i32 to index
        %get3A_643 = arith.constant 96 : index
        %get3A_644 = tpu.vector_load %arg32[%get3A_642, %get3A_643] {strides = array<i32>} : memref<128x128xf32, #tpu.memory_space<vmem>>, vector<16xf32>,
        %add3A_645 = arith.addf %add3A_639, %get3A_644 : vector<16xf32>
        %mul3A_646 = arith.mulf %get3A_644, %get3A_644 : vector<16xf32>
        %add3A_647 = arith.addf %add3A_641, %mul3A_646 : vector<16xf32>
        %get3A_648 = arith.index_cast %add3A_543 : i32 to index
        %get3A_649 = arith.constant 112 : index
        %get3A_650 = tpu.vector_load %arg32[%get3A_648, %get3A_649] {strides = array<i32>} : memref<128x128xf32, #tpu.memory_space<vmem>>, vector<16xf32>,
        %add3A_651 = arith.addf %add3A_645, %get3A_650 : vector<16xf32>
        %mul3A_652 = arith.mulf %get3A_650, %get3A_650 : vector<16xf32>
        %add3A_653 = arith.addf %add3A_647, %mul3A_652 : vector<16xf32>
        %reduce_sum3A_654 = arith.constant true
        %reduce_sum3A_655 = vector.broadcast %reduce_sum3A_654 : i1 to vector<16xi1>
        %reduce_sum3A_656 = tpu.scan <sum>, %add3A_651 masked %reduce_sum3A_655 : vector<16xf32>, vector<16xi1> -> vector<16xf32>
        %reduce_sum3A_657 = vector.extract %reduce_sum3A_656[15] : f32 from vector<16xf32>
        %reduce_sum3A_658 = arith.constant true
        %reduce_sum3A_659 = vector.broadcast %reduce_sum3A_658 : i1 to vector<16xi1>
        %reduce_sum3A_660 = tpu.scan <sum>, %add3A_653 masked %reduce_sum3A_659 : vector<16xf32>, vector<16xi1> -> vector<16xf32>
        %reduce_sum3A_661 = vector.extract %reduce_sum3A_660[15] : f32 from vector<16xf32>
        %mul3A_662 = arith.constant 7.812500e-03 : f32
        %mul3A_663 = arith.mulf %reduce_sum3A_597, %mul3A_662 : f32
        %mul3A_664 = arith.constant 7.812500e-03 : f32
        %mul3A_665 = arith.mulf %reduce_sum3A_601, %mul3A_664 : f32
        %mul3A_666 = arith.mulf %mul3A_663, %mul3A_663 : f32
        %sub3A_667 = arith.subf %mul3A_665, %mul3A_666 : f32
        %add3A_668 = arith.constant 9.99999996E-13 : f32
        %add3A_669 = arith.addf %sub3A_667, %add3A_668 : f32
        %broadcast_in_dim3A_670 = vector.broadcast %add3A_669 : f32 to vector<16xf32>
        %bitcast3A = vector.bitcast %broadcast_in_dim3A_670 : vector<16xf32> to vector<16xi32>
        %shift_right_arithmetic3A = arith.constant 1 : i32
        %shift_right_arithmetic3A_671 = vector.broadcast %shift_right_arithmetic3A : i32 to vector<16xi32>
        %shift_right_arithmetic3A_672 = arith.shrsi %bitcast3A, %shift_right_arithmetic3A_671 : vector<16xi32>
        %sub3A_673 = arith.constant 1597463007 : i32
        %sub3A_674 = vector.broadcast %sub3A_673 : i32 to vector<16xi32>
        %sub3A_675 = arith.subi %sub3A_674, %shift_right_arithmetic3A_672 : vector<16xi32>
        %bitcast3A_676 = vector.bitcast %sub3A_675 : vector<16xi32> to vector<16xf32>
        %mul3A_677 = arith.constant 5.000000e-01 : f32
        %mul3A_678 = vector.broadcast %mul3A_677 : f32 to vector<16xf32>
        %mul3A_679 = arith.mulf %mul3A_678, %broadcast_in_dim3A_670 : vector<16xf32>
        %mul3A_680 = arith.mulf %mul3A_679, %bitcast3A_676 : vector<16xf32>
        %mul3A_681 = arith.mulf %mul3A_680, %bitcast3A_676 : vector<16xf32>
        %sub3A_682 = arith.constant 1.500000e+00 : f32
        %sub3A_683 = vector.broadcast %sub3A_682 : f32 to vector<16xf32>
        %sub3A_684 = arith.subf %sub3A_683, %mul3A_681 : vector<16xf32>
        %mul3A_685 = arith.mulf %bitcast3A_676, %sub3A_684 : vector<16xf32>
        %mul3A_686 = arith.constant 5.000000e-01 : f32
        %mul3A_687 = vector.broadcast %mul3A_686 : f32 to vector<16xf32>
        %mul3A_688 = arith.mulf %mul3A_687, %broadcast_in_dim3A_670 : vector<16xf32>
        %mul3A_689 = arith.mulf %mul3A_688, %mul3A_685 : vector<16xf32>
        %mul3A_690 = arith.mulf %mul3A_689, %mul3A_685 : vector<16xf32>
        %sub3A_691 = arith.constant 1.500000e+00 : f32
        %sub3A_692 = vector.broadcast %sub3A_691 : f32 to vector<16xf32>
        %sub3A_693 = arith.subf %sub3A_692, %mul3A_690 : vector<16xf32>
        %mul3A_694 = arith.mulf %mul3A_685, %sub3A_693 : vector<16xf32>
        %mul3A_695 = arith.constant 5.000000e-01 : f32
        %mul3A_696 = vector.broadcast %mul3A_695 : f32 to vector<16xf32>
        %mul3A_697 = arith.mulf %mul3A_696, %broadcast_in_dim3A_670 : vector<16xf32>
        %mul3A_698 = arith.mulf %mul3A_697, %mul3A_694 : vector<16xf32>
        %mul3A_699 = arith.mulf %mul3A_698, %mul3A_694 : vector<16xf32>
        %sub3A_700 = arith.constant 1.500000e+00 : f32
        %sub3A_701 = vector.broadcast %sub3A_700 : f32 to vector<16xf32>
        %sub3A_702 = arith.subf %sub3A_701, %mul3A_699 : vector<16xf32>
        %mul3A_703 = arith.mulf %mul3A_694, %sub3A_702 : vector<16xf32>
        %broadcast_in_dim3A_704 = vector.broadcast %mul3A_663 : f32 to vector<16xf32>
        %mul3A_705 = arith.mulf %broadcast_in_dim3A_704, %mul3A_703 : vector<16xf32>
        %mul3A_706 = arith.mulf %get3A_549, %mul3A_703 : vector<16xf32>
        %sub3A_707 = arith.subf %mul3A_706, %mul3A_705 : vector<16xf32>
        %mul3A_708 = arith.mulf %sub3A_707, %get3A_3 : vector<16xf32>
        %add3A_709 = arith.addf %mul3A_708, %get3A_19 : vector<16xf32>
        %swap3A_710 = arith.index_cast %mul3A_539 : i32 to index
        %swap3A_711 = arith.constant 0 : index
        %swap3A_712 = tpu.vector_load %arg32[%swap3A_710, %swap3A_711] {strides = array<i32>} : memref<128x128xf32, #tpu.memory_space<vmem>>, vector<16xf32>,
        tpu.vector_store %arg32[%swap3A_710, %swap3A_711], %add3A_709 {strides = array<i32>} : memref<128x128xf32, #tpu.memory_space<vmem>>, vector<16xf32>,
        %mul3A_713 = arith.mulf %get3A_555, %mul3A_703 : vector<16xf32>
        %sub3A_714 = arith.subf %mul3A_713, %mul3A_705 : vector<16xf32>
        %mul3A_715 = arith.mulf %sub3A_714, %get3A_5 : vector<16xf32>
        %add3A_716 = arith.addf %mul3A_715, %get3A_21 : vector<16xf32>
        %swap3A_717 = arith.index_cast %mul3A_539 : i32 to index
        %swap3A_718 = arith.constant 16 : index
        %swap3A_719 = tpu.vector_load %arg32[%swap3A_717, %swap3A_718] {strides = array<i32>} : memref<128x128xf32, #tpu.memory_space<vmem>>, vector<16xf32>,
        tpu.vector_store %arg32[%swap3A_717, %swap3A_718], %add3A_716 {strides = array<i32>} : memref<128x128xf32, #tpu.memory_space<vmem>>, vector<16xf32>,
        %mul3A_720 = arith.mulf %get3A_561, %mul3A_703 : vector<16xf32>
        %sub3A_721 = arith.subf %mul3A_720, %mul3A_705 : vector<16xf32>
        %mul3A_722 = arith.mulf %sub3A_721, %get3A_7 : vector<16xf32>
        %add3A_723 = arith.addf %mul3A_722, %get3A_23 : vector<16xf32>
        %swap3A_724 = arith.index_cast %mul3A_539 : i32 to index
        %swap3A_725 = arith.constant 32 : index
        %swap3A_726 = tpu.vector_load %arg32[%swap3A_724, %swap3A_725] {strides = array<i32>} : memref<128x128xf32, #tpu.memory_space<vmem>>, vector<16xf32>,
        tpu.vector_store %arg32[%swap3A_724, %swap3A_725], %add3A_723 {strides = array<i32>} : memref<128x128xf32, #tpu.memory_space<vmem>>, vector<16xf32>,
        %mul3A_727 = arith.mulf %get3A_567, %mul3A_703 : vector<16xf32>
        %sub3A_728 = arith.subf %mul3A_727, %mul3A_705 : vector<16xf32>
        %mul3A_729 = arith.mulf %sub3A_728, %get3A_9 : vector<16xf32>
        %add3A_730 = arith.addf %mul3A_729, %get3A_25 : vector<16xf32>
        %swap3A_731 = arith.index_cast %mul3A_539 : i32 to index
        %swap3A_732 = arith.constant 48 : index
        %swap3A_733 = tpu.vector_load %arg32[%swap3A_731, %swap3A_732] {strides = array<i32>} : memref<128x128xf32, #tpu.memory_space<vmem>>, vector<16xf32>,
        tpu.vector_store %arg32[%swap3A_731, %swap3A_732], %add3A_730 {strides = array<i32>} : memref<128x128xf32, #tpu.memory_space<vmem>>, vector<16xf32>,
        %mul3A_734 = arith.mulf %get3A_573, %mul3A_703 : vector<16xf32>
        %sub3A_735 = arith.subf %mul3A_734, %mul3A_705 : vector<16xf32>
        %mul3A_736 = arith.mulf %sub3A_735, %get3A_11 : vector<16xf32>
        %add3A_737 = arith.addf %mul3A_736, %get3A_27 : vector<16xf32>
        %swap3A_738 = arith.index_cast %mul3A_539 : i32 to index
        %swap3A_739 = arith.constant 64 : index
        %swap3A_740 = tpu.vector_load %arg32[%swap3A_738, %swap3A_739] {strides = array<i32>} : memref<128x128xf32, #tpu.memory_space<vmem>>, vector<16xf32>,
        tpu.vector_store %arg32[%swap3A_738, %swap3A_739], %add3A_737 {strides = array<i32>} : memref<128x128xf32, #tpu.memory_space<vmem>>, vector<16xf32>,
        %mul3A_741 = arith.mulf %get3A_579, %mul3A_703 : vector<16xf32>
        %sub3A_742 = arith.subf %mul3A_741, %mul3A_705 : vector<16xf32>
        %mul3A_743 = arith.mulf %sub3A_742, %get3A_13 : vector<16xf32>
        %add3A_744 = arith.addf %mul3A_743, %get3A_29 : vector<16xf32>
        %swap3A_745 = arith.index_cast %mul3A_539 : i32 to index
        %swap3A_746 = arith.constant 80 : index
        %swap3A_747 = tpu.vector_load %arg32[%swap3A_745, %swap3A_746] {strides = array<i32>} : memref<128x128xf32, #tpu.memory_space<vmem>>, vector<16xf32>,
        tpu.vector_store %arg32[%swap3A_745, %swap3A_746], %add3A_744 {strides = array<i32>} : memref<128x128xf32, #tpu.memory_space<vmem>>, vector<16xf32>,
        %mul3A_748 = arith.mulf %get3A_585, %mul3A_703 : vector<16xf32>
        %sub3A_749 = arith.subf %mul3A_748, %mul3A_705 : vector<16xf32>
        %mul3A_750 = arith.mulf %sub3A_749, %get3A_15 : vector<16xf32>
        %add3A_751 = arith.addf %mul3A_750, %get3A_31 : vector<16xf32>
        %swap3A_752 = arith.index_cast %mul3A_539 : i32 to index
        %swap3A_753 = arith.constant 96 : index
        %swap3A_754 = tpu.vector_load %arg32[%swap3A_752, %swap3A_753] {strides = array<i32>} : memref<128x128xf32, #tpu.memory_space<vmem>>, vector<16xf32>,
        tpu.vector_store %arg32[%swap3A_752, %swap3A_753], %add3A_751 {strides = array<i32>} : memref<128x128xf32, #tpu.memory_space<vmem>>, vector<16xf32>,
        %mul3A_755 = arith.mulf %get3A_591, %mul3A_703 : vector<16xf32>
        %sub3A_756 = arith.subf %mul3A_755, %mul3A_705 : vector<16xf32>
        %mul3A_757 = arith.mulf %sub3A_756, %get3A_17 : vector<16xf32>
        %add3A_758 = arith.addf %mul3A_757, %get3A_33 : vector<16xf32>
        %swap3A_759 = arith.index_cast %mul3A_539 : i32 to index
        %swap3A_760 = arith.constant 112 : index
        %swap3A_761 = tpu.vector_load %arg32[%swap3A_759, %swap3A_760] {strides = array<i32>} : memref<128x128xf32, #tpu.memory_space<vmem>>, vector<16xf32>,
        tpu.vector_store %arg32[%swap3A_759, %swap3A_760], %add3A_758 {strides = array<i32>} : memref<128x128xf32, #tpu.memory_space<vmem>>, vector<16xf32>,
        %mul3A_762 = arith.constant 7.812500e-03 : f32
        %mul3A_763 = arith.mulf %reduce_sum3A_657, %mul3A_762 : f32
        %mul3A_764 = arith.constant 7.812500e-03 : f32
        %mul3A_765 = arith.mulf %reduce_sum3A_661, %mul3A_764 : f32
        %mul3A_766 = arith.mulf %mul3A_763, %mul3A_763 : f32
        %sub3A_767 = arith.subf %mul3A_765, %mul3A_766 : f32
        %add3A_768 = arith.constant 9.99999996E-13 : f32
        %add3A_769 = arith.addf %sub3A_767, %add3A_768 : f32
        %broadcast_in_dim3A_770 = vector.broadcast %add3A_769 : f32 to vector<16xf32>
        %bitcast3A_771 = vector.bitcast %broadcast_in_dim3A_770 : vector<16xf32> to vector<16xi32>
        %shift_right_arithmetic3A_772 = arith.constant 1 : i32
        %shift_right_arithmetic3A_773 = vector.broadcast %shift_right_arithmetic3A_772 : i32 to vector<16xi32>
        %shift_right_arithmetic3A_774 = arith.shrsi %bitcast3A_771, %shift_right_arithmetic3A_773 : vector<16xi32>
        %sub3A_775 = arith.constant 1597463007 : i32
        %sub3A_776 = vector.broadcast %sub3A_775 : i32 to vector<16xi32>
        %sub3A_777 = arith.subi %sub3A_776, %shift_right_arithmetic3A_774 : vector<16xi32>
        %bitcast3A_778 = vector.bitcast %sub3A_777 : vector<16xi32> to vector<16xf32>
        %mul3A_779 = arith.constant 5.000000e-01 : f32
        %mul3A_780 = vector.broadcast %mul3A_779 : f32 to vector<16xf32>
        %mul3A_781 = arith.mulf %mul3A_780, %broadcast_in_dim3A_770 : vector<16xf32>
        %mul3A_782 = arith.mulf %mul3A_781, %bitcast3A_778 : vector<16xf32>
        %mul3A_783 = arith.mulf %mul3A_782, %bitcast3A_778 : vector<16xf32>
        %sub3A_784 = arith.constant 1.500000e+00 : f32
        %sub3A_785 = vector.broadcast %sub3A_784 : f32 to vector<16xf32>
        %sub3A_786 = arith.subf %sub3A_785, %mul3A_783 : vector<16xf32>
        %mul3A_787 = arith.mulf %bitcast3A_778, %sub3A_786 : vector<16xf32>
        %mul3A_788 = arith.constant 5.000000e-01 : f32
        %mul3A_789 = vector.broadcast %mul3A_788 : f32 to vector<16xf32>
        %mul3A_790 = arith.mulf %mul3A_789, %broadcast_in_dim3A_770 : vector<16xf32>
        %mul3A_791 = arith.mulf %mul3A_790, %mul3A_787 : vector<16xf32>
        %mul3A_792 = arith.mulf %mul3A_791, %mul3A_787 : vector<16xf32>
        %sub3A_793 = arith.constant 1.500000e+00 : f32
        %sub3A_794 = vector.broadcast %sub3A_793 : f32 to vector<16xf32>
        %sub3A_795 = arith.subf %sub3A_794, %mul3A_792 : vector<16xf32>
        %mul3A_796 = arith.mulf %mul3A_787, %sub3A_795 : vector<16xf32>
        %mul3A_797 = arith.constant 5.000000e-01 : f32
        %mul3A_798 = vector.broadcast %mul3A_797 : f32 to vector<16xf32>
        %mul3A_799 = arith.mulf %mul3A_798, %broadcast_in_dim3A_770 : vector<16xf32>
        %mul3A_800 = arith.mulf %mul3A_799, %mul3A_796 : vector<16xf32>
        %mul3A_801 = arith.mulf %mul3A_800, %mul3A_796 : vector<16xf32>
        %sub3A_802 = arith.constant 1.500000e+00 : f32
        %sub3A_803 = vector.broadcast %sub3A_802 : f32 to vector<16xf32>
        %sub3A_804 = arith.subf %sub3A_803, %mul3A_801 : vector<16xf32>
        %mul3A_805 = arith.mulf %mul3A_796, %sub3A_804 : vector<16xf32>
        %broadcast_in_dim3A_806 = vector.broadcast %mul3A_763 : f32 to vector<16xf32>
        %mul3A_807 = arith.mulf %broadcast_in_dim3A_806, %mul3A_805 : vector<16xf32>
        %mul3A_808 = arith.mulf %get3A_608, %mul3A_805 : vector<16xf32>
        %sub3A_809 = arith.subf %mul3A_808, %mul3A_807 : vector<16xf32>
        %mul3A_810 = arith.mulf %sub3A_809, %get3A_3 : vector<16xf32>
        %add3A_811 = arith.addf %mul3A_810, %get3A_19 : vector<16xf32>
        %swap3A_812 = arith.index_cast %add3A_543 : i32 to index
        %swap3A_813 = arith.constant 0 : index
        %swap3A_814 = tpu.vector_load %arg32[%swap3A_812, %swap3A_813] {strides = array<i32>} : memref<128x128xf32, #tpu.memory_space<vmem>>, vector<16xf32>,
        tpu.vector_store %arg32[%swap3A_812, %swap3A_813], %add3A_811 {strides = array<i32>} : memref<128x128xf32, #tpu.memory_space<vmem>>, vector<16xf32>,
        %mul3A_815 = arith.mulf %get3A_614, %mul3A_805 : vector<16xf32>
        %sub3A_816 = arith.subf %mul3A_815, %mul3A_807 : vector<16xf32>
        %mul3A_817 = arith.mulf %sub3A_816, %get3A_5 : vector<16xf32>
        %add3A_818 = arith.addf %mul3A_817, %get3A_21 : vector<16xf32>
        %swap3A_819 = arith.index_cast %add3A_543 : i32 to index
        %swap3A_820 = arith.constant 16 : index
        %swap3A_821 = tpu.vector_load %arg32[%swap3A_819, %swap3A_820] {strides = array<i32>} : memref<128x128xf32, #tpu.memory_space<vmem>>, vector<16xf32>,
        tpu.vector_store %arg32[%swap3A_819, %swap3A_820], %add3A_818 {strides = array<i32>} : memref<128x128xf32, #tpu.memory_space<vmem>>, vector<16xf32>,
        %mul3A_822 = arith.mulf %get3A_620, %mul3A_805 : vector<16xf32>
        %sub3A_823 = arith.subf %mul3A_822, %mul3A_807 : vector<16xf32>
        %mul3A_824 = arith.mulf %sub3A_823, %get3A_7 : vector<16xf32>
        %add3A_825 = arith.addf %mul3A_824, %get3A_23 : vector<16xf32>
        %swap3A_826 = arith.index_cast %add3A_543 : i32 to index
        %swap3A_827 = arith.constant 32 : index
        %swap3A_828 = tpu.vector_load %arg32[%swap3A_826, %swap3A_827] {strides = array<i32>} : memref<128x128xf32, #tpu.memory_space<vmem>>, vector<16xf32>,
        tpu.vector_store %arg32[%swap3A_826, %swap3A_827], %add3A_825 {strides = array<i32>} : memref<128x128xf32, #tpu.memory_space<vmem>>, vector<16xf32>,
        %mul3A_829 = arith.mulf %get3A_626, %mul3A_805 : vector<16xf32>
        %sub3A_830 = arith.subf %mul3A_829, %mul3A_807 : vector<16xf32>
        %mul3A_831 = arith.mulf %sub3A_830, %get3A_9 : vector<16xf32>
        %add3A_832 = arith.addf %mul3A_831, %get3A_25 : vector<16xf32>
        %swap3A_833 = arith.index_cast %add3A_543 : i32 to index
        %swap3A_834 = arith.constant 48 : index
        %swap3A_835 = tpu.vector_load %arg32[%swap3A_833, %swap3A_834] {strides = array<i32>} : memref<128x128xf32, #tpu.memory_space<vmem>>, vector<16xf32>,
        tpu.vector_store %arg32[%swap3A_833, %swap3A_834], %add3A_832 {strides = array<i32>} : memref<128x128xf32, #tpu.memory_space<vmem>>, vector<16xf32>,
        %mul3A_836 = arith.mulf %get3A_632, %mul3A_805 : vector<16xf32>
        %sub3A_837 = arith.subf %mul3A_836, %mul3A_807 : vector<16xf32>
        %mul3A_838 = arith.mulf %sub3A_837, %get3A_11 : vector<16xf32>
        %add3A_839 = arith.addf %mul3A_838, %get3A_27 : vector<16xf32>
        %swap3A_840 = arith.index_cast %add3A_543 : i32 to index
        %swap3A_841 = arith.constant 64 : index
        %swap3A_842 = tpu.vector_load %arg32[%swap3A_840, %swap3A_841] {strides = array<i32>} : memref<128x128xf32, #tpu.memory_space<vmem>>, vector<16xf32>,
        tpu.vector_store %arg32[%swap3A_840, %swap3A_841], %add3A_839 {strides = array<i32>} : memref<128x128xf32, #tpu.memory_space<vmem>>, vector<16xf32>,
        %mul3A_843 = arith.mulf %get3A_638, %mul3A_805 : vector<16xf32>
        %sub3A_844 = arith.subf %mul3A_843, %mul3A_807 : vector<16xf32>
        %mul3A_845 = arith.mulf %sub3A_844, %get3A_13 : vector<16xf32>
        %add3A_846 = arith.addf %mul3A_845, %get3A_29 : vector<16xf32>
        %swap3A_847 = arith.index_cast %add3A_543 : i32 to index
        %swap3A_848 = arith.constant 80 : index
        %swap3A_849 = tpu.vector_load %arg32[%swap3A_847, %swap3A_848] {strides = array<i32>} : memref<128x128xf32, #tpu.memory_space<vmem>>, vector<16xf32>,
        tpu.vector_store %arg32[%swap3A_847, %swap3A_848], %add3A_846 {strides = array<i32>} : memref<128x128xf32, #tpu.memory_space<vmem>>, vector<16xf32>,
        %mul3A_850 = arith.mulf %get3A_644, %mul3A_805 : vector<16xf32>
        %sub3A_851 = arith.subf %mul3A_850, %mul3A_807 : vector<16xf32>
        %mul3A_852 = arith.mulf %sub3A_851, %get3A_15 : vector<16xf32>
        %add3A_853 = arith.addf %mul3A_852, %get3A_31 : vector<16xf32>
        %swap3A_854 = arith.index_cast %add3A_543 : i32 to index
        %swap3A_855 = arith.constant 96 : index
        %swap3A_856 = tpu.vector_load %arg32[%swap3A_854, %swap3A_855] {strides = array<i32>} : memref<128x128xf32, #tpu.memory_space<vmem>>, vector<16xf32>,
        tpu.vector_store %arg32[%swap3A_854, %swap3A_855], %add3A_853 {strides = array<i32>} : memref<128x128xf32, #tpu.memory_space<vmem>>, vector<16xf32>,
        %mul3A_857 = arith.mulf %get3A_650, %mul3A_805 : vector<16xf32>
        %sub3A_858 = arith.subf %mul3A_857, %mul3A_807 : vector<16xf32>
        %mul3A_859 = arith.mulf %sub3A_858, %get3A_17 : vector<16xf32>
        %add3A_860 = arith.addf %mul3A_859, %get3A_33 : vector<16xf32>
        %swap3A_861 = arith.index_cast %add3A_543 : i32 to index
        %swap3A_862 = arith.constant 112 : index
        %swap3A_863 = tpu.vector_load %arg32[%swap3A_861, %swap3A_862] {strides = array<i32>} : memref<128x128xf32, #tpu.memory_space<vmem>>, vector<16xf32>,
        tpu.vector_store %arg32[%swap3A_861, %swap3A_862], %add3A_860 {strides = array<i32>} : memref<128x128xf32, #tpu.memory_space<vmem>>, vector<16xf32>,
        %scan3A_864 = arith.constant 0 : i32
        scf.yield %scan3A_864 : i32
      }
      %scan3A_477 = arith.constant 64 : i32
      %dma_start3A_478 = arith.constant 0 : i32
      %dma_start3A_479 = tpu.memref_slice %arg13[%add3A_436, %dma_start3A_478] : memref<204800x128xf32, #tpu.memory_space<hbm>> -> memref<128x128xf32, #tpu.memory_space<hbm>>
      %dma_start3A_480 = arith.constant 0 : i32
      %dma_start3A_481 = tpu.memref_slice %arg13[%add3A_436, %dma_start3A_480] : memref<204800x128xf32, #tpu.memory_space<hbm>> -> memref<128x128xf32, #tpu.memory_space<hbm>>
      tpu.enqueue_dma source(%arg32 : memref<128x128xf32, #tpu.memory_space<vmem>>) target(%dma_start3A_481 : memref<128x128xf32, #tpu.memory_space<hbm>>) target_semaphore(%arg41 : memref<!tpu.dma_semaphore, #tpu.memory_space<semaphore_mem>>)
      %mul3A_482 = arith.constant 2 : i32
      %mul3A_483 = arith.muli %mul3A_482, %scan3A_428 : i32
      %add3A_484 = arith.constant 1 : i32
      %add3A_485 = arith.addi %mul3A_483, %add3A_484 : i32
      %mul3A_486 = arith.constant 128 : i32
      %mul3A_487 = arith.muli %add3A_485, %mul3A_486 : i32
      %add3A_488 = arith.addi %mul3A_2, %mul3A_487 : i32
      %add3A_489 = arith.constant 1 : i32
      %add3A_490 = arith.addi %add3A_485, %add3A_489 : i32
      %lt3A_491 = arith.constant 50 : i32
      %lt3A_492 = arith.cmpi slt, %add3A_490, %lt3A_491 : i32
      %convert_element_type3A_493 = arith.extui %lt3A_492 : i1 to i32
      %cond3A_494 = arith.constant 0 : i32
      %cond3A_495 = arith.cmpi ne, %convert_element_type3A_493, %cond3A_494 : i32
      scf.if %cond3A_495 {
        %add3A_536 = arith.constant 128 : i32
        %add3A_537 = arith.addi %add3A_488, %add3A_536 : i32
        %dma_wait3A_538 = tpu.memref_slice %arg2[%add3A_537] : memref<204800xi32, #tpu.memory_space<hbm>> -> memref<128xi32, #tpu.memory_space<hbm>>
        %dma_wait3A_539 = tpu.memref_slice %arg2[%add3A_537] : memref<204800xi32, #tpu.memory_space<hbm>> -> memref<128xi32, #tpu.memory_space<hbm>>
        tpu.wait_dma2 semaphore(%arg39 : memref<!tpu.dma_semaphore, #tpu.memory_space<semaphore_mem>>) src(%dma_wait3A_539 : memref<128xi32, #tpu.memory_space<hbm>>) dst(%arg16 : memref<128xi32, #tpu.memory_space<vmem>>)
        %mul3A_540 = arith.constant 4 : i32
        %mul3A_541 = arith.muli %add3A_537, %mul3A_540 : i32
        %dma_wait3A_542 = tpu.memref_slice %arg3[%mul3A_541] : memref<819200xi32, #tpu.memory_space<hbm>> -> memref<512xi32, #tpu.memory_space<hbm>>
        %dma_wait3A_543 = tpu.memref_slice %arg3[%mul3A_541] : memref<819200xi32, #tpu.memory_space<hbm>> -> memref<512xi32, #tpu.memory_space<hbm>>
        tpu.wait_dma2 semaphore(%arg39 : memref<!tpu.dma_semaphore, #tpu.memory_space<semaphore_mem>>) src(%dma_wait3A_543 : memref<512xi32, #tpu.memory_space<hbm>>) dst(%arg14 : memref<512xi32, #tpu.memory_space<vmem>>)
        %dma_wait3A_544 = tpu.memref_slice %arg4[%add3A_537] : memref<204800xi32, #tpu.memory_space<hbm>> -> memref<128xi32, #tpu.memory_space<hbm>>
        %dma_wait3A_545 = tpu.memref_slice %arg4[%add3A_537] : memref<204800xi32, #tpu.memory_space<hbm>> -> memref<128xi32, #tpu.memory_space<hbm>>
        tpu.wait_dma2 semaphore(%arg39 : memref<!tpu.dma_semaphore, #tpu.memory_space<semaphore_mem>>) src(%dma_wait3A_545 : memref<128xi32, #tpu.memory_space<hbm>>) dst(%arg18 : memref<128xi32, #tpu.memory_space<vmem>>)
        %add3A_546 = arith.constant 0 : i32
        %add3A_547 = vector.broadcast %add3A_546 : i32 to vector<16xi32>
        %add3A_548 = arith.addi %iota3A, %add3A_547 : vector<16xi32>
        %mul3A_549 = arith.constant 4 : i32
        %mul3A_550 = vector.broadcast %mul3A_549 : i32 to vector<16xi32>
        %mul3A_551 = arith.muli %add3A_548, %mul3A_550 : vector<16xi32>
        %gather3A_552 = tpu.vector_load_idx %arg14[%mul3A_551] : memref<512xi32, #tpu.memory_space<vmem>>[vector<16xi32>], vector<16xi32>,
        %add3A_553 = arith.constant 1 : i32
        %add3A_554 = vector.broadcast %add3A_553 : i32 to vector<16xi32>
        %add3A_555 = arith.addi %mul3A_551, %add3A_554 : vector<16xi32>
        %gather3A_556 = tpu.vector_load_idx %arg14[%add3A_555] : memref<512xi32, #tpu.memory_space<vmem>>[vector<16xi32>], vector<16xi32>,
        %add3A_557 = arith.constant 2 : i32
        %add3A_558 = vector.broadcast %add3A_557 : i32 to vector<16xi32>
        %add3A_559 = arith.addi %mul3A_551, %add3A_558 : vector<16xi32>
        %gather3A_560 = tpu.vector_load_idx %arg14[%add3A_559] : memref<512xi32, #tpu.memory_space<vmem>>[vector<16xi32>], vector<16xi32>,
        %add3A_561 = arith.constant 3 : i32
        %add3A_562 = vector.broadcast %add3A_561 : i32 to vector<16xi32>
        %add3A_563 = arith.addi %mul3A_551, %add3A_562 : vector<16xi32>
        %gather3A_564 = tpu.vector_load_idx %arg14[%add3A_563] : memref<512xi32, #tpu.memory_space<vmem>>[vector<16xi32>], vector<16xi32>,
        %swap3A_565 = arith.constant 0 : index
        %swap3A_566 = tpu.vector_load %arg20[%swap3A_565] {strides = array<i32>} : memref<128xi32, #tpu.memory_space<vmem>>, vector<16xi32>,
        tpu.vector_store %arg20[%swap3A_565], %gather3A_552 {strides = array<i32>} : memref<128xi32, #tpu.memory_space<vmem>>, vector<16xi32>,
        %swap3A_567 = arith.constant 0 : index
        %swap3A_568 = tpu.vector_load %arg22[%swap3A_567] {strides = array<i32>} : memref<128xi32, #tpu.memory_space<vmem>>, vector<16xi32>,
        tpu.vector_store %arg22[%swap3A_567], %gather3A_556 {strides = array<i32>} : memref<128xi32, #tpu.memory_space<vmem>>, vector<16xi32>,
        %swap3A_569 = arith.constant 0 : index
        %swap3A_570 = tpu.vector_load %arg24[%swap3A_569] {strides = array<i32>} : memref<128xi32, #tpu.memory_space<vmem>>, vector<16xi32>,
        tpu.vector_store %arg24[%swap3A_569], %gather3A_560 {strides = array<i32>} : memref<128xi32, #tpu.memory_space<vmem>>, vector<16xi32>,
        %swap3A_571 = arith.constant 0 : index
        %swap3A_572 = tpu.vector_load %arg26[%swap3A_571] {strides = array<i32>} : memref<128xi32, #tpu.memory_space<vmem>>, vector<16xi32>,
        tpu.vector_store %arg26[%swap3A_571], %gather3A_564 {strides = array<i32>} : memref<128xi32, #tpu.memory_space<vmem>>, vector<16xi32>,
        %sub3A_573 = arith.subi %gather3A_564, %gather3A_556 : vector<16xi32>
        %swap3A_574 = arith.constant 0 : index
        %swap3A_575 = tpu.vector_load %arg28[%swap3A_574] {strides = array<i32>} : memref<128xi32, #tpu.memory_space<vmem>>, vector<16xi32>,
        tpu.vector_store %arg28[%swap3A_574], %sub3A_573 {strides = array<i32>} : memref<128xi32, #tpu.memory_space<vmem>>, vector<16xi32>,
        %sub3A_576 = arith.subi %gather3A_560, %gather3A_552 : vector<16xi32>
        %swap3A_577 = arith.constant 0 : index
        %swap3A_578 = tpu.vector_load %arg30[%swap3A_577] {strides = array<i32>} : memref<128xi32, #tpu.memory_space<vmem>>, vector<16xi32>,
        tpu.vector_store %arg30[%swap3A_577], %sub3A_576 {strides = array<i32>} : memref<128xi32, #tpu.memory_space<vmem>>, vector<16xi32>,
        %add3A_579 = arith.constant 16 : i32
        %add3A_580 = vector.broadcast %add3A_579 : i32 to vector<16xi32>
        %add3A_581 = arith.addi %iota3A, %add3A_580 : vector<16xi32>
        %mul3A_582 = arith.constant 4 : i32
        %mul3A_583 = vector.broadcast %mul3A_582 : i32 to vector<16xi32>
        %mul3A_584 = arith.muli %add3A_581, %mul3A_583 : vector<16xi32>
        %gather3A_585 = tpu.vector_load_idx %arg14[%mul3A_584] : memref<512xi32, #tpu.memory_space<vmem>>[vector<16xi32>], vector<16xi32>,
        %add3A_586 = arith.constant 1 : i32
        %add3A_587 = vector.broadcast %add3A_586 : i32 to vector<16xi32>
        %add3A_588 = arith.addi %mul3A_584, %add3A_587 : vector<16xi32>
        %gather3A_589 = tpu.vector_load_idx %arg14[%add3A_588] : memref<512xi32, #tpu.memory_space<vmem>>[vector<16xi32>], vector<16xi32>,
        %add3A_590 = arith.constant 2 : i32
        %add3A_591 = vector.broadcast %add3A_590 : i32 to vector<16xi32>
        %add3A_592 = arith.addi %mul3A_584, %add3A_591 : vector<16xi32>
        %gather3A_593 = tpu.vector_load_idx %arg14[%add3A_592] : memref<512xi32, #tpu.memory_space<vmem>>[vector<16xi32>], vector<16xi32>,
        %add3A_594 = arith.constant 3 : i32
        %add3A_595 = vector.broadcast %add3A_594 : i32 to vector<16xi32>
        %add3A_596 = arith.addi %mul3A_584, %add3A_595 : vector<16xi32>
        %gather3A_597 = tpu.vector_load_idx %arg14[%add3A_596] : memref<512xi32, #tpu.memory_space<vmem>>[vector<16xi32>], vector<16xi32>,
        %swap3A_598 = arith.constant 16 : index
        %swap3A_599 = tpu.vector_load %arg20[%swap3A_598] {strides = array<i32>} : memref<128xi32, #tpu.memory_space<vmem>>, vector<16xi32>,
        tpu.vector_store %arg20[%swap3A_598], %gather3A_585 {strides = array<i32>} : memref<128xi32, #tpu.memory_space<vmem>>, vector<16xi32>,
        %swap3A_600 = arith.constant 16 : index
        %swap3A_601 = tpu.vector_load %arg22[%swap3A_600] {strides = array<i32>} : memref<128xi32, #tpu.memory_space<vmem>>, vector<16xi32>,
        tpu.vector_store %arg22[%swap3A_600], %gather3A_589 {strides = array<i32>} : memref<128xi32, #tpu.memory_space<vmem>>, vector<16xi32>,
        %swap3A_602 = arith.constant 16 : index
        %swap3A_603 = tpu.vector_load %arg24[%swap3A_602] {strides = array<i32>} : memref<128xi32, #tpu.memory_space<vmem>>, vector<16xi32>,
        tpu.vector_store %arg24[%swap3A_602], %gather3A_593 {strides = array<i32>} : memref<128xi32, #tpu.memory_space<vmem>>, vector<16xi32>,
        %swap3A_604 = arith.constant 16 : index
        %swap3A_605 = tpu.vector_load %arg26[%swap3A_604] {strides = array<i32>} : memref<128xi32, #tpu.memory_space<vmem>>, vector<16xi32>,
        tpu.vector_store %arg26[%swap3A_604], %gather3A_597 {strides = array<i32>} : memref<128xi32, #tpu.memory_space<vmem>>, vector<16xi32>,
        %sub3A_606 = arith.subi %gather3A_597, %gather3A_589 : vector<16xi32>
        %swap3A_607 = arith.constant 16 : index
        %swap3A_608 = tpu.vector_load %arg28[%swap3A_607] {strides = array<i32>} : memref<128xi32, #tpu.memory_space<vmem>>, vector<16xi32>,
        tpu.vector_store %arg28[%swap3A_607], %sub3A_606 {strides = array<i32>} : memref<128xi32, #tpu.memory_space<vmem>>, vector<16xi32>,
        %sub3A_609 = arith.subi %gather3A_593, %gather3A_585 : vector<16xi32>
        %swap3A_610 = arith.constant 16 : index
        %swap3A_611 = tpu.vector_load %arg30[%swap3A_610] {strides = array<i32>} : memref<128xi32, #tpu.memory_space<vmem>>, vector<16xi32>,
        tpu.vector_store %arg30[%swap3A_610], %sub3A_609 {strides = array<i32>} : memref<128xi32, #tpu.memory_space<vmem>>, vector<16xi32>,
        %add3A_612 = arith.constant 32 : i32
        %add3A_613 = vector.broadcast %add3A_612 : i32 to vector<16xi32>
        %add3A_614 = arith.addi %iota3A, %add3A_613 : vector<16xi32>
        %mul3A_615 = arith.constant 4 : i32
        %mul3A_616 = vector.broadcast %mul3A_615 : i32 to vector<16xi32>
        %mul3A_617 = arith.muli %add3A_614, %mul3A_616 : vector<16xi32>
        %gather3A_618 = tpu.vector_load_idx %arg14[%mul3A_617] : memref<512xi32, #tpu.memory_space<vmem>>[vector<16xi32>], vector<16xi32>,
        %add3A_619 = arith.constant 1 : i32
        %add3A_620 = vector.broadcast %add3A_619 : i32 to vector<16xi32>
        %add3A_621 = arith.addi %mul3A_617, %add3A_620 : vector<16xi32>
        %gather3A_622 = tpu.vector_load_idx %arg14[%add3A_621] : memref<512xi32, #tpu.memory_space<vmem>>[vector<16xi32>], vector<16xi32>,
        %add3A_623 = arith.constant 2 : i32
        %add3A_624 = vector.broadcast %add3A_623 : i32 to vector<16xi32>
        %add3A_625 = arith.addi %mul3A_617, %add3A_624 : vector<16xi32>
        %gather3A_626 = tpu.vector_load_idx %arg14[%add3A_625] : memref<512xi32, #tpu.memory_space<vmem>>[vector<16xi32>], vector<16xi32>,
        %add3A_627 = arith.constant 3 : i32
        %add3A_628 = vector.broadcast %add3A_627 : i32 to vector<16xi32>
        %add3A_629 = arith.addi %mul3A_617, %add3A_628 : vector<16xi32>
        %gather3A_630 = tpu.vector_load_idx %arg14[%add3A_629] : memref<512xi32, #tpu.memory_space<vmem>>[vector<16xi32>], vector<16xi32>,
        %swap3A_631 = arith.constant 32 : index
        %swap3A_632 = tpu.vector_load %arg20[%swap3A_631] {strides = array<i32>} : memref<128xi32, #tpu.memory_space<vmem>>, vector<16xi32>,
        tpu.vector_store %arg20[%swap3A_631], %gather3A_618 {strides = array<i32>} : memref<128xi32, #tpu.memory_space<vmem>>, vector<16xi32>,
        %swap3A_633 = arith.constant 32 : index
        %swap3A_634 = tpu.vector_load %arg22[%swap3A_633] {strides = array<i32>} : memref<128xi32, #tpu.memory_space<vmem>>, vector<16xi32>,
        tpu.vector_store %arg22[%swap3A_633], %gather3A_622 {strides = array<i32>} : memref<128xi32, #tpu.memory_space<vmem>>, vector<16xi32>,
        %swap3A_635 = arith.constant 32 : index
        %swap3A_636 = tpu.vector_load %arg24[%swap3A_635] {strides = array<i32>} : memref<128xi32, #tpu.memory_space<vmem>>, vector<16xi32>,
        tpu.vector_store %arg24[%swap3A_635], %gather3A_626 {strides = array<i32>} : memref<128xi32, #tpu.memory_space<vmem>>, vector<16xi32>,
        %swap3A_637 = arith.constant 32 : index
        %swap3A_638 = tpu.vector_load %arg26[%swap3A_637] {strides = array<i32>} : memref<128xi32, #tpu.memory_space<vmem>>, vector<16xi32>,
        tpu.vector_store %arg26[%swap3A_637], %gather3A_630 {strides = array<i32>} : memref<128xi32, #tpu.memory_space<vmem>>, vector<16xi32>,
        %sub3A_639 = arith.subi %gather3A_630, %gather3A_622 : vector<16xi32>
        %swap3A_640 = arith.constant 32 : index
        %swap3A_641 = tpu.vector_load %arg28[%swap3A_640] {strides = array<i32>} : memref<128xi32, #tpu.memory_space<vmem>>, vector<16xi32>,
        tpu.vector_store %arg28[%swap3A_640], %sub3A_639 {strides = array<i32>} : memref<128xi32, #tpu.memory_space<vmem>>, vector<16xi32>,
        %sub3A_642 = arith.subi %gather3A_626, %gather3A_618 : vector<16xi32>
        %swap3A_643 = arith.constant 32 : index
        %swap3A_644 = tpu.vector_load %arg30[%swap3A_643] {strides = array<i32>} : memref<128xi32, #tpu.memory_space<vmem>>, vector<16xi32>,
        tpu.vector_store %arg30[%swap3A_643], %sub3A_642 {strides = array<i32>} : memref<128xi32, #tpu.memory_space<vmem>>, vector<16xi32>,
        %add3A_645 = arith.constant 48 : i32
        %add3A_646 = vector.broadcast %add3A_645 : i32 to vector<16xi32>
        %add3A_647 = arith.addi %iota3A, %add3A_646 : vector<16xi32>
        %mul3A_648 = arith.constant 4 : i32
        %mul3A_649 = vector.broadcast %mul3A_648 : i32 to vector<16xi32>
        %mul3A_650 = arith.muli %add3A_647, %mul3A_649 : vector<16xi32>
        %gather3A_651 = tpu.vector_load_idx %arg14[%mul3A_650] : memref<512xi32, #tpu.memory_space<vmem>>[vector<16xi32>], vector<16xi32>,
        %add3A_652 = arith.constant 1 : i32
        %add3A_653 = vector.broadcast %add3A_652 : i32 to vector<16xi32>
        %add3A_654 = arith.addi %mul3A_650, %add3A_653 : vector<16xi32>
        %gather3A_655 = tpu.vector_load_idx %arg14[%add3A_654] : memref<512xi32, #tpu.memory_space<vmem>>[vector<16xi32>], vector<16xi32>,
        %add3A_656 = arith.constant 2 : i32
        %add3A_657 = vector.broadcast %add3A_656 : i32 to vector<16xi32>
        %add3A_658 = arith.addi %mul3A_650, %add3A_657 : vector<16xi32>
        %gather3A_659 = tpu.vector_load_idx %arg14[%add3A_658] : memref<512xi32, #tpu.memory_space<vmem>>[vector<16xi32>], vector<16xi32>,
        %add3A_660 = arith.constant 3 : i32
        %add3A_661 = vector.broadcast %add3A_660 : i32 to vector<16xi32>
        %add3A_662 = arith.addi %mul3A_650, %add3A_661 : vector<16xi32>
        %gather3A_663 = tpu.vector_load_idx %arg14[%add3A_662] : memref<512xi32, #tpu.memory_space<vmem>>[vector<16xi32>], vector<16xi32>,
        %swap3A_664 = arith.constant 48 : index
        %swap3A_665 = tpu.vector_load %arg20[%swap3A_664] {strides = array<i32>} : memref<128xi32, #tpu.memory_space<vmem>>, vector<16xi32>,
        tpu.vector_store %arg20[%swap3A_664], %gather3A_651 {strides = array<i32>} : memref<128xi32, #tpu.memory_space<vmem>>, vector<16xi32>,
        %swap3A_666 = arith.constant 48 : index
        %swap3A_667 = tpu.vector_load %arg22[%swap3A_666] {strides = array<i32>} : memref<128xi32, #tpu.memory_space<vmem>>, vector<16xi32>,
        tpu.vector_store %arg22[%swap3A_666], %gather3A_655 {strides = array<i32>} : memref<128xi32, #tpu.memory_space<vmem>>, vector<16xi32>,
        %swap3A_668 = arith.constant 48 : index
        %swap3A_669 = tpu.vector_load %arg24[%swap3A_668] {strides = array<i32>} : memref<128xi32, #tpu.memory_space<vmem>>, vector<16xi32>,
        tpu.vector_store %arg24[%swap3A_668], %gather3A_659 {strides = array<i32>} : memref<128xi32, #tpu.memory_space<vmem>>, vector<16xi32>,
        %swap3A_670 = arith.constant 48 : index
        %swap3A_671 = tpu.vector_load %arg26[%swap3A_670] {strides = array<i32>} : memref<128xi32, #tpu.memory_space<vmem>>, vector<16xi32>,
        tpu.vector_store %arg26[%swap3A_670], %gather3A_663 {strides = array<i32>} : memref<128xi32, #tpu.memory_space<vmem>>, vector<16xi32>,
        %sub3A_672 = arith.subi %gather3A_663, %gather3A_655 : vector<16xi32>
        %swap3A_673 = arith.constant 48 : index
        %swap3A_674 = tpu.vector_load %arg28[%swap3A_673] {strides = array<i32>} : memref<128xi32, #tpu.memory_space<vmem>>, vector<16xi32>,
        tpu.vector_store %arg28[%swap3A_673], %sub3A_672 {strides = array<i32>} : memref<128xi32, #tpu.memory_space<vmem>>, vector<16xi32>,
        %sub3A_675 = arith.subi %gather3A_659, %gather3A_651 : vector<16xi32>
        %swap3A_676 = arith.constant 48 : index
        %swap3A_677 = tpu.vector_load %arg30[%swap3A_676] {strides = array<i32>} : memref<128xi32, #tpu.memory_space<vmem>>, vector<16xi32>,
        tpu.vector_store %arg30[%swap3A_676], %sub3A_675 {strides = array<i32>} : memref<128xi32, #tpu.memory_space<vmem>>, vector<16xi32>,
        %add3A_678 = arith.constant 64 : i32
        %add3A_679 = vector.broadcast %add3A_678 : i32 to vector<16xi32>
        %add3A_680 = arith.addi %iota3A, %add3A_679 : vector<16xi32>
        %mul3A_681 = arith.constant 4 : i32
        %mul3A_682 = vector.broadcast %mul3A_681 : i32 to vector<16xi32>
        %mul3A_683 = arith.muli %add3A_680, %mul3A_682 : vector<16xi32>
        %gather3A_684 = tpu.vector_load_idx %arg14[%mul3A_683] : memref<512xi32, #tpu.memory_space<vmem>>[vector<16xi32>], vector<16xi32>,
        %add3A_685 = arith.constant 1 : i32
        %add3A_686 = vector.broadcast %add3A_685 : i32 to vector<16xi32>
        %add3A_687 = arith.addi %mul3A_683, %add3A_686 : vector<16xi32>
        %gather3A_688 = tpu.vector_load_idx %arg14[%add3A_687] : memref<512xi32, #tpu.memory_space<vmem>>[vector<16xi32>], vector<16xi32>,
        %add3A_689 = arith.constant 2 : i32
        %add3A_690 = vector.broadcast %add3A_689 : i32 to vector<16xi32>
        %add3A_691 = arith.addi %mul3A_683, %add3A_690 : vector<16xi32>
        %gather3A_692 = tpu.vector_load_idx %arg14[%add3A_691] : memref<512xi32, #tpu.memory_space<vmem>>[vector<16xi32>], vector<16xi32>,
        %add3A_693 = arith.constant 3 : i32
        %add3A_694 = vector.broadcast %add3A_693 : i32 to vector<16xi32>
        %add3A_695 = arith.addi %mul3A_683, %add3A_694 : vector<16xi32>
        %gather3A_696 = tpu.vector_load_idx %arg14[%add3A_695] : memref<512xi32, #tpu.memory_space<vmem>>[vector<16xi32>], vector<16xi32>,
        %swap3A_697 = arith.constant 64 : index
        %swap3A_698 = tpu.vector_load %arg20[%swap3A_697] {strides = array<i32>} : memref<128xi32, #tpu.memory_space<vmem>>, vector<16xi32>,
        tpu.vector_store %arg20[%swap3A_697], %gather3A_684 {strides = array<i32>} : memref<128xi32, #tpu.memory_space<vmem>>, vector<16xi32>,
        %swap3A_699 = arith.constant 64 : index
        %swap3A_700 = tpu.vector_load %arg22[%swap3A_699] {strides = array<i32>} : memref<128xi32, #tpu.memory_space<vmem>>, vector<16xi32>,
        tpu.vector_store %arg22[%swap3A_699], %gather3A_688 {strides = array<i32>} : memref<128xi32, #tpu.memory_space<vmem>>, vector<16xi32>,
        %swap3A_701 = arith.constant 64 : index
        %swap3A_702 = tpu.vector_load %arg24[%swap3A_701] {strides = array<i32>} : memref<128xi32, #tpu.memory_space<vmem>>, vector<16xi32>,
        tpu.vector_store %arg24[%swap3A_701], %gather3A_692 {strides = array<i32>} : memref<128xi32, #tpu.memory_space<vmem>>, vector<16xi32>,
        %swap3A_703 = arith.constant 64 : index
        %swap3A_704 = tpu.vector_load %arg26[%swap3A_703] {strides = array<i32>} : memref<128xi32, #tpu.memory_space<vmem>>, vector<16xi32>,
        tpu.vector_store %arg26[%swap3A_703], %gather3A_696 {strides = array<i32>} : memref<128xi32, #tpu.memory_space<vmem>>, vector<16xi32>,
        %sub3A_705 = arith.subi %gather3A_696, %gather3A_688 : vector<16xi32>
        %swap3A_706 = arith.constant 64 : index
        %swap3A_707 = tpu.vector_load %arg28[%swap3A_706] {strides = array<i32>} : memref<128xi32, #tpu.memory_space<vmem>>, vector<16xi32>,
        tpu.vector_store %arg28[%swap3A_706], %sub3A_705 {strides = array<i32>} : memref<128xi32, #tpu.memory_space<vmem>>, vector<16xi32>,
        %sub3A_708 = arith.subi %gather3A_692, %gather3A_684 : vector<16xi32>
        %swap3A_709 = arith.constant 64 : index
        %swap3A_710 = tpu.vector_load %arg30[%swap3A_709] {strides = array<i32>} : memref<128xi32, #tpu.memory_space<vmem>>, vector<16xi32>,
        tpu.vector_store %arg30[%swap3A_709], %sub3A_708 {strides = array<i32>} : memref<128xi32, #tpu.memory_space<vmem>>, vector<16xi32>,
        %add3A_711 = arith.constant 80 : i32
        %add3A_712 = vector.broadcast %add3A_711 : i32 to vector<16xi32>
        %add3A_713 = arith.addi %iota3A, %add3A_712 : vector<16xi32>
        %mul3A_714 = arith.constant 4 : i32
        %mul3A_715 = vector.broadcast %mul3A_714 : i32 to vector<16xi32>
        %mul3A_716 = arith.muli %add3A_713, %mul3A_715 : vector<16xi32>
        %gather3A_717 = tpu.vector_load_idx %arg14[%mul3A_716] : memref<512xi32, #tpu.memory_space<vmem>>[vector<16xi32>], vector<16xi32>,
        %add3A_718 = arith.constant 1 : i32
        %add3A_719 = vector.broadcast %add3A_718 : i32 to vector<16xi32>
        %add3A_720 = arith.addi %mul3A_716, %add3A_719 : vector<16xi32>
        %gather3A_721 = tpu.vector_load_idx %arg14[%add3A_720] : memref<512xi32, #tpu.memory_space<vmem>>[vector<16xi32>], vector<16xi32>,
        %add3A_722 = arith.constant 2 : i32
        %add3A_723 = vector.broadcast %add3A_722 : i32 to vector<16xi32>
        %add3A_724 = arith.addi %mul3A_716, %add3A_723 : vector<16xi32>
        %gather3A_725 = tpu.vector_load_idx %arg14[%add3A_724] : memref<512xi32, #tpu.memory_space<vmem>>[vector<16xi32>], vector<16xi32>,
        %add3A_726 = arith.constant 3 : i32
        %add3A_727 = vector.broadcast %add3A_726 : i32 to vector<16xi32>
        %add3A_728 = arith.addi %mul3A_716, %add3A_727 : vector<16xi32>
        %gather3A_729 = tpu.vector_load_idx %arg14[%add3A_728] : memref<512xi32, #tpu.memory_space<vmem>>[vector<16xi32>], vector<16xi32>,
        %swap3A_730 = arith.constant 80 : index
        %swap3A_731 = tpu.vector_load %arg20[%swap3A_730] {strides = array<i32>} : memref<128xi32, #tpu.memory_space<vmem>>, vector<16xi32>,
        tpu.vector_store %arg20[%swap3A_730], %gather3A_717 {strides = array<i32>} : memref<128xi32, #tpu.memory_space<vmem>>, vector<16xi32>,
        %swap3A_732 = arith.constant 80 : index
        %swap3A_733 = tpu.vector_load %arg22[%swap3A_732] {strides = array<i32>} : memref<128xi32, #tpu.memory_space<vmem>>, vector<16xi32>,
        tpu.vector_store %arg22[%swap3A_732], %gather3A_721 {strides = array<i32>} : memref<128xi32, #tpu.memory_space<vmem>>, vector<16xi32>,
        %swap3A_734 = arith.constant 80 : index
        %swap3A_735 = tpu.vector_load %arg24[%swap3A_734] {strides = array<i32>} : memref<128xi32, #tpu.memory_space<vmem>>, vector<16xi32>,
        tpu.vector_store %arg24[%swap3A_734], %gather3A_725 {strides = array<i32>} : memref<128xi32, #tpu.memory_space<vmem>>, vector<16xi32>,
        %swap3A_736 = arith.constant 80 : index
        %swap3A_737 = tpu.vector_load %arg26[%swap3A_736] {strides = array<i32>} : memref<128xi32, #tpu.memory_space<vmem>>, vector<16xi32>,
        tpu.vector_store %arg26[%swap3A_736], %gather3A_729 {strides = array<i32>} : memref<128xi32, #tpu.memory_space<vmem>>, vector<16xi32>,
        %sub3A_738 = arith.subi %gather3A_729, %gather3A_721 : vector<16xi32>
        %swap3A_739 = arith.constant 80 : index
        %swap3A_740 = tpu.vector_load %arg28[%swap3A_739] {strides = array<i32>} : memref<128xi32, #tpu.memory_space<vmem>>, vector<16xi32>,
        tpu.vector_store %arg28[%swap3A_739], %sub3A_738 {strides = array<i32>} : memref<128xi32, #tpu.memory_space<vmem>>, vector<16xi32>,
        %sub3A_741 = arith.subi %gather3A_725, %gather3A_717 : vector<16xi32>
        %swap3A_742 = arith.constant 80 : index
        %swap3A_743 = tpu.vector_load %arg30[%swap3A_742] {strides = array<i32>} : memref<128xi32, #tpu.memory_space<vmem>>, vector<16xi32>,
        tpu.vector_store %arg30[%swap3A_742], %sub3A_741 {strides = array<i32>} : memref<128xi32, #tpu.memory_space<vmem>>, vector<16xi32>,
        %add3A_744 = arith.constant 96 : i32
        %add3A_745 = vector.broadcast %add3A_744 : i32 to vector<16xi32>
        %add3A_746 = arith.addi %iota3A, %add3A_745 : vector<16xi32>
        %mul3A_747 = arith.constant 4 : i32
        %mul3A_748 = vector.broadcast %mul3A_747 : i32 to vector<16xi32>
        %mul3A_749 = arith.muli %add3A_746, %mul3A_748 : vector<16xi32>
        %gather3A_750 = tpu.vector_load_idx %arg14[%mul3A_749] : memref<512xi32, #tpu.memory_space<vmem>>[vector<16xi32>], vector<16xi32>,
        %add3A_751 = arith.constant 1 : i32
        %add3A_752 = vector.broadcast %add3A_751 : i32 to vector<16xi32>
        %add3A_753 = arith.addi %mul3A_749, %add3A_752 : vector<16xi32>
        %gather3A_754 = tpu.vector_load_idx %arg14[%add3A_753] : memref<512xi32, #tpu.memory_space<vmem>>[vector<16xi32>], vector<16xi32>,
        %add3A_755 = arith.constant 2 : i32
        %add3A_756 = vector.broadcast %add3A_755 : i32 to vector<16xi32>
        %add3A_757 = arith.addi %mul3A_749, %add3A_756 : vector<16xi32>
        %gather3A_758 = tpu.vector_load_idx %arg14[%add3A_757] : memref<512xi32, #tpu.memory_space<vmem>>[vector<16xi32>], vector<16xi32>,
        %add3A_759 = arith.constant 3 : i32
        %add3A_760 = vector.broadcast %add3A_759 : i32 to vector<16xi32>
        %add3A_761 = arith.addi %mul3A_749, %add3A_760 : vector<16xi32>
        %gather3A_762 = tpu.vector_load_idx %arg14[%add3A_761] : memref<512xi32, #tpu.memory_space<vmem>>[vector<16xi32>], vector<16xi32>,
        %swap3A_763 = arith.constant 96 : index
        %swap3A_764 = tpu.vector_load %arg20[%swap3A_763] {strides = array<i32>} : memref<128xi32, #tpu.memory_space<vmem>>, vector<16xi32>,
        tpu.vector_store %arg20[%swap3A_763], %gather3A_750 {strides = array<i32>} : memref<128xi32, #tpu.memory_space<vmem>>, vector<16xi32>,
        %swap3A_765 = arith.constant 96 : index
        %swap3A_766 = tpu.vector_load %arg22[%swap3A_765] {strides = array<i32>} : memref<128xi32, #tpu.memory_space<vmem>>, vector<16xi32>,
        tpu.vector_store %arg22[%swap3A_765], %gather3A_754 {strides = array<i32>} : memref<128xi32, #tpu.memory_space<vmem>>, vector<16xi32>,
        %swap3A_767 = arith.constant 96 : index
        %swap3A_768 = tpu.vector_load %arg24[%swap3A_767] {strides = array<i32>} : memref<128xi32, #tpu.memory_space<vmem>>, vector<16xi32>,
        tpu.vector_store %arg24[%swap3A_767], %gather3A_758 {strides = array<i32>} : memref<128xi32, #tpu.memory_space<vmem>>, vector<16xi32>,
        %swap3A_769 = arith.constant 96 : index
        %swap3A_770 = tpu.vector_load %arg26[%swap3A_769] {strides = array<i32>} : memref<128xi32, #tpu.memory_space<vmem>>, vector<16xi32>,
        tpu.vector_store %arg26[%swap3A_769], %gather3A_762 {strides = array<i32>} : memref<128xi32, #tpu.memory_space<vmem>>, vector<16xi32>,
        %sub3A_771 = arith.subi %gather3A_762, %gather3A_754 : vector<16xi32>
        %swap3A_772 = arith.constant 96 : index
        %swap3A_773 = tpu.vector_load %arg28[%swap3A_772] {strides = array<i32>} : memref<128xi32, #tpu.memory_space<vmem>>, vector<16xi32>,
        tpu.vector_store %arg28[%swap3A_772], %sub3A_771 {strides = array<i32>} : memref<128xi32, #tpu.memory_space<vmem>>, vector<16xi32>,
        %sub3A_774 = arith.subi %gather3A_758, %gather3A_750 : vector<16xi32>
        %swap3A_775 = arith.constant 96 : index
        %swap3A_776 = tpu.vector_load %arg30[%swap3A_775] {strides = array<i32>} : memref<128xi32, #tpu.memory_space<vmem>>, vector<16xi32>,
        tpu.vector_store %arg30[%swap3A_775], %sub3A_774 {strides = array<i32>} : memref<128xi32, #tpu.memory_space<vmem>>, vector<16xi32>,
        %add3A_777 = arith.constant 112 : i32
        %add3A_778 = vector.broadcast %add3A_777 : i32 to vector<16xi32>
        %add3A_779 = arith.addi %iota3A, %add3A_778 : vector<16xi32>
        %mul3A_780 = arith.constant 4 : i32
        %mul3A_781 = vector.broadcast %mul3A_780 : i32 to vector<16xi32>
        %mul3A_782 = arith.muli %add3A_779, %mul3A_781 : vector<16xi32>
        %gather3A_783 = tpu.vector_load_idx %arg14[%mul3A_782] : memref<512xi32, #tpu.memory_space<vmem>>[vector<16xi32>], vector<16xi32>,
        %add3A_784 = arith.constant 1 : i32
        %add3A_785 = vector.broadcast %add3A_784 : i32 to vector<16xi32>
        %add3A_786 = arith.addi %mul3A_782, %add3A_785 : vector<16xi32>
        %gather3A_787 = tpu.vector_load_idx %arg14[%add3A_786] : memref<512xi32, #tpu.memory_space<vmem>>[vector<16xi32>], vector<16xi32>,
        %add3A_788 = arith.constant 2 : i32
        %add3A_789 = vector.broadcast %add3A_788 : i32 to vector<16xi32>
        %add3A_790 = arith.addi %mul3A_782, %add3A_789 : vector<16xi32>
        %gather3A_791 = tpu.vector_load_idx %arg14[%add3A_790] : memref<512xi32, #tpu.memory_space<vmem>>[vector<16xi32>], vector<16xi32>,
        %add3A_792 = arith.constant 3 : i32
        %add3A_793 = vector.broadcast %add3A_792 : i32 to vector<16xi32>
        %add3A_794 = arith.addi %mul3A_782, %add3A_793 : vector<16xi32>
        %gather3A_795 = tpu.vector_load_idx %arg14[%add3A_794] : memref<512xi32, #tpu.memory_space<vmem>>[vector<16xi32>], vector<16xi32>,
        %swap3A_796 = arith.constant 112 : index
        %swap3A_797 = tpu.vector_load %arg20[%swap3A_796] {strides = array<i32>} : memref<128xi32, #tpu.memory_space<vmem>>, vector<16xi32>,
        tpu.vector_store %arg20[%swap3A_796], %gather3A_783 {strides = array<i32>} : memref<128xi32, #tpu.memory_space<vmem>>, vector<16xi32>,
        %swap3A_798 = arith.constant 112 : index
        %swap3A_799 = tpu.vector_load %arg22[%swap3A_798] {strides = array<i32>} : memref<128xi32, #tpu.memory_space<vmem>>, vector<16xi32>,
        tpu.vector_store %arg22[%swap3A_798], %gather3A_787 {strides = array<i32>} : memref<128xi32, #tpu.memory_space<vmem>>, vector<16xi32>,
        %swap3A_800 = arith.constant 112 : index
        %swap3A_801 = tpu.vector_load %arg24[%swap3A_800] {strides = array<i32>} : memref<128xi32, #tpu.memory_space<vmem>>, vector<16xi32>,
        tpu.vector_store %arg24[%swap3A_800], %gather3A_791 {strides = array<i32>} : memref<128xi32, #tpu.memory_space<vmem>>, vector<16xi32>,
        %swap3A_802 = arith.constant 112 : index
        %swap3A_803 = tpu.vector_load %arg26[%swap3A_802] {strides = array<i32>} : memref<128xi32, #tpu.memory_space<vmem>>, vector<16xi32>,
        tpu.vector_store %arg26[%swap3A_802], %gather3A_795 {strides = array<i32>} : memref<128xi32, #tpu.memory_space<vmem>>, vector<16xi32>,
        %sub3A_804 = arith.subi %gather3A_795, %gather3A_787 : vector<16xi32>
        %swap3A_805 = arith.constant 112 : index
        %swap3A_806 = tpu.vector_load %arg28[%swap3A_805] {strides = array<i32>} : memref<128xi32, #tpu.memory_space<vmem>>, vector<16xi32>,
        tpu.vector_store %arg28[%swap3A_805], %sub3A_804 {strides = array<i32>} : memref<128xi32, #tpu.memory_space<vmem>>, vector<16xi32>,
        %sub3A_807 = arith.subi %gather3A_791, %gather3A_783 : vector<16xi32>
        %swap3A_808 = arith.constant 112 : index
        %swap3A_809 = tpu.vector_load %arg30[%swap3A_808] {strides = array<i32>} : memref<128xi32, #tpu.memory_space<vmem>>, vector<16xi32>,
        tpu.vector_store %arg30[%swap3A_808], %sub3A_807 {strides = array<i32>} : memref<128xi32, #tpu.memory_space<vmem>>, vector<16xi32>,
        %sub3A_810 = arith.subi %add3A_537, %mul3A_2 : i32
        %ge3A_811 = arith.constant 256 : i32
        %ge3A_812 = arith.cmpi sge, %sub3A_810, %ge3A_811 : i32
        %convert_element_type3A_813 = arith.extui %ge3A_812 : i1 to i32
        %cond3A_814 = arith.constant 0 : i32
        %cond3A_815 = arith.cmpi ne, %convert_element_type3A_813, %cond3A_814 : i32
        scf.if %cond3A_815 {
          %dma_wait3A_844 = arith.constant 0 : i32
          %dma_wait3A_845 = tpu.memref_slice %arg13[%mul3A_2, %dma_wait3A_844] : memref<204800x128xf32, #tpu.memory_space<hbm>> -> memref<128x128xf32, #tpu.memory_space<hbm>>
          %dma_wait3A_846 = arith.constant 0 : i32
          %dma_wait3A_847 = tpu.memref_slice %arg13[%mul3A_2, %dma_wait3A_846] : memref<204800x128xf32, #tpu.memory_space<hbm>> -> memref<128x128xf32, #tpu.memory_space<hbm>>
          tpu.wait_dma2 semaphore(%arg41 : memref<!tpu.dma_semaphore, #tpu.memory_space<semaphore_mem>>) src(%arg32 : memref<128x128xf32, #tpu.memory_space<vmem>>) dst(%dma_wait3A_847 : memref<128x128xf32, #tpu.memory_space<hbm>>)
        } else {
        }
        %scan3A_816 = arith.constant 0 : i32
        %scan3A_817 = arith.constant 0 : i32
        %scan3A_818 = arith.constant 128 : i32
        %scan3A_819 = arith.addi %scan3A_817, %scan3A_818 : i32
        %scan3A_820 = arith.constant 1 : i32
        %scan3A_821 = scf.for %scan3A_844 = %scan3A_817 to %scan3A_819 step %scan3A_820 iter_args(%scan3A_845 = %scan3A_816) -> (i32)  : i32 {
          %broadcast_in_dim3A = arith.constant 0 : i32
          %broadcast_in_dim3A_846 = vector.broadcast %broadcast_in_dim3A : i32 to vector<16xi32>
          %add3A_847 = vector.broadcast %scan3A_844 : i32 to vector<16xi32>
          %add3A_848 = arith.addi %broadcast_in_dim3A_846, %add3A_847 : vector<16xi32>
          %gather3A_849 = tpu.vector_load_idx %arg18[%add3A_848] : memref<128xi32, #tpu.memory_space<vmem>>[vector<16xi32>], vector<16xi32>,
          %gt3A = arith.constant 0 : i32
          %gt3A_850 = vector.broadcast %gt3A : i32 to vector<16xi32>
          %gt3A_851 = arith.cmpi sgt, %gather3A_849, %gt3A_850 : vector<16xi32>
          %select_n3A = arith.select %gt3A_851, %get3A_69, %get3A_37 : vector<16xi1>, vector<16xf32>
          %swap3A_852 = arith.index_cast %scan3A_844 : i32 to index
          %swap3A_853 = arith.constant 0 : index
          %swap3A_854 = tpu.vector_load %arg32[%swap3A_852, %swap3A_853] {strides = array<i32>} : memref<128x128xf32, #tpu.memory_space<vmem>>, vector<16xf32>,
          tpu.vector_store %arg32[%swap3A_852, %swap3A_853], %select_n3A {strides = array<i32>} : memref<128x128xf32, #tpu.memory_space<vmem>>, vector<16xf32>,
          %select_n3A_855 = arith.select %gt3A_851, %get3A_73, %get3A_41 : vector<16xi1>, vector<16xf32>
          %swap3A_856 = arith.index_cast %scan3A_844 : i32 to index
          %swap3A_857 = arith.constant 16 : index
          %swap3A_858 = tpu.vector_load %arg32[%swap3A_856, %swap3A_857] {strides = array<i32>} : memref<128x128xf32, #tpu.memory_space<vmem>>, vector<16xf32>,
          tpu.vector_store %arg32[%swap3A_856, %swap3A_857], %select_n3A_855 {strides = array<i32>} : memref<128x128xf32, #tpu.memory_space<vmem>>, vector<16xf32>,
          %select_n3A_859 = arith.select %gt3A_851, %get3A_77, %get3A_45 : vector<16xi1>, vector<16xf32>
          %swap3A_860 = arith.index_cast %scan3A_844 : i32 to index
          %swap3A_861 = arith.constant 32 : index
          %swap3A_862 = tpu.vector_load %arg32[%swap3A_860, %swap3A_861] {strides = array<i32>} : memref<128x128xf32, #tpu.memory_space<vmem>>, vector<16xf32>,
          tpu.vector_store %arg32[%swap3A_860, %swap3A_861], %select_n3A_859 {strides = array<i32>} : memref<128x128xf32, #tpu.memory_space<vmem>>, vector<16xf32>,
          %select_n3A_863 = arith.select %gt3A_851, %get3A_81, %get3A_49 : vector<16xi1>, vector<16xf32>
          %swap3A_864 = arith.index_cast %scan3A_844 : i32 to index
          %swap3A_865 = arith.constant 48 : index
          %swap3A_866 = tpu.vector_load %arg32[%swap3A_864, %swap3A_865] {strides = array<i32>} : memref<128x128xf32, #tpu.memory_space<vmem>>, vector<16xf32>,
          tpu.vector_store %arg32[%swap3A_864, %swap3A_865], %select_n3A_863 {strides = array<i32>} : memref<128x128xf32, #tpu.memory_space<vmem>>, vector<16xf32>,
          %select_n3A_867 = arith.select %gt3A_851, %get3A_85, %get3A_53 : vector<16xi1>, vector<16xf32>
          %swap3A_868 = arith.index_cast %scan3A_844 : i32 to index
          %swap3A_869 = arith.constant 64 : index
          %swap3A_870 = tpu.vector_load %arg32[%swap3A_868, %swap3A_869] {strides = array<i32>} : memref<128x128xf32, #tpu.memory_space<vmem>>, vector<16xf32>,
          tpu.vector_store %arg32[%swap3A_868, %swap3A_869], %select_n3A_867 {strides = array<i32>} : memref<128x128xf32, #tpu.memory_space<vmem>>, vector<16xf32>,
          %select_n3A_871 = arith.select %gt3A_851, %get3A_89, %get3A_57 : vector<16xi1>, vector<16xf32>
          %swap3A_872 = arith.index_cast %scan3A_844 : i32 to index
          %swap3A_873 = arith.constant 80 : index
          %swap3A_874 = tpu.vector_load %arg32[%swap3A_872, %swap3A_873] {strides = array<i32>} : memref<128x128xf32, #tpu.memory_space<vmem>>, vector<16xf32>,
          tpu.vector_store %arg32[%swap3A_872, %swap3A_873], %select_n3A_871 {strides = array<i32>} : memref<128x128xf32, #tpu.memory_space<vmem>>, vector<16xf32>,
          %select_n3A_875 = arith.select %gt3A_851, %get3A_93, %get3A_61 : vector<16xi1>, vector<16xf32>
          %swap3A_876 = arith.index_cast %scan3A_844 : i32 to index
          %swap3A_877 = arith.constant 96 : index
          %swap3A_878 = tpu.vector_load %arg32[%swap3A_876, %swap3A_877] {strides = array<i32>} : memref<128x128xf32, #tpu.memory_space<vmem>>, vector<16xf32>,
          tpu.vector_store %arg32[%swap3A_876, %swap3A_877], %select_n3A_875 {strides = array<i32>} : memref<128x128xf32, #tpu.memory_space<vmem>>, vector<16xf32>,
          %select_n3A_879 = arith.select %gt3A_851, %get3A_97, %get3A_65 : vector<16xi1>, vector<16xf32>
          %swap3A_880 = arith.index_cast %scan3A_844 : i32 to index
          %swap3A_881 = arith.constant 112 : index
          %swap3A_882 = tpu.vector_load %arg32[%swap3A_880, %swap3A_881] {strides = array<i32>} : memref<128x128xf32, #tpu.memory_space<vmem>>, vector<16xf32>,
          tpu.vector_store %arg32[%swap3A_880, %swap3A_881], %select_n3A_879 {strides = array<i32>} : memref<128x128xf32, #tpu.memory_space<vmem>>, vector<16xf32>,
          %scan3A_883 = arith.constant 0 : i32
          scf.yield %scan3A_883 : i32
        }
        %scan3A_822 = arith.constant 128 : i32
        %dma_start3A_823 = arith.constant 0 : i32
        %dma_start3A_824 = arith.constant 0 : i32
        %dma_start3A_825 = tpu.memref_slice %arg5[%dma_start3A_823, %dma_start3A_824] : memref<100000x128xf32, #tpu.memory_space<hbm>> -> memref<100000x128xf32, #tpu.memory_space<hbm>>
        tpu.enqueue_indirect_dma source(%dma_start3A_825 : memref<100000x128xf32, #tpu.memory_space<hbm>>) target(%arg32 : memref<128x128xf32, #tpu.memory_space<vmem>>) offsets(%arg16 : memref<128xi32, #tpu.memory_space<vmem>>) semaphore(%arg37 : memref<!tpu.dma_semaphore, #tpu.memory_space<semaphore_mem>>) {add = true}
        %dma_start3A_826 = arith.constant 0 : i32
        %dma_start3A_827 = arith.constant 0 : i32
        %dma_start3A_828 = tpu.memref_slice %arg6[%dma_start3A_826, %dma_start3A_827] : memref<1024x128xf32, #tpu.memory_space<hbm>> -> memref<1024x128xf32, #tpu.memory_space<hbm>>
        tpu.enqueue_indirect_dma source(%dma_start3A_828 : memref<1024x128xf32, #tpu.memory_space<hbm>>) target(%arg32 : memref<128x128xf32, #tpu.memory_space<vmem>>) offsets(%arg20 : memref<128xi32, #tpu.memory_space<vmem>>) semaphore(%arg37 : memref<!tpu.dma_semaphore, #tpu.memory_space<semaphore_mem>>) {add = true}
        %dma_start3A_829 = arith.constant 0 : i32
        %dma_start3A_830 = arith.constant 0 : i32
        %dma_start3A_831 = tpu.memref_slice %arg7[%dma_start3A_829, %dma_start3A_830] : memref<1024x128xf32, #tpu.memory_space<hbm>> -> memref<1024x128xf32, #tpu.memory_space<hbm>>
        tpu.enqueue_indirect_dma source(%dma_start3A_831 : memref<1024x128xf32, #tpu.memory_space<hbm>>) target(%arg32 : memref<128x128xf32, #tpu.memory_space<vmem>>) offsets(%arg22 : memref<128xi32, #tpu.memory_space<vmem>>) semaphore(%arg37 : memref<!tpu.dma_semaphore, #tpu.memory_space<semaphore_mem>>) {add = true}
        %dma_start3A_832 = arith.constant 0 : i32
        %dma_start3A_833 = arith.constant 0 : i32
        %dma_start3A_834 = tpu.memref_slice %arg6[%dma_start3A_832, %dma_start3A_833] : memref<1024x128xf32, #tpu.memory_space<hbm>> -> memref<1024x128xf32, #tpu.memory_space<hbm>>
        tpu.enqueue_indirect_dma source(%dma_start3A_834 : memref<1024x128xf32, #tpu.memory_space<hbm>>) target(%arg32 : memref<128x128xf32, #tpu.memory_space<vmem>>) offsets(%arg24 : memref<128xi32, #tpu.memory_space<vmem>>) semaphore(%arg37 : memref<!tpu.dma_semaphore, #tpu.memory_space<semaphore_mem>>) {add = true}
        %dma_start3A_835 = arith.constant 0 : i32
        %dma_start3A_836 = arith.constant 0 : i32
        %dma_start3A_837 = tpu.memref_slice %arg7[%dma_start3A_835, %dma_start3A_836] : memref<1024x128xf32, #tpu.memory_space<hbm>> -> memref<1024x128xf32, #tpu.memory_space<hbm>>
        tpu.enqueue_indirect_dma source(%dma_start3A_837 : memref<1024x128xf32, #tpu.memory_space<hbm>>) target(%arg32 : memref<128x128xf32, #tpu.memory_space<vmem>>) offsets(%arg26 : memref<128xi32, #tpu.memory_space<vmem>>) semaphore(%arg37 : memref<!tpu.dma_semaphore, #tpu.memory_space<semaphore_mem>>) {add = true}
        %dma_start3A_838 = arith.constant 0 : i32
        %dma_start3A_839 = arith.constant 0 : i32
        %dma_start3A_840 = tpu.memref_slice %arg8[%dma_start3A_838, %dma_start3A_839] : memref<1024x128xf32, #tpu.memory_space<hbm>> -> memref<1024x128xf32, #tpu.memory_space<hbm>>
        tpu.enqueue_indirect_dma source(%dma_start3A_840 : memref<1024x128xf32, #tpu.memory_space<hbm>>) target(%arg32 : memref<128x128xf32, #tpu.memory_space<vmem>>) offsets(%arg28 : memref<128xi32, #tpu.memory_space<vmem>>) semaphore(%arg37 : memref<!tpu.dma_semaphore, #tpu.memory_space<semaphore_mem>>) {add = true}
        %dma_start3A_841 = arith.constant 0 : i32
        %dma_start3A_842 = arith.constant 0 : i32
        %dma_start3A_843 = tpu.memref_slice %arg9[%dma_start3A_841, %dma_start3A_842] : memref<1024x128xf32, #tpu.memory_space<hbm>> -> memref<1024x128xf32, #tpu.memory_space<hbm>>
        tpu.enqueue_indirect_dma source(%dma_start3A_843 : memref<1024x128xf32, #tpu.memory_space<hbm>>) target(%arg32 : memref<128x128xf32, #tpu.memory_space<vmem>>) offsets(%arg30 : memref<128xi32, #tpu.memory_space<vmem>>) semaphore(%arg37 : memref<!tpu.dma_semaphore, #tpu.memory_space<semaphore_mem>>) {add = true}
      } else {
      }
      %dma_wait3A_496 = arith.constant 0 : i32
      %dma_wait3A_497 = arith.constant 0 : i32
      %dma_wait3A_498 = tpu.memref_slice %arg5[%dma_wait3A_496, %dma_wait3A_497] : memref<100000x128xf32, #tpu.memory_space<hbm>> -> memref<100000x128xf32, #tpu.memory_space<hbm>>
      tpu.wait_indirect_dma semaphore(%arg38 : memref<!tpu.dma_semaphore, #tpu.memory_space<semaphore_mem>>) src(%dma_wait3A_498 : memref<100000x128xf32, #tpu.memory_space<hbm>>) dst(%arg33 : memref<128x128xf32, #tpu.memory_space<vmem>>)
      %dma_wait3A_499 = arith.constant 0 : i32
      %dma_wait3A_500 = arith.constant 0 : i32
      %dma_wait3A_501 = tpu.memref_slice %arg5[%dma_wait3A_499, %dma_wait3A_500] : memref<100000x128xf32, #tpu.memory_space<hbm>> -> memref<100000x128xf32, #tpu.memory_space<hbm>>
      tpu.wait_indirect_dma semaphore(%arg38 : memref<!tpu.dma_semaphore, #tpu.memory_space<semaphore_mem>>) src(%dma_wait3A_501 : memref<100000x128xf32, #tpu.memory_space<hbm>>) dst(%arg33 : memref<128x128xf32, #tpu.memory_space<vmem>>)
      %dma_wait3A_502 = arith.constant 0 : i32
      %dma_wait3A_503 = arith.constant 0 : i32
      %dma_wait3A_504 = tpu.memref_slice %arg5[%dma_wait3A_502, %dma_wait3A_503] : memref<100000x128xf32, #tpu.memory_space<hbm>> -> memref<100000x128xf32, #tpu.memory_space<hbm>>
      tpu.wait_indirect_dma semaphore(%arg38 : memref<!tpu.dma_semaphore, #tpu.memory_space<semaphore_mem>>) src(%dma_wait3A_504 : memref<100000x128xf32, #tpu.memory_space<hbm>>) dst(%arg33 : memref<128x128xf32, #tpu.memory_space<vmem>>)
      %dma_wait3A_505 = arith.constant 0 : i32
      %dma_wait3A_506 = arith.constant 0 : i32
      %dma_wait3A_507 = tpu.memref_slice %arg5[%dma_wait3A_505, %dma_wait3A_506] : memref<100000x128xf32, #tpu.memory_space<hbm>> -> memref<100000x128xf32, #tpu.memory_space<hbm>>
      tpu.wait_indirect_dma semaphore(%arg38 : memref<!tpu.dma_semaphore, #tpu.memory_space<semaphore_mem>>) src(%dma_wait3A_507 : memref<100000x128xf32, #tpu.memory_space<hbm>>) dst(%arg33 : memref<128x128xf32, #tpu.memory_space<vmem>>)
      %dma_wait3A_508 = arith.constant 0 : i32
      %dma_wait3A_509 = arith.constant 0 : i32
      %dma_wait3A_510 = tpu.memref_slice %arg5[%dma_wait3A_508, %dma_wait3A_509] : memref<100000x128xf32, #tpu.memory_space<hbm>> -> memref<100000x128xf32, #tpu.memory_space<hbm>>
      tpu.wait_indirect_dma semaphore(%arg38 : memref<!tpu.dma_semaphore, #tpu.memory_space<semaphore_mem>>) src(%dma_wait3A_510 : memref<100000x128xf32, #tpu.memory_space<hbm>>) dst(%arg33 : memref<128x128xf32, #tpu.memory_space<vmem>>)
      %dma_wait3A_511 = arith.constant 0 : i32
      %dma_wait3A_512 = arith.constant 0 : i32
      %dma_wait3A_513 = tpu.memref_slice %arg5[%dma_wait3A_511, %dma_wait3A_512] : memref<100000x128xf32, #tpu.memory_space<hbm>> -> memref<100000x128xf32, #tpu.memory_space<hbm>>
      tpu.wait_indirect_dma semaphore(%arg38 : memref<!tpu.dma_semaphore, #tpu.memory_space<semaphore_mem>>) src(%dma_wait3A_513 : memref<100000x128xf32, #tpu.memory_space<hbm>>) dst(%arg33 : memref<128x128xf32, #tpu.memory_space<vmem>>)
      %dma_wait3A_514 = arith.constant 0 : i32
      %dma_wait3A_515 = arith.constant 0 : i32
      %dma_wait3A_516 = tpu.memref_slice %arg5[%dma_wait3A_514, %dma_wait3A_515] : memref<100000x128xf32, #tpu.memory_space<hbm>> -> memref<100000x128xf32, #tpu.memory_space<hbm>>
      tpu.wait_indirect_dma semaphore(%arg38 : memref<!tpu.dma_semaphore, #tpu.memory_space<semaphore_mem>>) src(%dma_wait3A_516 : memref<100000x128xf32, #tpu.memory_space<hbm>>) dst(%arg33 : memref<128x128xf32, #tpu.memory_space<vmem>>)
      %add3A_517 = arith.constant 2 : i32
      %add3A_518 = arith.addi %add3A_485, %add3A_517 : i32
      %lt3A_519 = arith.constant 50 : i32
      %lt3A_520 = arith.cmpi slt, %add3A_518, %lt3A_519 : i32
      %convert_element_type3A_521 = arith.extui %lt3A_520 : i1 to i32
      %cond3A_522 = arith.constant 0 : i32
      %cond3A_523 = arith.cmpi ne, %convert_element_type3A_521, %cond3A_522 : i32
      scf.if %cond3A_523 {
        %add3A_536 = arith.constant 256 : i32
        %add3A_537 = arith.addi %add3A_488, %add3A_536 : i32
        %dma_start3A_538 = tpu.memref_slice %arg2[%add3A_537] : memref<204800xi32, #tpu.memory_space<hbm>> -> memref<128xi32, #tpu.memory_space<hbm>>
        %dma_start3A_539 = tpu.memref_slice %arg2[%add3A_537] : memref<204800xi32, #tpu.memory_space<hbm>> -> memref<128xi32, #tpu.memory_space<hbm>>
        tpu.enqueue_dma source(%dma_start3A_539 : memref<128xi32, #tpu.memory_space<hbm>>) target(%arg17 : memref<128xi32, #tpu.memory_space<vmem>>) target_semaphore(%arg40 : memref<!tpu.dma_semaphore, #tpu.memory_space<semaphore_mem>>)
        %mul3A_540 = arith.constant 4 : i32
        %mul3A_541 = arith.muli %add3A_537, %mul3A_540 : i32
        %dma_start3A_542 = tpu.memref_slice %arg3[%mul3A_541] : memref<819200xi32, #tpu.memory_space<hbm>> -> memref<512xi32, #tpu.memory_space<hbm>>
        %dma_start3A_543 = tpu.memref_slice %arg3[%mul3A_541] : memref<819200xi32, #tpu.memory_space<hbm>> -> memref<512xi32, #tpu.memory_space<hbm>>
        tpu.enqueue_dma source(%dma_start3A_543 : memref<512xi32, #tpu.memory_space<hbm>>) target(%arg15 : memref<512xi32, #tpu.memory_space<vmem>>) target_semaphore(%arg40 : memref<!tpu.dma_semaphore, #tpu.memory_space<semaphore_mem>>)
        %dma_start3A_544 = tpu.memref_slice %arg4[%add3A_537] : memref<204800xi32, #tpu.memory_space<hbm>> -> memref<128xi32, #tpu.memory_space<hbm>>
        %dma_start3A_545 = tpu.memref_slice %arg4[%add3A_537] : memref<204800xi32, #tpu.memory_space<hbm>> -> memref<128xi32, #tpu.memory_space<hbm>>
        tpu.enqueue_dma source(%dma_start3A_545 : memref<128xi32, #tpu.memory_space<hbm>>) target(%arg19 : memref<128xi32, #tpu.memory_space<vmem>>) target_semaphore(%arg40 : memref<!tpu.dma_semaphore, #tpu.memory_space<semaphore_mem>>)
      } else {
      }
      %scan3A_524 = arith.constant 0 : i32
      %scan3A_525 = arith.constant 0 : i32
      %scan3A_526 = arith.constant 64 : i32
      %scan3A_527 = arith.addi %scan3A_525, %scan3A_526 : i32
      %scan3A_528 = arith.constant 1 : i32
      %scan3A_529 = scf.for %scan3A_536 = %scan3A_525 to %scan3A_527 step %scan3A_528 iter_args(%scan3A_537 = %scan3A_524) -> (i32)  : i32 {
        %mul3A_538 = arith.constant 2 : i32
        %mul3A_539 = arith.muli %mul3A_538, %scan3A_536 : i32
        %mul3A_540 = arith.constant 2 : i32
        %mul3A_541 = arith.muli %mul3A_540, %scan3A_536 : i32
        %add3A_542 = arith.constant 1 : i32
        %add3A_543 = arith.addi %mul3A_541, %add3A_542 : i32
        %broadcast_in_dim3A = arith.constant 0.000000e+00 : f32
        %broadcast_in_dim3A_544 = vector.broadcast %broadcast_in_dim3A : f32 to vector<16xf32>
        %broadcast_in_dim3A_545 = arith.constant 0.000000e+00 : f32
        %broadcast_in_dim3A_546 = vector.broadcast %broadcast_in_dim3A_545 : f32 to vector<16xf32>
        %get3A_547 = arith.index_cast %mul3A_539 : i32 to index
        %get3A_548 = arith.constant 0 : index
        %get3A_549 = tpu.vector_load %arg33[%get3A_547, %get3A_548] {strides = array<i32>} : memref<128x128xf32, #tpu.memory_space<vmem>>, vector<16xf32>,
        %add3A_550 = arith.addf %broadcast_in_dim3A_544, %get3A_549 : vector<16xf32>
        %mul3A_551 = arith.mulf %get3A_549, %get3A_549 : vector<16xf32>
        %add3A_552 = arith.addf %broadcast_in_dim3A_546, %mul3A_551 : vector<16xf32>
        %get3A_553 = arith.index_cast %mul3A_539 : i32 to index
        %get3A_554 = arith.constant 16 : index
        %get3A_555 = tpu.vector_load %arg33[%get3A_553, %get3A_554] {strides = array<i32>} : memref<128x128xf32, #tpu.memory_space<vmem>>, vector<16xf32>,
        %add3A_556 = arith.addf %add3A_550, %get3A_555 : vector<16xf32>
        %mul3A_557 = arith.mulf %get3A_555, %get3A_555 : vector<16xf32>
        %add3A_558 = arith.addf %add3A_552, %mul3A_557 : vector<16xf32>
        %get3A_559 = arith.index_cast %mul3A_539 : i32 to index
        %get3A_560 = arith.constant 32 : index
        %get3A_561 = tpu.vector_load %arg33[%get3A_559, %get3A_560] {strides = array<i32>} : memref<128x128xf32, #tpu.memory_space<vmem>>, vector<16xf32>,
        %add3A_562 = arith.addf %add3A_556, %get3A_561 : vector<16xf32>
        %mul3A_563 = arith.mulf %get3A_561, %get3A_561 : vector<16xf32>
        %add3A_564 = arith.addf %add3A_558, %mul3A_563 : vector<16xf32>
        %get3A_565 = arith.index_cast %mul3A_539 : i32 to index
        %get3A_566 = arith.constant 48 : index
        %get3A_567 = tpu.vector_load %arg33[%get3A_565, %get3A_566] {strides = array<i32>} : memref<128x128xf32, #tpu.memory_space<vmem>>, vector<16xf32>,
        %add3A_568 = arith.addf %add3A_562, %get3A_567 : vector<16xf32>
        %mul3A_569 = arith.mulf %get3A_567, %get3A_567 : vector<16xf32>
        %add3A_570 = arith.addf %add3A_564, %mul3A_569 : vector<16xf32>
        %get3A_571 = arith.index_cast %mul3A_539 : i32 to index
        %get3A_572 = arith.constant 64 : index
        %get3A_573 = tpu.vector_load %arg33[%get3A_571, %get3A_572] {strides = array<i32>} : memref<128x128xf32, #tpu.memory_space<vmem>>, vector<16xf32>,
        %add3A_574 = arith.addf %add3A_568, %get3A_573 : vector<16xf32>
        %mul3A_575 = arith.mulf %get3A_573, %get3A_573 : vector<16xf32>
        %add3A_576 = arith.addf %add3A_570, %mul3A_575 : vector<16xf32>
        %get3A_577 = arith.index_cast %mul3A_539 : i32 to index
        %get3A_578 = arith.constant 80 : index
        %get3A_579 = tpu.vector_load %arg33[%get3A_577, %get3A_578] {strides = array<i32>} : memref<128x128xf32, #tpu.memory_space<vmem>>, vector<16xf32>,
        %add3A_580 = arith.addf %add3A_574, %get3A_579 : vector<16xf32>
        %mul3A_581 = arith.mulf %get3A_579, %get3A_579 : vector<16xf32>
        %add3A_582 = arith.addf %add3A_576, %mul3A_581 : vector<16xf32>
        %get3A_583 = arith.index_cast %mul3A_539 : i32 to index
        %get3A_584 = arith.constant 96 : index
        %get3A_585 = tpu.vector_load %arg33[%get3A_583, %get3A_584] {strides = array<i32>} : memref<128x128xf32, #tpu.memory_space<vmem>>, vector<16xf32>,
        %add3A_586 = arith.addf %add3A_580, %get3A_585 : vector<16xf32>
        %mul3A_587 = arith.mulf %get3A_585, %get3A_585 : vector<16xf32>
        %add3A_588 = arith.addf %add3A_582, %mul3A_587 : vector<16xf32>
        %get3A_589 = arith.index_cast %mul3A_539 : i32 to index
        %get3A_590 = arith.constant 112 : index
        %get3A_591 = tpu.vector_load %arg33[%get3A_589, %get3A_590] {strides = array<i32>} : memref<128x128xf32, #tpu.memory_space<vmem>>, vector<16xf32>,
        %add3A_592 = arith.addf %add3A_586, %get3A_591 : vector<16xf32>
        %mul3A_593 = arith.mulf %get3A_591, %get3A_591 : vector<16xf32>
        %add3A_594 = arith.addf %add3A_588, %mul3A_593 : vector<16xf32>
        %reduce_sum3A = arith.constant true
        %reduce_sum3A_595 = vector.broadcast %reduce_sum3A : i1 to vector<16xi1>
        %reduce_sum3A_596 = tpu.scan <sum>, %add3A_592 masked %reduce_sum3A_595 : vector<16xf32>, vector<16xi1> -> vector<16xf32>
        %reduce_sum3A_597 = vector.extract %reduce_sum3A_596[15] : f32 from vector<16xf32>
        %reduce_sum3A_598 = arith.constant true
        %reduce_sum3A_599 = vector.broadcast %reduce_sum3A_598 : i1 to vector<16xi1>
        %reduce_sum3A_600 = tpu.scan <sum>, %add3A_594 masked %reduce_sum3A_599 : vector<16xf32>, vector<16xi1> -> vector<16xf32>
        %reduce_sum3A_601 = vector.extract %reduce_sum3A_600[15] : f32 from vector<16xf32>
        %broadcast_in_dim3A_602 = arith.constant 0.000000e+00 : f32
        %broadcast_in_dim3A_603 = vector.broadcast %broadcast_in_dim3A_602 : f32 to vector<16xf32>
        %broadcast_in_dim3A_604 = arith.constant 0.000000e+00 : f32
        %broadcast_in_dim3A_605 = vector.broadcast %broadcast_in_dim3A_604 : f32 to vector<16xf32>
        %get3A_606 = arith.index_cast %add3A_543 : i32 to index
        %get3A_607 = arith.constant 0 : index
        %get3A_608 = tpu.vector_load %arg33[%get3A_606, %get3A_607] {strides = array<i32>} : memref<128x128xf32, #tpu.memory_space<vmem>>, vector<16xf32>,
        %add3A_609 = arith.addf %broadcast_in_dim3A_603, %get3A_608 : vector<16xf32>
        %mul3A_610 = arith.mulf %get3A_608, %get3A_608 : vector<16xf32>
        %add3A_611 = arith.addf %broadcast_in_dim3A_605, %mul3A_610 : vector<16xf32>
        %get3A_612 = arith.index_cast %add3A_543 : i32 to index
        %get3A_613 = arith.constant 16 : index
        %get3A_614 = tpu.vector_load %arg33[%get3A_612, %get3A_613] {strides = array<i32>} : memref<128x128xf32, #tpu.memory_space<vmem>>, vector<16xf32>,
        %add3A_615 = arith.addf %add3A_609, %get3A_614 : vector<16xf32>
        %mul3A_616 = arith.mulf %get3A_614, %get3A_614 : vector<16xf32>
        %add3A_617 = arith.addf %add3A_611, %mul3A_616 : vector<16xf32>
        %get3A_618 = arith.index_cast %add3A_543 : i32 to index
        %get3A_619 = arith.constant 32 : index
        %get3A_620 = tpu.vector_load %arg33[%get3A_618, %get3A_619] {strides = array<i32>} : memref<128x128xf32, #tpu.memory_space<vmem>>, vector<16xf32>,
        %add3A_621 = arith.addf %add3A_615, %get3A_620 : vector<16xf32>
        %mul3A_622 = arith.mulf %get3A_620, %get3A_620 : vector<16xf32>
        %add3A_623 = arith.addf %add3A_617, %mul3A_622 : vector<16xf32>
        %get3A_624 = arith.index_cast %add3A_543 : i32 to index
        %get3A_625 = arith.constant 48 : index
        %get3A_626 = tpu.vector_load %arg33[%get3A_624, %get3A_625] {strides = array<i32>} : memref<128x128xf32, #tpu.memory_space<vmem>>, vector<16xf32>,
        %add3A_627 = arith.addf %add3A_621, %get3A_626 : vector<16xf32>
        %mul3A_628 = arith.mulf %get3A_626, %get3A_626 : vector<16xf32>
        %add3A_629 = arith.addf %add3A_623, %mul3A_628 : vector<16xf32>
        %get3A_630 = arith.index_cast %add3A_543 : i32 to index
        %get3A_631 = arith.constant 64 : index
        %get3A_632 = tpu.vector_load %arg33[%get3A_630, %get3A_631] {strides = array<i32>} : memref<128x128xf32, #tpu.memory_space<vmem>>, vector<16xf32>,
        %add3A_633 = arith.addf %add3A_627, %get3A_632 : vector<16xf32>
        %mul3A_634 = arith.mulf %get3A_632, %get3A_632 : vector<16xf32>
        %add3A_635 = arith.addf %add3A_629, %mul3A_634 : vector<16xf32>
        %get3A_636 = arith.index_cast %add3A_543 : i32 to index
        %get3A_637 = arith.constant 80 : index
        %get3A_638 = tpu.vector_load %arg33[%get3A_636, %get3A_637] {strides = array<i32>} : memref<128x128xf32, #tpu.memory_space<vmem>>, vector<16xf32>,
        %add3A_639 = arith.addf %add3A_633, %get3A_638 : vector<16xf32>
        %mul3A_640 = arith.mulf %get3A_638, %get3A_638 : vector<16xf32>
        %add3A_641 = arith.addf %add3A_635, %mul3A_640 : vector<16xf32>
        %get3A_642 = arith.index_cast %add3A_543 : i32 to index
        %get3A_643 = arith.constant 96 : index
        %get3A_644 = tpu.vector_load %arg33[%get3A_642, %get3A_643] {strides = array<i32>} : memref<128x128xf32, #tpu.memory_space<vmem>>, vector<16xf32>,
        %add3A_645 = arith.addf %add3A_639, %get3A_644 : vector<16xf32>
        %mul3A_646 = arith.mulf %get3A_644, %get3A_644 : vector<16xf32>
        %add3A_647 = arith.addf %add3A_641, %mul3A_646 : vector<16xf32>
        %get3A_648 = arith.index_cast %add3A_543 : i32 to index
        %get3A_649 = arith.constant 112 : index
        %get3A_650 = tpu.vector_load %arg33[%get3A_648, %get3A_649] {strides = array<i32>} : memref<128x128xf32, #tpu.memory_space<vmem>>, vector<16xf32>,
        %add3A_651 = arith.addf %add3A_645, %get3A_650 : vector<16xf32>
        %mul3A_652 = arith.mulf %get3A_650, %get3A_650 : vector<16xf32>
        %add3A_653 = arith.addf %add3A_647, %mul3A_652 : vector<16xf32>
        %reduce_sum3A_654 = arith.constant true
        %reduce_sum3A_655 = vector.broadcast %reduce_sum3A_654 : i1 to vector<16xi1>
        %reduce_sum3A_656 = tpu.scan <sum>, %add3A_651 masked %reduce_sum3A_655 : vector<16xf32>, vector<16xi1> -> vector<16xf32>
        %reduce_sum3A_657 = vector.extract %reduce_sum3A_656[15] : f32 from vector<16xf32>
        %reduce_sum3A_658 = arith.constant true
        %reduce_sum3A_659 = vector.broadcast %reduce_sum3A_658 : i1 to vector<16xi1>
        %reduce_sum3A_660 = tpu.scan <sum>, %add3A_653 masked %reduce_sum3A_659 : vector<16xf32>, vector<16xi1> -> vector<16xf32>
        %reduce_sum3A_661 = vector.extract %reduce_sum3A_660[15] : f32 from vector<16xf32>
        %mul3A_662 = arith.constant 7.812500e-03 : f32
        %mul3A_663 = arith.mulf %reduce_sum3A_597, %mul3A_662 : f32
        %mul3A_664 = arith.constant 7.812500e-03 : f32
        %mul3A_665 = arith.mulf %reduce_sum3A_601, %mul3A_664 : f32
        %mul3A_666 = arith.mulf %mul3A_663, %mul3A_663 : f32
        %sub3A_667 = arith.subf %mul3A_665, %mul3A_666 : f32
        %add3A_668 = arith.constant 9.99999996E-13 : f32
        %add3A_669 = arith.addf %sub3A_667, %add3A_668 : f32
        %broadcast_in_dim3A_670 = vector.broadcast %add3A_669 : f32 to vector<16xf32>
        %bitcast3A = vector.bitcast %broadcast_in_dim3A_670 : vector<16xf32> to vector<16xi32>
        %shift_right_arithmetic3A = arith.constant 1 : i32
        %shift_right_arithmetic3A_671 = vector.broadcast %shift_right_arithmetic3A : i32 to vector<16xi32>
        %shift_right_arithmetic3A_672 = arith.shrsi %bitcast3A, %shift_right_arithmetic3A_671 : vector<16xi32>
        %sub3A_673 = arith.constant 1597463007 : i32
        %sub3A_674 = vector.broadcast %sub3A_673 : i32 to vector<16xi32>
        %sub3A_675 = arith.subi %sub3A_674, %shift_right_arithmetic3A_672 : vector<16xi32>
        %bitcast3A_676 = vector.bitcast %sub3A_675 : vector<16xi32> to vector<16xf32>
        %mul3A_677 = arith.constant 5.000000e-01 : f32
        %mul3A_678 = vector.broadcast %mul3A_677 : f32 to vector<16xf32>
        %mul3A_679 = arith.mulf %mul3A_678, %broadcast_in_dim3A_670 : vector<16xf32>
        %mul3A_680 = arith.mulf %mul3A_679, %bitcast3A_676 : vector<16xf32>
        %mul3A_681 = arith.mulf %mul3A_680, %bitcast3A_676 : vector<16xf32>
        %sub3A_682 = arith.constant 1.500000e+00 : f32
        %sub3A_683 = vector.broadcast %sub3A_682 : f32 to vector<16xf32>
        %sub3A_684 = arith.subf %sub3A_683, %mul3A_681 : vector<16xf32>
        %mul3A_685 = arith.mulf %bitcast3A_676, %sub3A_684 : vector<16xf32>
        %mul3A_686 = arith.constant 5.000000e-01 : f32
        %mul3A_687 = vector.broadcast %mul3A_686 : f32 to vector<16xf32>
        %mul3A_688 = arith.mulf %mul3A_687, %broadcast_in_dim3A_670 : vector<16xf32>
        %mul3A_689 = arith.mulf %mul3A_688, %mul3A_685 : vector<16xf32>
        %mul3A_690 = arith.mulf %mul3A_689, %mul3A_685 : vector<16xf32>
        %sub3A_691 = arith.constant 1.500000e+00 : f32
        %sub3A_692 = vector.broadcast %sub3A_691 : f32 to vector<16xf32>
        %sub3A_693 = arith.subf %sub3A_692, %mul3A_690 : vector<16xf32>
        %mul3A_694 = arith.mulf %mul3A_685, %sub3A_693 : vector<16xf32>
        %mul3A_695 = arith.constant 5.000000e-01 : f32
        %mul3A_696 = vector.broadcast %mul3A_695 : f32 to vector<16xf32>
        %mul3A_697 = arith.mulf %mul3A_696, %broadcast_in_dim3A_670 : vector<16xf32>
        %mul3A_698 = arith.mulf %mul3A_697, %mul3A_694 : vector<16xf32>
        %mul3A_699 = arith.mulf %mul3A_698, %mul3A_694 : vector<16xf32>
        %sub3A_700 = arith.constant 1.500000e+00 : f32
        %sub3A_701 = vector.broadcast %sub3A_700 : f32 to vector<16xf32>
        %sub3A_702 = arith.subf %sub3A_701, %mul3A_699 : vector<16xf32>
        %mul3A_703 = arith.mulf %mul3A_694, %sub3A_702 : vector<16xf32>
        %broadcast_in_dim3A_704 = vector.broadcast %mul3A_663 : f32 to vector<16xf32>
        %mul3A_705 = arith.mulf %broadcast_in_dim3A_704, %mul3A_703 : vector<16xf32>
        %mul3A_706 = arith.mulf %get3A_549, %mul3A_703 : vector<16xf32>
        %sub3A_707 = arith.subf %mul3A_706, %mul3A_705 : vector<16xf32>
        %mul3A_708 = arith.mulf %sub3A_707, %get3A_3 : vector<16xf32>
        %add3A_709 = arith.addf %mul3A_708, %get3A_19 : vector<16xf32>
        %swap3A_710 = arith.index_cast %mul3A_539 : i32 to index
        %swap3A_711 = arith.constant 0 : index
        %swap3A_712 = tpu.vector_load %arg33[%swap3A_710, %swap3A_711] {strides = array<i32>} : memref<128x128xf32, #tpu.memory_space<vmem>>, vector<16xf32>,
        tpu.vector_store %arg33[%swap3A_710, %swap3A_711], %add3A_709 {strides = array<i32>} : memref<128x128xf32, #tpu.memory_space<vmem>>, vector<16xf32>,
        %mul3A_713 = arith.mulf %get3A_555, %mul3A_703 : vector<16xf32>
        %sub3A_714 = arith.subf %mul3A_713, %mul3A_705 : vector<16xf32>
        %mul3A_715 = arith.mulf %sub3A_714, %get3A_5 : vector<16xf32>
        %add3A_716 = arith.addf %mul3A_715, %get3A_21 : vector<16xf32>
        %swap3A_717 = arith.index_cast %mul3A_539 : i32 to index
        %swap3A_718 = arith.constant 16 : index
        %swap3A_719 = tpu.vector_load %arg33[%swap3A_717, %swap3A_718] {strides = array<i32>} : memref<128x128xf32, #tpu.memory_space<vmem>>, vector<16xf32>,
        tpu.vector_store %arg33[%swap3A_717, %swap3A_718], %add3A_716 {strides = array<i32>} : memref<128x128xf32, #tpu.memory_space<vmem>>, vector<16xf32>,
        %mul3A_720 = arith.mulf %get3A_561, %mul3A_703 : vector<16xf32>
        %sub3A_721 = arith.subf %mul3A_720, %mul3A_705 : vector<16xf32>
        %mul3A_722 = arith.mulf %sub3A_721, %get3A_7 : vector<16xf32>
        %add3A_723 = arith.addf %mul3A_722, %get3A_23 : vector<16xf32>
        %swap3A_724 = arith.index_cast %mul3A_539 : i32 to index
        %swap3A_725 = arith.constant 32 : index
        %swap3A_726 = tpu.vector_load %arg33[%swap3A_724, %swap3A_725] {strides = array<i32>} : memref<128x128xf32, #tpu.memory_space<vmem>>, vector<16xf32>,
        tpu.vector_store %arg33[%swap3A_724, %swap3A_725], %add3A_723 {strides = array<i32>} : memref<128x128xf32, #tpu.memory_space<vmem>>, vector<16xf32>,
        %mul3A_727 = arith.mulf %get3A_567, %mul3A_703 : vector<16xf32>
        %sub3A_728 = arith.subf %mul3A_727, %mul3A_705 : vector<16xf32>
        %mul3A_729 = arith.mulf %sub3A_728, %get3A_9 : vector<16xf32>
        %add3A_730 = arith.addf %mul3A_729, %get3A_25 : vector<16xf32>
        %swap3A_731 = arith.index_cast %mul3A_539 : i32 to index
        %swap3A_732 = arith.constant 48 : index
        %swap3A_733 = tpu.vector_load %arg33[%swap3A_731, %swap3A_732] {strides = array<i32>} : memref<128x128xf32, #tpu.memory_space<vmem>>, vector<16xf32>,
        tpu.vector_store %arg33[%swap3A_731, %swap3A_732], %add3A_730 {strides = array<i32>} : memref<128x128xf32, #tpu.memory_space<vmem>>, vector<16xf32>,
        %mul3A_734 = arith.mulf %get3A_573, %mul3A_703 : vector<16xf32>
        %sub3A_735 = arith.subf %mul3A_734, %mul3A_705 : vector<16xf32>
        %mul3A_736 = arith.mulf %sub3A_735, %get3A_11 : vector<16xf32>
        %add3A_737 = arith.addf %mul3A_736, %get3A_27 : vector<16xf32>
        %swap3A_738 = arith.index_cast %mul3A_539 : i32 to index
        %swap3A_739 = arith.constant 64 : index
        %swap3A_740 = tpu.vector_load %arg33[%swap3A_738, %swap3A_739] {strides = array<i32>} : memref<128x128xf32, #tpu.memory_space<vmem>>, vector<16xf32>,
        tpu.vector_store %arg33[%swap3A_738, %swap3A_739], %add3A_737 {strides = array<i32>} : memref<128x128xf32, #tpu.memory_space<vmem>>, vector<16xf32>,
        %mul3A_741 = arith.mulf %get3A_579, %mul3A_703 : vector<16xf32>
        %sub3A_742 = arith.subf %mul3A_741, %mul3A_705 : vector<16xf32>
        %mul3A_743 = arith.mulf %sub3A_742, %get3A_13 : vector<16xf32>
        %add3A_744 = arith.addf %mul3A_743, %get3A_29 : vector<16xf32>
        %swap3A_745 = arith.index_cast %mul3A_539 : i32 to index
        %swap3A_746 = arith.constant 80 : index
        %swap3A_747 = tpu.vector_load %arg33[%swap3A_745, %swap3A_746] {strides = array<i32>} : memref<128x128xf32, #tpu.memory_space<vmem>>, vector<16xf32>,
        tpu.vector_store %arg33[%swap3A_745, %swap3A_746], %add3A_744 {strides = array<i32>} : memref<128x128xf32, #tpu.memory_space<vmem>>, vector<16xf32>,
        %mul3A_748 = arith.mulf %get3A_585, %mul3A_703 : vector<16xf32>
        %sub3A_749 = arith.subf %mul3A_748, %mul3A_705 : vector<16xf32>
        %mul3A_750 = arith.mulf %sub3A_749, %get3A_15 : vector<16xf32>
        %add3A_751 = arith.addf %mul3A_750, %get3A_31 : vector<16xf32>
        %swap3A_752 = arith.index_cast %mul3A_539 : i32 to index
        %swap3A_753 = arith.constant 96 : index
        %swap3A_754 = tpu.vector_load %arg33[%swap3A_752, %swap3A_753] {strides = array<i32>} : memref<128x128xf32, #tpu.memory_space<vmem>>, vector<16xf32>,
        tpu.vector_store %arg33[%swap3A_752, %swap3A_753], %add3A_751 {strides = array<i32>} : memref<128x128xf32, #tpu.memory_space<vmem>>, vector<16xf32>,
        %mul3A_755 = arith.mulf %get3A_591, %mul3A_703 : vector<16xf32>
        %sub3A_756 = arith.subf %mul3A_755, %mul3A_705 : vector<16xf32>
        %mul3A_757 = arith.mulf %sub3A_756, %get3A_17 : vector<16xf32>
        %add3A_758 = arith.addf %mul3A_757, %get3A_33 : vector<16xf32>
        %swap3A_759 = arith.index_cast %mul3A_539 : i32 to index
        %swap3A_760 = arith.constant 112 : index
        %swap3A_761 = tpu.vector_load %arg33[%swap3A_759, %swap3A_760] {strides = array<i32>} : memref<128x128xf32, #tpu.memory_space<vmem>>, vector<16xf32>,
        tpu.vector_store %arg33[%swap3A_759, %swap3A_760], %add3A_758 {strides = array<i32>} : memref<128x128xf32, #tpu.memory_space<vmem>>, vector<16xf32>,
        %mul3A_762 = arith.constant 7.812500e-03 : f32
        %mul3A_763 = arith.mulf %reduce_sum3A_657, %mul3A_762 : f32
        %mul3A_764 = arith.constant 7.812500e-03 : f32
        %mul3A_765 = arith.mulf %reduce_sum3A_661, %mul3A_764 : f32
        %mul3A_766 = arith.mulf %mul3A_763, %mul3A_763 : f32
        %sub3A_767 = arith.subf %mul3A_765, %mul3A_766 : f32
        %add3A_768 = arith.constant 9.99999996E-13 : f32
        %add3A_769 = arith.addf %sub3A_767, %add3A_768 : f32
        %broadcast_in_dim3A_770 = vector.broadcast %add3A_769 : f32 to vector<16xf32>
        %bitcast3A_771 = vector.bitcast %broadcast_in_dim3A_770 : vector<16xf32> to vector<16xi32>
        %shift_right_arithmetic3A_772 = arith.constant 1 : i32
        %shift_right_arithmetic3A_773 = vector.broadcast %shift_right_arithmetic3A_772 : i32 to vector<16xi32>
        %shift_right_arithmetic3A_774 = arith.shrsi %bitcast3A_771, %shift_right_arithmetic3A_773 : vector<16xi32>
        %sub3A_775 = arith.constant 1597463007 : i32
        %sub3A_776 = vector.broadcast %sub3A_775 : i32 to vector<16xi32>
        %sub3A_777 = arith.subi %sub3A_776, %shift_right_arithmetic3A_774 : vector<16xi32>
        %bitcast3A_778 = vector.bitcast %sub3A_777 : vector<16xi32> to vector<16xf32>
        %mul3A_779 = arith.constant 5.000000e-01 : f32
        %mul3A_780 = vector.broadcast %mul3A_779 : f32 to vector<16xf32>
        %mul3A_781 = arith.mulf %mul3A_780, %broadcast_in_dim3A_770 : vector<16xf32>
        %mul3A_782 = arith.mulf %mul3A_781, %bitcast3A_778 : vector<16xf32>
        %mul3A_783 = arith.mulf %mul3A_782, %bitcast3A_778 : vector<16xf32>
        %sub3A_784 = arith.constant 1.500000e+00 : f32
        %sub3A_785 = vector.broadcast %sub3A_784 : f32 to vector<16xf32>
        %sub3A_786 = arith.subf %sub3A_785, %mul3A_783 : vector<16xf32>
        %mul3A_787 = arith.mulf %bitcast3A_778, %sub3A_786 : vector<16xf32>
        %mul3A_788 = arith.constant 5.000000e-01 : f32
        %mul3A_789 = vector.broadcast %mul3A_788 : f32 to vector<16xf32>
        %mul3A_790 = arith.mulf %mul3A_789, %broadcast_in_dim3A_770 : vector<16xf32>
        %mul3A_791 = arith.mulf %mul3A_790, %mul3A_787 : vector<16xf32>
        %mul3A_792 = arith.mulf %mul3A_791, %mul3A_787 : vector<16xf32>
        %sub3A_793 = arith.constant 1.500000e+00 : f32
        %sub3A_794 = vector.broadcast %sub3A_793 : f32 to vector<16xf32>
        %sub3A_795 = arith.subf %sub3A_794, %mul3A_792 : vector<16xf32>
        %mul3A_796 = arith.mulf %mul3A_787, %sub3A_795 : vector<16xf32>
        %mul3A_797 = arith.constant 5.000000e-01 : f32
        %mul3A_798 = vector.broadcast %mul3A_797 : f32 to vector<16xf32>
        %mul3A_799 = arith.mulf %mul3A_798, %broadcast_in_dim3A_770 : vector<16xf32>
        %mul3A_800 = arith.mulf %mul3A_799, %mul3A_796 : vector<16xf32>
        %mul3A_801 = arith.mulf %mul3A_800, %mul3A_796 : vector<16xf32>
        %sub3A_802 = arith.constant 1.500000e+00 : f32
        %sub3A_803 = vector.broadcast %sub3A_802 : f32 to vector<16xf32>
        %sub3A_804 = arith.subf %sub3A_803, %mul3A_801 : vector<16xf32>
        %mul3A_805 = arith.mulf %mul3A_796, %sub3A_804 : vector<16xf32>
        %broadcast_in_dim3A_806 = vector.broadcast %mul3A_763 : f32 to vector<16xf32>
        %mul3A_807 = arith.mulf %broadcast_in_dim3A_806, %mul3A_805 : vector<16xf32>
        %mul3A_808 = arith.mulf %get3A_608, %mul3A_805 : vector<16xf32>
        %sub3A_809 = arith.subf %mul3A_808, %mul3A_807 : vector<16xf32>
        %mul3A_810 = arith.mulf %sub3A_809, %get3A_3 : vector<16xf32>
        %add3A_811 = arith.addf %mul3A_810, %get3A_19 : vector<16xf32>
        %swap3A_812 = arith.index_cast %add3A_543 : i32 to index
        %swap3A_813 = arith.constant 0 : index
        %swap3A_814 = tpu.vector_load %arg33[%swap3A_812, %swap3A_813] {strides = array<i32>} : memref<128x128xf32, #tpu.memory_space<vmem>>, vector<16xf32>,
        tpu.vector_store %arg33[%swap3A_812, %swap3A_813], %add3A_811 {strides = array<i32>} : memref<128x128xf32, #tpu.memory_space<vmem>>, vector<16xf32>,
        %mul3A_815 = arith.mulf %get3A_614, %mul3A_805 : vector<16xf32>
        %sub3A_816 = arith.subf %mul3A_815, %mul3A_807 : vector<16xf32>
        %mul3A_817 = arith.mulf %sub3A_816, %get3A_5 : vector<16xf32>
        %add3A_818 = arith.addf %mul3A_817, %get3A_21 : vector<16xf32>
        %swap3A_819 = arith.index_cast %add3A_543 : i32 to index
        %swap3A_820 = arith.constant 16 : index
        %swap3A_821 = tpu.vector_load %arg33[%swap3A_819, %swap3A_820] {strides = array<i32>} : memref<128x128xf32, #tpu.memory_space<vmem>>, vector<16xf32>,
        tpu.vector_store %arg33[%swap3A_819, %swap3A_820], %add3A_818 {strides = array<i32>} : memref<128x128xf32, #tpu.memory_space<vmem>>, vector<16xf32>,
        %mul3A_822 = arith.mulf %get3A_620, %mul3A_805 : vector<16xf32>
        %sub3A_823 = arith.subf %mul3A_822, %mul3A_807 : vector<16xf32>
        %mul3A_824 = arith.mulf %sub3A_823, %get3A_7 : vector<16xf32>
        %add3A_825 = arith.addf %mul3A_824, %get3A_23 : vector<16xf32>
        %swap3A_826 = arith.index_cast %add3A_543 : i32 to index
        %swap3A_827 = arith.constant 32 : index
        %swap3A_828 = tpu.vector_load %arg33[%swap3A_826, %swap3A_827] {strides = array<i32>} : memref<128x128xf32, #tpu.memory_space<vmem>>, vector<16xf32>,
        tpu.vector_store %arg33[%swap3A_826, %swap3A_827], %add3A_825 {strides = array<i32>} : memref<128x128xf32, #tpu.memory_space<vmem>>, vector<16xf32>,
        %mul3A_829 = arith.mulf %get3A_626, %mul3A_805 : vector<16xf32>
        %sub3A_830 = arith.subf %mul3A_829, %mul3A_807 : vector<16xf32>
        %mul3A_831 = arith.mulf %sub3A_830, %get3A_9 : vector<16xf32>
        %add3A_832 = arith.addf %mul3A_831, %get3A_25 : vector<16xf32>
        %swap3A_833 = arith.index_cast %add3A_543 : i32 to index
        %swap3A_834 = arith.constant 48 : index
        %swap3A_835 = tpu.vector_load %arg33[%swap3A_833, %swap3A_834] {strides = array<i32>} : memref<128x128xf32, #tpu.memory_space<vmem>>, vector<16xf32>,
        tpu.vector_store %arg33[%swap3A_833, %swap3A_834], %add3A_832 {strides = array<i32>} : memref<128x128xf32, #tpu.memory_space<vmem>>, vector<16xf32>,
        %mul3A_836 = arith.mulf %get3A_632, %mul3A_805 : vector<16xf32>
        %sub3A_837 = arith.subf %mul3A_836, %mul3A_807 : vector<16xf32>
        %mul3A_838 = arith.mulf %sub3A_837, %get3A_11 : vector<16xf32>
        %add3A_839 = arith.addf %mul3A_838, %get3A_27 : vector<16xf32>
        %swap3A_840 = arith.index_cast %add3A_543 : i32 to index
        %swap3A_841 = arith.constant 64 : index
        %swap3A_842 = tpu.vector_load %arg33[%swap3A_840, %swap3A_841] {strides = array<i32>} : memref<128x128xf32, #tpu.memory_space<vmem>>, vector<16xf32>,
        tpu.vector_store %arg33[%swap3A_840, %swap3A_841], %add3A_839 {strides = array<i32>} : memref<128x128xf32, #tpu.memory_space<vmem>>, vector<16xf32>,
        %mul3A_843 = arith.mulf %get3A_638, %mul3A_805 : vector<16xf32>
        %sub3A_844 = arith.subf %mul3A_843, %mul3A_807 : vector<16xf32>
        %mul3A_845 = arith.mulf %sub3A_844, %get3A_13 : vector<16xf32>
        %add3A_846 = arith.addf %mul3A_845, %get3A_29 : vector<16xf32>
        %swap3A_847 = arith.index_cast %add3A_543 : i32 to index
        %swap3A_848 = arith.constant 80 : index
        %swap3A_849 = tpu.vector_load %arg33[%swap3A_847, %swap3A_848] {strides = array<i32>} : memref<128x128xf32, #tpu.memory_space<vmem>>, vector<16xf32>,
        tpu.vector_store %arg33[%swap3A_847, %swap3A_848], %add3A_846 {strides = array<i32>} : memref<128x128xf32, #tpu.memory_space<vmem>>, vector<16xf32>,
        %mul3A_850 = arith.mulf %get3A_644, %mul3A_805 : vector<16xf32>
        %sub3A_851 = arith.subf %mul3A_850, %mul3A_807 : vector<16xf32>
        %mul3A_852 = arith.mulf %sub3A_851, %get3A_15 : vector<16xf32>
        %add3A_853 = arith.addf %mul3A_852, %get3A_31 : vector<16xf32>
        %swap3A_854 = arith.index_cast %add3A_543 : i32 to index
        %swap3A_855 = arith.constant 96 : index
        %swap3A_856 = tpu.vector_load %arg33[%swap3A_854, %swap3A_855] {strides = array<i32>} : memref<128x128xf32, #tpu.memory_space<vmem>>, vector<16xf32>,
        tpu.vector_store %arg33[%swap3A_854, %swap3A_855], %add3A_853 {strides = array<i32>} : memref<128x128xf32, #tpu.memory_space<vmem>>, vector<16xf32>,
        %mul3A_857 = arith.mulf %get3A_650, %mul3A_805 : vector<16xf32>
        %sub3A_858 = arith.subf %mul3A_857, %mul3A_807 : vector<16xf32>
        %mul3A_859 = arith.mulf %sub3A_858, %get3A_17 : vector<16xf32>
        %add3A_860 = arith.addf %mul3A_859, %get3A_33 : vector<16xf32>
        %swap3A_861 = arith.index_cast %add3A_543 : i32 to index
        %swap3A_862 = arith.constant 112 : index
        %swap3A_863 = tpu.vector_load %arg33[%swap3A_861, %swap3A_862] {strides = array<i32>} : memref<128x128xf32, #tpu.memory_space<vmem>>, vector<16xf32>,
        tpu.vector_store %arg33[%swap3A_861, %swap3A_862], %add3A_860 {strides = array<i32>} : memref<128x128xf32, #tpu.memory_space<vmem>>, vector<16xf32>,
        %scan3A_864 = arith.constant 0 : i32
        scf.yield %scan3A_864 : i32
      }
      %scan3A_530 = arith.constant 64 : i32
      %dma_start3A_531 = arith.constant 0 : i32
      %dma_start3A_532 = tpu.memref_slice %arg13[%add3A_488, %dma_start3A_531] : memref<204800x128xf32, #tpu.memory_space<hbm>> -> memref<128x128xf32, #tpu.memory_space<hbm>>
      %dma_start3A_533 = arith.constant 0 : i32
      %dma_start3A_534 = tpu.memref_slice %arg13[%add3A_488, %dma_start3A_533] : memref<204800x128xf32, #tpu.memory_space<hbm>> -> memref<128x128xf32, #tpu.memory_space<hbm>>
      tpu.enqueue_dma source(%arg33 : memref<128x128xf32, #tpu.memory_space<vmem>>) target(%dma_start3A_534 : memref<128x128xf32, #tpu.memory_space<hbm>>) target_semaphore(%arg42 : memref<!tpu.dma_semaphore, #tpu.memory_space<semaphore_mem>>)
      %scan3A_535 = arith.constant 0 : i32
      scf.yield %scan3A_535 : i32
    }
    %scan3A_419 = arith.constant 25 : i32
    %dma_wait3A_420 = arith.constant 0 : i32
    %dma_wait3A_421 = tpu.memref_slice %arg13[%mul3A_2, %dma_wait3A_420] : memref<204800x128xf32, #tpu.memory_space<hbm>> -> memref<128x128xf32, #tpu.memory_space<hbm>>
    %dma_wait3A_422 = arith.constant 0 : i32
    %dma_wait3A_423 = tpu.memref_slice %arg13[%mul3A_2, %dma_wait3A_422] : memref<204800x128xf32, #tpu.memory_space<hbm>> -> memref<128x128xf32, #tpu.memory_space<hbm>>
    tpu.wait_dma2 semaphore(%arg41 : memref<!tpu.dma_semaphore, #tpu.memory_space<semaphore_mem>>) src(%arg32 : memref<128x128xf32, #tpu.memory_space<vmem>>) dst(%dma_wait3A_423 : memref<128x128xf32, #tpu.memory_space<hbm>>)
    %dma_wait3A_424 = arith.constant 0 : i32
    %dma_wait3A_425 = tpu.memref_slice %arg13[%mul3A_2, %dma_wait3A_424] : memref<204800x128xf32, #tpu.memory_space<hbm>> -> memref<128x128xf32, #tpu.memory_space<hbm>>
    %dma_wait3A_426 = arith.constant 0 : i32
    %dma_wait3A_427 = tpu.memref_slice %arg13[%mul3A_2, %dma_wait3A_426] : memref<204800x128xf32, #tpu.memory_space<hbm>> -> memref<128x128xf32, #tpu.memory_space<hbm>>
    tpu.wait_dma2 semaphore(%arg42 : memref<!tpu.dma_semaphore, #tpu.memory_space<semaphore_mem>>) src(%arg33 : memref<128x128xf32, #tpu.memory_space<vmem>>) dst(%dma_wait3A_427 : memref<128x128xf32, #tpu.memory_space<hbm>>)
    return
  }
}

</mosaic_0001>

<sc_bundles>
// kernel: _run.3.cloned.1.call-start
scs
__scs_entry_jumppad:
0x0: {  	(pc) =	sbr.rel $0x88, $3  }
0x1: {  	(tag) =	ssettag $0x0;
	lr =	simm.s32 $0x1  }
0x2: {  	[smem:$0x3F96] =	sst lr;
	_ =	strace $0xD0000000  }
0x3: {  	_ = 	snop  }
0x4: {  	_ = 	snop  }
0x5: {  	_ = 	snop  }
0x6: {  	_ = 	snop  }
0x7: {  	_ = 	snop  }
__scs_overlays_trampoline_lowered:
0x8: {  	[smem:$0x3FA5] =	sst s0  }
0x9: {  	[smem:$0x3FA6] =	sst s1  }
0xa: {  	[smem:$0x3FA7] =	sst s2  }
0xb: {  	[smem:$0x3FA8] =	sst s3  }
0xc: {  	[smem:$0x3FA9] =	sst s4  }
0xd: {  	[smem:$0x3FAA] =	sst s5  }
0xe: {  	[smem:$0x3FAB] =	sst s6  }
0xf: {  	[smem:$0x3FAC] =	sst s7  }
0x10: {  	[smem:$0x3FAD] =	sst s8  }
0x11: {  	[smem:$0x3FAE] =	sst s9;
	s0 =	simm.s32 @!p0 $0x0  }
0x12: {  	s1 =	sld [smem:$0x3F94];
	s0 =	simm.s32 @p0 $0x1  }
0x13: {  	[smem:$0x3FAF] =	sst s0;
	s0 =	simm.s32 @!p1 $0x0  }
0x14: {  	s2 =	sld [smem:$0x3F93];
	s0 =	simm.s32 @p1 $0x1  }
0x15: {  	[smem:$0x3FB0] =	sst s0;
	s0 =	simm.s32 @!p2 $0x0  }
0x16: {  	s3 =	sld [smem:$0x3FDB];
	s0 =	simm.s32 @p2 $0x1  }
0x17: {  	s4 =	simm.s32 $0x1BF5;
	[smem:$0x3FB2] =	sst s0  }
0x18: {  	s0 =	sld [smem:$0x3F95];
	_ =	swait.ge [sflag:s4], $0x0  }
0x19: {  	s7 =	sld [smem:$0x3F96]  }
0x1a: {  	s8 =	sadd.s32 $0xFFFFE003, lr  }
0x1b: {  	s9 =	sadd.s32 $0xFFFFFEF7, lr;
	s5 =	simm.s32 $0xFFFFFFFF;
	p2 =	slt.u32 s8, $0xFFFFF086  }
0x1c: {  	p1 =	slt.u32 s9, $0xF7A;
	s5 =	simm.s32 @!p2 $0x0  }
0x1d: {  	s5 =	simm.s32 @p1 $0x1;
	p0 =	seq.s32 s7, s2  }
0x1e: {  	s7 =	smul.u32 @!p0 $0xF7A, s2;
	p2 =	seq.s32 @!p0 s5, $0x0  }
0x1f: {  	s9 =	smul.u32 $0xF7A, s1;
	s8 =	simm.s32 @!p0 $0x1BF5;
	p2 =	por !p2, p0  }
0x20: {  	[sflag:s8] =	ssyncset.s32 @!p0 $0xFFFFF086;
	s6 =	sadd.s32 @!p0 s3, s7;
	s7 =	simm.s32 @!p0 $0x108  }
0x21: {  	s3 =	sadd.s32 s3, s9;
	s6 =	sadd.s32 @!p0 $0x88, s6;
	s7 =	simm.s32 @p2 $0x1082  }
0x22: {  	[simem:s7], [sflag:s8] =	dma.local @!p0 [hbm:s6], $0xF7A  }
0x23: {  	s9 =	sor.u32 $0xD0000000, s2;
	s6 =	simm.s32 $0x108;
	_ =	swait.ge @!p0 [sflag:s8], $0x0  }
0x24: {  	s3 =	sadd.s32 $0x88, s3;
	s6 =	simm.s32 @!p1 $0x1082;
	[sflag:s4] =	ssyncset.s32 $0xFFFFF086  }
0x25: {  	[simem:s6], [sflag:s4] =	dma.local [hbm:s3], $0xF7A  }
0x26: {  	[smem:$0x3F96] =	sst s1;
	(tag) =	ssettag s2;
	_ =	strace s9  }
0x27: {  	s1 =	sld [smem:$0x3FA6]  }
0x28: {  	s2 =	sld [smem:$0x3FA7]  }
0x29: {  	s4 =	sld [smem:$0x3FA9]  }
0x2a: {  	p0 =	seq.s32 s5, $0x0;
	s5 =	sld [smem:$0x3FAA]  }
0x2b: {  	s6 =	sld [smem:$0x3FAB]  }
0x2c: {  	s7 =	sld [smem:$0x3FAC]  }
0x2d: {  	s3 =	simm.s32 $0x108;
	s8 =	sld [smem:$0x3FAD]  }
0x2e: {  	s3 =	simm.s32 @!p0 $0x1082;
	s9 =	sld [smem:$0x3FAE]  }
0x2f: {  	lr =	sadd.s32 s0, s3;
	s0 =	sld [smem:$0x3FA5]  }
0x30: {  	s3 =	sld [smem:$0x3FA8]  }
0x31: {  	[smem:$0x3FB1] =	sst s10  }
0x32: {  	s10 =	sld [smem:$0x3FAF];
	_ =	sdelay $0x3  }
0x33: {  	p0 =	seq.s32 s10, $0x1;
	s10 =	sld [smem:$0x3FB1];
	_ =	sdelay $0x3  }
0x34: {  	[smem:$0x3FB1] =	sst s10  }
0x35: {  	s10 =	sld [smem:$0x3FB0];
	_ =	sdelay $0x3  }
0x36: {  	p1 =	seq.s32 s10, $0x1;
	s10 =	sld [smem:$0x3FB1];
	_ =	sdelay $0x3  }
0x37: {  	[smem:$0x3FB1] =	sst s10  }
0x38: {  	s10 =	sld [smem:$0x3FB2]  }
0x39: {  	_ = 	snop;
	(pc) =	sbr.ind lr, $3  }
0x3a: {  	_ = 	snop  }
0x3b: {  	_ = 	snop  }
0x3c: {  	p2 =	seq.s32 s10, $0x1;
	s10 =	sld [smem:$0x3FB1]  }
0x3d: {  	_ =	shalt  }
0x3e: {  	_ =	shalt  }
0x3f: {  	_ =	shalt  }
0x40: {  	_ =	shalt  }
0x41: {  	_ =	shalt  }
0x42: {  	_ =	shalt  }
0x43: {  	_ =	shalt  }
0x44: {  	_ =	shalt  }
0x45: {  	_ =	shalt  }
0x46: {  	_ =	shalt  }
0x47: {  	_ =	shalt  }
0x48: {  	_ =	shalt  }
0x49: {  	_ =	shalt  }
0x4a: {  	_ =	shalt  }
0x4b: {  	_ =	shalt  }
0x4c: {  	_ =	shalt  }
0x4d: {  	_ =	shalt  }
0x4e: {  	_ =	shalt  }
0x4f: {  	_ =	shalt  }
0x50: {  	_ =	shalt  }
0x51: {  	_ =	shalt  }
0x52: {  	_ =	shalt  }
0x53: {  	_ =	shalt  }
0x54: {  	_ =	shalt  }
0x55: {  	_ =	shalt  }
0x56: {  	_ =	shalt  }
0x57: {  	_ =	shalt  }
0x58: {  	_ =	shalt  }
0x59: {  	_ =	shalt  }
0x5a: {  	_ =	shalt  }
0x5b: {  	_ =	shalt  }
0x5c: {  	_ =	shalt  }
0x5d: {  	_ =	shalt  }
0x5e: {  	_ =	shalt  }
0x5f: {  	_ =	shalt  }
0x60: {  	_ =	shalt  }
0x61: {  	_ =	shalt  }
0x62: {  	_ =	shalt  }
0x63: {  	_ =	shalt  }
0x64: {  	_ =	shalt  }
0x65: {  	_ =	shalt  }
0x66: {  	_ =	shalt  }
0x67: {  	_ =	shalt  }
0x68: {  	_ =	shalt  }
0x69: {  	_ =	shalt  }
0x6a: {  	_ =	shalt  }
0x6b: {  	_ =	shalt  }
0x6c: {  	_ =	shalt  }
0x6d: {  	_ =	shalt  }
0x6e: {  	_ =	shalt  }
0x6f: {  	_ =	shalt  }
0x70: {  	_ =	shalt  }
0x71: {  	_ =	shalt  }
0x72: {  	_ =	shalt  }
0x73: {  	_ =	shalt  }
0x74: {  	_ =	shalt  }
0x75: {  	_ =	shalt  }
0x76: {  	_ =	shalt  }
0x77: {  	_ =	shalt  }
0x78: {  	_ =	shalt  }
0x79: {  	_ =	shalt  }
0x7a: {  	_ =	shalt  }
0x7b: {  	_ =	shalt  }
0x7c: {  	_ =	shalt  }
0x7d: {  	_ =	shalt  }
0x7e: {  	_ =	shalt  }
0x7f: {  	_ =	shalt  }
0x80: {  	_ =	shalt  }
0x81: {  	_ =	shalt  }
0x82: {  	_ =	shalt  }
0x83: {  	_ =	shalt  }
0x84: {  	_ =	shalt  }
0x85: {  	_ =	shalt  }
0x86: {  	_ =	shalt  }
0x87: {  	_ =	shalt  }
.Lfunc_end0:
.L_simem_size_0:
called_computation_lowered:
.L_overlay_start_0:
0x88: {  	s2 =	sld [smem:$0x3FD9]  }
0x89: {  	s3 =	sld [smem:$0x3FFE];
	_ =	sdelay $0x1  }
0x8a: {  	s1 =	srdreg.scid  }
0x8b: {  	s0 =	sand.u32 $0x1, s1  }
0x8c: {  	s18 =	sshll.u32 s0, $0xA;
	s2 =	sadd.s32 s3, s2  }
0x8d: {  	s2 =	sadd.s32 s2, s18  }
0x8e: {  	[smem:$0x3FBD] =	sst s2  }
0x8f: {  	_ = 	snop  }
0x90: {  	s2 =	sld [smem:$0x3FC9]  }
0x91: {  	s19 =	sld [smem:$0x3FC8]  }
0x92: {  	s4 =	sld [smem:$0x3FC7]  }
0x93: {  	s5 =	sld [smem:$0x3FC6]  }
0x94: {  	s6 =	sld [smem:$0x3FC5]  }
0x95: {  	s7 =	sld [smem:$0x3FC4]  }
0x96: {  	s8 =	sld [smem:$0x3FC3]  }
0x97: {  	s9 =	sld [smem:$0x3FC2]  }
0x98: {  	s10 =	sld [smem:$0x3FC1]  }
0x99: {  	s11 =	sld [smem:$0x3FC0]  }
0x9a: {  	s12 =	sld [smem:$0x3FBF]  }
0x9b: {  	s13 =	sld [smem:$0x3FD0];
	(tm) =	ssettm $0x1  }
0x9c: {  	s14 =	sld [smem:$0x3FFB];
	_ =	sdelay $0x3  }
0x9d: {  	_ =	strace s14  }
0x9e: {  	s14 =	sld [smem:$0x3FFC];
	_ =	sdelay $0x3  }
0x9f: {  	_ =	strace s14  }
0xa0: {  	s14 =	sld [smem:$0x3FFD];
	_ =	sdelay $0x3  }
0xa1: {  	_ =	strace s14  }
0xa2: {  	_ =	strace $0x8FFFFFFF  }
0xa3: {  	s20 =	sld [smem:$0x3FDB];
	_ =	sdelay $0x1  }
0xa4: {  	s15 =	simm.s32 $_scs_section_size  }
0xa5: {  	s16 =	simm.s32 $_size__tile_overlayer_lowered;
	s17 =	simm.s32 $_tile_overlayer_lowered  }
0xa6: {  	s23 =	simm.s32 $0x1BFF;
	s22 =	sshll.u32 s17, $0x1;
	s14 =	sadd.s32 s15, s20  }
0xa7: {  	s21 =	sshll.u32 s16, $0x1;
	s18 =	simm.s32 $0x0;
	s16 =	sadd.s32 s22, s14  }
0xa8: {  	[timem:s18], [sflag:s23] =	dma.local [hbm:s16], s21  }
0xa9: {  	_ =	swait.ge [sflag:s23], s21  }
0xaa: {  	s15 =	ssub.s32 $0x0, s21;
	[sflag:s23] =	ssyncset.done $0x0  }
0xab: {  	[sflag:s23] =	ssyncadd.s32 s15;
	_ =	sdelay $0x1  }
0xac: {  	s24 =	simm.s32 $0x1B8B  }
0xad: {  	_ =	swait.ge [sflag:s24], $0x1  }
0xae: {  	[sflag:s24] =	ssyncset.done $0x0  }
0xaf: {  	s25 =	simm.s32 $0x1B8E;
	[sflag:s24] =	ssyncadd.s32 $0xFFFFFFFF  }
0xb0: {  	s26 =	simm.s32 $execute0_lowered;
	[smem:$0x3FD2] =	sst s25  }
0xb1: {  	s15 =	sshll.u32 s26, $0x1;
	_ =	strace $0x80000046;
	[dreg:$0x1] =	wrdreg $0xFFFFFFFF  }
0xb2: {  	s28 =	simm.s32 $_size_execute0_lowered;
	s14 =	sadd.s32 s14, s15;
	[dreg:$0x0] =	wrdreg $0x0  }
0xb3: {  	s15 =	sshll.u32 s28, $0x1;
	[dreg:$0x2] =	wrdreg s14  }
0xb4: {  	[dreg:$0x3] =	wrdreg s15  }
0xb5: {  	[dreg:$0x4] =	wrdreg $0xC0  }
0xb6: {  	_ =	task [dreg:s18], $0x5FFFF  }
0xb7: {  	[dreg:$0x1] =	wrdreg $0xFFFFFFFF  }
0xb8: {  	[dreg:$0x0] =	wrdreg $0x60  }
0xb9: {  	[dreg:$0x2] =	wrdreg s2  }
0xba: {  	[dreg:$0x3] =	wrdreg s19  }
0xbb: {  	[dreg:$0x4] =	wrdreg s4  }
0xbc: {  	[dreg:$0x5] =	wrdreg s5  }
0xbd: {  	[dreg:$0x6] =	wrdreg s6  }
0xbe: {  	[dreg:$0x7] =	wrdreg s7  }
0xbf: {  	[dreg:$0x8] =	wrdreg s8  }
0xc0: {  	[dreg:$0x9] =	wrdreg s9  }
0xc1: {  	[dreg:$0xa] =	wrdreg s10  }
0xc2: {  	[dreg:$0xb] =	wrdreg s11  }
0xc3: {  	[dreg:$0xc] =	wrdreg s12  }
0xc4: {  	[dreg:$0xd] =	wrdreg s13  }
0xc5: {  	[dreg:$0xe] =	wrdreg $0x9  }
0xc6: {  	_ =	task.clear_ibuf [dreg:s18], $0xFFFFF;
	_ =	strace $0x90000046  }
0xc7: {  	s29 =	simm.s32 $0x9;
	_ =	strace $0x80000048  }
0xc8: {  	_ =	swait.ge [sflag:s29], $0x1  }
0xc9: {  	[sflag:s29] =	ssyncadd.s32 $0xFFFFFFFF  }
0xca: {  	_ =	strace $0x90000048  }
0xcb: {  	_ =	sfence  }
0xcc: {  	s30 =	sld [smem:$0x0];
	_ =	sdelay $0x2  }
0xcd: {  	s31 =	sshll.u32 s1, $0xD;
	s1 =	sshrl.u32 s1, $0x2  }
0xce: {  	s3 =	sand.u32 $0x4000, s31;
	s1 =	sadd.s32 s1, s30  }
0xcf: {  	s0 =	sor.u32 s3, s0;
	s1 =	sshll.u32 s1, $0x11  }
0xd0: {  	s0 =	sor.u32 s1, s0  }
0xd1: {  	s0 =	sadd.s32 $0x8F2B, s0  }
0xd2: {  	[sflag:s0] =	ssyncadd.remote.s32 $0x1  }
0xd3: {  	_ =	sfence.sel $0xFFFF  }
0xd4: {  	[dreg:$0x0] =	wrdreg $0xFFFFFFFF;
	(pc) =	sbr.abs _section_cstart, $3  }
0xd5: {  	[dreg:$0x1] =	wrdreg $0xFFFFFFFF  }
0xd6: {  	_ =	task.clear_ibuf [dreg:s18], $0x2FFFF;
	_ =	strace $0x9FFFFFFF  }
0xd7: {  	(tm) =	ssettm $0x7FFFFFFF  }
tec
execute0_lowered:
.L_overlay_start_1:
0x0: {  	(tag) =	ssettag $0x1  }
0x1: {  	s0 =	rddreg [dreg:$0x0]  }
0x2: {  	s1 =	rddreg [dreg:$0x1]  }
0x3: {  	s2 =	rddreg [dreg:$0x2]  }
0x4: {  	s3 =	rddreg [dreg:$0x3]  }
0x5: {  	s4 =	rddreg [dreg:$0x4]  }
0x6: {  	s5 =	rddreg [dreg:$0x5];
	v0 =	vlaneseq.u32  }
0x7: {  	s6 =	rddreg [dreg:$0x6];
	v0 =	vmul.u32 $0x4, v0  }
0x8: {  	s7 =	rddreg [dreg:$0x7];
	s14 =	simm.s32 $0x0  }
0x9: {  	[smem:$0x7FF] =	sst s14;
	v1 =	vor.u32 $0x1, v0  }
0xa: {  	s13 =	rddreg [dreg:$0xb];
	_ =	strace $0x80000047;
	v43 =	vor.u32 $0x2, v0;
	[tilespmem:$0x1FEA0] =	vst v1  }
0xb: {  	v44 =	vor.u32 $0x3, v0;
	[tilespmem:$0x1FEB0] =	vst v43  }
0xc: {  	v45 =	vor.u32 $0x40, v0;
	[tilespmem:$0x1FEC0] =	vst v44  }
0xd: {  	v46 =	vor.u32 $0x41, v0;
	[tilespmem:$0x1FED0] =	vst v45  }
0xe: {  	v47 =	vor.u32 $0x42, v0;
	[tilespmem:$0x1FEE0] =	vst v46  }
0xf: {  	v48 =	vor.u32 $0x43, v0;
	[tilespmem:$0x1FEF0] =	vst v47  }
0x10: {  	v49 =	vor.u32 $0x80, v0;
	[tilespmem:$0x1FF00] =	vst v48  }
0x11: {  	v50 =	vor.u32 $0x81, v0;
	[tilespmem:$0x1FF10] =	vst v49  }
0x12: {  	s8 =	srdreg.scid;
	v51 =	vor.u32 $0x82, v0;
	[tilespmem:$0x1FF20] =	vst v50  }
0x13: {  	s10 =	stileid.u32;
	s29 =	simm.s32 $0x500;
	s8 =	sand.u32 $0x1, s8;
	v52 =	vor.u32 $0x83, v0;
	[tilespmem:$0x1FF30] =	vst v51  }
0x14: {  	s30 =	simm.s32 $0x3;
	s31 =	simm.s32 $0x80;
	s9 =	sshll.u32 s8, $0x4;
	v53 =	vor.u32 $0xC0, v0;
	[tilespmem:$0x1FF40] =	vst v52  }
0x15: {  	s16 =	simm.s32 $0x200;
	s8 =	ssub.s32 $0x2, s8;
	s9 =	sor.u32 s10, s9;
	v54 =	vor.u32 $0xC1, v0;
	[tilespmem:$0x1FF50] =	vst v53  }
0x16: {  	s17 =	simm.s32 $0x580;
	s23 =	sshrl.u32 s8, $0x1;
	v55 =	vor.u32 $0xC2, v0;
	s15 =	smul.u32 $0x1900, s9;
	[tilespmem:$0x1FF60] =	vst v54  }
0x17: {  	s18 =	simm.s32 $0x4;
	v56 =	vor.u32 $0xC3, v0;
	s9 =	smul.u32 $0xC80, s9;
	s8 =	ssub.s32 s8, s23;
	[tilespmem:$0x1FF70] =	vst v55  }
0x18: {  	s19 =	simm.s32 $0x4C00;
	s12 =	simm.s32 $0x2;
	v57 =	vor.u32 $0x100, v0;
	[tilespmem:$0x1FF80] =	vst v56;
	s8 =	smax.u32 s8, $0x1  }
0x19: {  	v58 =	vor.u32 $0x101, v0;
	[tilespmem:$0x1FF90] =	vst v57;
	s11 =	sshrl.u32 s15, $0x3;
	s9 =	sadd.s32 s1, s9;
	[dreg:$0x13] =	wrdreg s8  }
0x1a: {  	v59 =	vor.u32 $0x102, v0;
	[tilespmem:$0x1FFA0] =	vst v58;
	s25 =	sor.u32 $0x80, s15;
	s24 =	sadd.s32 s0, s11;
	[dreg:$0xe] =	wrdreg s9  }
0x1b: {  	v60 =	vor.u32 $0x103, v0;
	[tilespmem:$0x1FFB0] =	vst v59;
	s26 =	sshrl.u32 s25, $0x3;
	s11 =	sadd.s32 s2, s11;
	[dreg:$0xd] =	wrdreg s24  }
0x1c: {  	v61 =	vor.u32 $0x140, v0;
	v62 =	vor.u32 $0x141, v0;
	v63 =	vor.u32 $0x142, v0;
	[tilespmem:$0x1FFC0] =	vst v60;
	s10 =	sshrl.u32 s25, $0x1;
	[dreg:$0xf] =	wrdreg s11;
	s28 =	sadd.s32 s0, s26  }
0x1d: {  	s20 =	simm.s32 $0x0;
	v23 =	vor.u32 $0x143, v0;
	v24 =	vor.u32 $0x180, v0;
	v25 =	vor.u32 $0x181, v0;
	[tilespmem:$0x1FFD0] =	vst v61;
	s10 =	sadd.s32 s1, s10;
	[dreg:$0x10] =	wrdreg s28  }
0x1e: {  	v26 =	vor.u32 $0x182, v0;
	v27 =	vor.u32 $0x183, v0;
	v28 =	vor.u32 $0x1C0, v0;
	[tilespmem:$0x1FFE0] =	vst v62;
	s23 =	simm.s32 $0x5;
	s9 =	sadd.s32 s2, s26;
	[dreg:$0x11] =	wrdreg s10  }
0x1f: {  	v29 =	vor.u32 $0x1C1, v0;
	v30 =	vor.u32 $0x1C2, v0;
	v22 =	vmovc v0;
	v31 =	vor.u32 $0x1C3, v0;
	[tilespmem:$0x1FFF0] =	vst v63;
	[dreg:$0x12] =	wrdreg s9;
	s10 =	simm.s32 $0xC00;
	s9 =	simm.s32 $0x1  }
.LBB2_1:
0x20: {  	[dreg:$0x14] =	wrdreg s20  }
0x21: {  	s8 =	rddreg [dreg:$0x9];
	s11 =	simm.s32 $0x8C00;
	s25 =	simm.s32 $0x7  }
0x22: {  	[tilespmem:s11], [sflag:$0x7] =	stream.linear.gather [hbm4b:s8+s14], $0x80, $0x38;
	[tilespmem:$0x8E00] =	vst v63  }
0x23: {  	_ =	swait.ge [sflag:s25], $0x80  }
0x24: {  	[sflag:s25] =	ssyncset.done $0x0  }
0x25: {  	[sflag:s25] =	ssyncadd.s32 $0xFFFFFF80  }
0x26: {  	s28 =	simm.s32 $0x8C80;
	s26 =	rddreg [dreg:$0xa]  }
0x27: {  	[tilespmem:s28], [sflag:$0x7] =	stream.linear.gather [hbm4b:s26+s14], $0x80, $0x38;
	[tilespmem:$0x8E00] =	vst v63  }
0x28: {  	_ =	swait.ge [sflag:s25], $0x80  }
0x29: {  	[sflag:s25] =	ssyncset.done $0x0  }
0x2a: {  	[sflag:s25] =	ssyncadd.s32 $0xFFFFFF80  }
0x2b: {  	s21 =	simm.s32 $0x8D00;
	s20 =	rddreg [dreg:$0x8]  }
0x2c: {  	[tilespmem:s21], [sflag:$0x7] =	stream.linear.gather [hbm4b:s20+s14], $0x100, $0x38;
	[tilespmem:$0x8E00] =	vst v63  }
0x2d: {  	_ =	swait.ge [sflag:s25], $0x100  }
0x2e: {  	[sflag:s25] =	ssyncset.done $0x0  }
0x2f: {  	[sflag:s25] =	ssyncadd.s32 $0xFFFFFF00  }
0x30: {  	v32 =	vld [tilespmem:$0x8C00]  }
0x31: {  	v33 =	vld [tilespmem:$0x8C10]  }
0x32: {  	v34 =	vld [tilespmem:$0x8C20]  }
0x33: {  	v35 =	vld [tilespmem:$0x8C30]  }
0x34: {  	v36 =	vld [tilespmem:$0x8C40]  }
0x35: {  	v37 =	vld [tilespmem:$0x8C50]  }
0x36: {  	v38 =	vld [tilespmem:$0x8C60]  }
0x37: {  	v39 =	vld [tilespmem:$0x8C70]  }
0x38: {  	v40 =	vld [tilespmem:$0x8C80]  }
0x39: {  	v41 =	vld [tilespmem:$0x8C90]  }
0x3a: {  	v42 =	vld [tilespmem:$0x8CA0]  }
0x3b: {  	v43 =	vld [tilespmem:$0x8CB0]  }
0x3c: {  	v44 =	vld [tilespmem:$0x8CC0]  }
0x3d: {  	v45 =	vld [tilespmem:$0x8CD0]  }
0x3e: {  	v46 =	vld [tilespmem:$0x8CE0]  }
0x3f: {  	v47 =	vld [tilespmem:$0x8CF0]  }
0x40: {  	v48 =	vld [tilespmem:$0x8D00]  }
0x41: {  	v49 =	vld [tilespmem:$0x8D10]  }
0x42: {  	v50 =	vld [tilespmem:$0x8D20]  }
0x43: {  	v51 =	vld [tilespmem:$0x8D30]  }
0x44: {  	v52 =	vld [tilespmem:$0x8D40]  }
0x45: {  	v53 =	vld [tilespmem:$0x8D50]  }
0x46: {  	v54 =	vld [tilespmem:$0x8D60]  }
0x47: {  	v55 =	vld [tilespmem:$0x8D70]  }
0x48: {  	v56 =	vld [tilespmem:$0x8D80]  }
0x49: {  	v57 =	vld [tilespmem:$0x8D90]  }
0x4a: {  	v58 =	vld [tilespmem:$0x8DA0]  }
0x4b: {  	v59 =	vld [tilespmem:$0x8DB0]  }
0x4c: {  	v60 =	vld [tilespmem:$0x8DC0]  }
0x4d: {  	v61 =	vld [tilespmem:$0x8DD0]  }
0x4e: {  	s24 =	simm.s32 $0x400;
	s22 =	rddreg [dreg:$0xd];
	v62 =	vld [tilespmem:$0x8DE0]  }
0x4f: {  	v63 =	vld [tilespmem:$0x8DF0];
	[tilespmem:s24], [sflag:$0x3] =	stream.linear.gather [hbm4b:s22+s14], $0x80, $0x38  }
0x50: {  	s25 =	rddreg [dreg:$0xe]  }
0x51: {  	[tilespmem:s14], [sflag:$0x3] =	stream.linear.gather [hbm4b:s25+s14], $0x200, $0x38;
	[tilespmem:$0x8E00] =	vst v63  }
0x52: {  	s26 =	rddreg [dreg:$0xf]  }
0x53: {  	[tilespmem:s29], [sflag:$0x3] =	stream.linear.gather [hbm4b:s26+s14], $0x80, $0x38;
	[tilespmem:$0x8E00] =	vst v63  }
0x54: {  	_ =	swait.ge [sflag:s30], $0x80  }
0x55: {  	[sflag:s30] =	ssyncset.done $0x0  }
0x56: {  	[sflag:s30] =	ssyncadd.s32 $0xFFFFFF80  }
0x57: {  	_ =	swait.ge [sflag:s30], $0x200  }
0x58: {  	[sflag:s30] =	ssyncset.done $0x0  }
0x59: {  	[sflag:s30] =	ssyncadd.s32 $0xFFFFFE00  }
0x5a: {  	_ =	swait.ge [sflag:s30], $0x80  }
0x5b: {  	v1 =	vld [tilespmem:$0x1FEA0]  }
0x5c: {  	v2 =	vld [tilespmem:$0x1FEB0]  }
0x5d: {  	v3 =	vld [tilespmem:$0x1FEC0];
	_ =	sdelay $0x2  }
0x5e: {  	[sflag:s30] =	ssyncset.done $0x0  }
0x5f: {  	[sflag:s30] =	ssyncadd.s32 $0xFFFFFF80  }
0x60: {  	v0 =	vld.idx.msk [tilespmem:v22+s14+$0x0], $0xffff  }
0x61: {  	v1 =	vld.idx.msk [tilespmem:v1+s14+$0x0], $0xffff  }
0x62: {  	v2 =	vld.idx.msk [tilespmem:v2+s14+$0x0], $0xffff  }
0x63: {  	v3 =	vld.idx.msk [tilespmem:v3+s14+$0x0], $0xffff;
	_ =	sdelay $0x1  }
0x64: {  	[tilespmem:$0x600] =	vst v0  }
0x65: {  	[tilespmem:$0x700] =	vst v1  }
0x66: {  	[tilespmem:$0x800] =	vst v2;
	v0 =	vsub.s32 v2, v0;
	v2 =	vld [tilespmem:$0x1FEF0]  }
0x67: {  	v1 =	vsub.s32 v3, v1;
	[tilespmem:$0xB00] =	vst v0;
	v0 =	vld [tilespmem:$0x1FED0]  }
0x68: {  	[tilespmem:$0xA00] =	vst v1;
	v1 =	vld [tilespmem:$0x1FEE0]  }
0x69: {  	[tilespmem:$0x900] =	vst v3;
	v3 =	vld [tilespmem:$0x1FF00];
	_ =	sdelay $0x4  }
0x6a: {  	v2 =	vld.idx.msk [tilespmem:v2+s14+$0x0], $0xffff  }
0x6b: {  	v0 =	vld.idx.msk [tilespmem:v0+s14+$0x0], $0xffff  }
0x6c: {  	v1 =	vld.idx.msk [tilespmem:v1+s14+$0x0], $0xffff  }
0x6d: {  	v3 =	vld.idx.msk [tilespmem:v3+s14+$0x0], $0xffff;
	_ =	sdelay $0x1  }
0x6e: {  	[tilespmem:$0x810] =	vst v2  }
0x6f: {  	[tilespmem:$0x610] =	vst v0  }
0x70: {  	[tilespmem:$0x710] =	vst v1;
	v0 =	vsub.s32 v2, v0;
	v2 =	vld [tilespmem:$0x1FF30]  }
0x71: {  	v1 =	vsub.s32 v3, v1;
	[tilespmem:$0xB10] =	vst v0;
	v0 =	vld [tilespmem:$0x1FF10]  }
0x72: {  	[tilespmem:$0xA10] =	vst v1;
	v1 =	vld [tilespmem:$0x1FF20]  }
0x73: {  	[tilespmem:$0x910] =	vst v3;
	v3 =	vld [tilespmem:$0x1FF40];
	_ =	sdelay $0x4  }
0x74: {  	v2 =	vld.idx.msk [tilespmem:v2+s14+$0x0], $0xffff  }
0x75: {  	v0 =	vld.idx.msk [tilespmem:v0+s14+$0x0], $0xffff  }
0x76: {  	v1 =	vld.idx.msk [tilespmem:v1+s14+$0x0], $0xffff  }
0x77: {  	v3 =	vld.idx.msk [tilespmem:v3+s14+$0x0], $0xffff;
	_ =	sdelay $0x1  }
0x78: {  	[tilespmem:$0x820] =	vst v2  }
0x79: {  	[tilespmem:$0x620] =	vst v0  }
0x7a: {  	[tilespmem:$0x720] =	vst v1;
	v0 =	vsub.s32 v2, v0;
	v2 =	vld [tilespmem:$0x1FF70]  }
0x7b: {  	v1 =	vsub.s32 v3, v1;
	[tilespmem:$0xB20] =	vst v0;
	v0 =	vld [tilespmem:$0x1FF50]  }
0x7c: {  	[tilespmem:$0xA20] =	vst v1;
	v1 =	vld [tilespmem:$0x1FF60]  }
0x7d: {  	[tilespmem:$0x920] =	vst v3;
	v3 =	vld [tilespmem:$0x1FF80];
	_ =	sdelay $0x4  }
0x7e: {  	v2 =	vld.idx.msk [tilespmem:v2+s14+$0x0], $0xffff  }
0x7f: {  	v0 =	vld.idx.msk [tilespmem:v0+s14+$0x0], $0xffff  }
0x80: {  	v1 =	vld.idx.msk [tilespmem:v1+s14+$0x0], $0xffff  }
0x81: {  	v3 =	vld.idx.msk [tilespmem:v3+s14+$0x0], $0xffff;
	_ =	sdelay $0x1  }
0x82: {  	[tilespmem:$0x830] =	vst v2  }
0x83: {  	[tilespmem:$0x630] =	vst v0  }
0x84: {  	[tilespmem:$0x730] =	vst v1;
	v0 =	vsub.s32 v2, v0;
	v2 =	vld [tilespmem:$0x1FFB0]  }
0x85: {  	v1 =	vsub.s32 v3, v1;
	[tilespmem:$0xB30] =	vst v0;
	v0 =	vld [tilespmem:$0x1FF90]  }
0x86: {  	[tilespmem:$0xA30] =	vst v1;
	v1 =	vld [tilespmem:$0x1FFA0]  }
0x87: {  	[tilespmem:$0x930] =	vst v3;
	v3 =	vld [tilespmem:$0x1FFC0];
	_ =	sdelay $0x4  }
0x88: {  	v2 =	vld.idx.msk [tilespmem:v2+s14+$0x0], $0xffff  }
0x89: {  	v0 =	vld.idx.msk [tilespmem:v0+s14+$0x0], $0xffff  }
0x8a: {  	v1 =	vld.idx.msk [tilespmem:v1+s14+$0x0], $0xffff  }
0x8b: {  	v3 =	vld.idx.msk [tilespmem:v3+s14+$0x0], $0xffff;
	_ =	sdelay $0x1  }
0x8c: {  	[tilespmem:$0x840] =	vst v2  }
0x8d: {  	[tilespmem:$0x640] =	vst v0  }
0x8e: {  	[tilespmem:$0x740] =	vst v1;
	v0 =	vsub.s32 v2, v0;
	v2 =	vld [tilespmem:$0x1FFF0]  }
0x8f: {  	v1 =	vsub.s32 v3, v1;
	[tilespmem:$0xB40] =	vst v0;
	v0 =	vld [tilespmem:$0x1FFD0]  }
0x90: {  	[tilespmem:$0xA40] =	vst v1;
	v1 =	vld [tilespmem:$0x1FFE0];
	_ =	sdelay $0x3  }
0x91: {  	[tilespmem:$0x940] =	vst v3  }
0x92: {  	v3 =	vld.idx.msk [tilespmem:v23+s14+$0x0], $0xffff  }
0x93: {  	v2 =	vld.idx.msk [tilespmem:v2+s14+$0x0], $0xffff  }
0x94: {  	v0 =	vld.idx.msk [tilespmem:v0+s14+$0x0], $0xffff  }
0x95: {  	v1 =	vld.idx.msk [tilespmem:v1+s14+$0x0], $0xffff;
	_ =	sdelay $0x1  }
0x96: {  	[tilespmem:$0x950] =	vst v3  }
0x97: {  	[tilespmem:$0x850] =	vst v2  }
0x98: {  	[tilespmem:$0x650] =	vst v0  }
0x99: {  	[tilespmem:$0x750] =	vst v1;
	v1 =	vsub.s32 v3, v1  }
0x9a: {  	v0 =	vsub.s32 v2, v0;
	[tilespmem:$0xA50] =	vst v1  }
0x9b: {  	[tilespmem:$0xB50] =	vst v0  }
0x9c: {  	v0 =	vld.idx.msk [tilespmem:v24+s14+$0x0], $0xffff  }
0x9d: {  	v1 =	vld.idx.msk [tilespmem:v25+s14+$0x0], $0xffff  }
0x9e: {  	v2 =	vld.idx.msk [tilespmem:v26+s14+$0x0], $0xffff  }
0x9f: {  	v3 =	vld.idx.msk [tilespmem:v27+s14+$0x0], $0xffff;
	_ =	sdelay $0x1  }
0xa0: {  	[tilespmem:$0x660] =	vst v0  }
0xa1: {  	[tilespmem:$0x760] =	vst v1  }
0xa2: {  	[tilespmem:$0x860] =	vst v2  }
0xa3: {  	[tilespmem:$0x960] =	vst v3;
	v1 =	vsub.s32 v3, v1  }
0xa4: {  	v0 =	vsub.s32 v2, v0;
	[tilespmem:$0xA60] =	vst v1  }
0xa5: {  	[tilespmem:$0xB60] =	vst v0  }
0xa6: {  	v0 =	vld.idx.msk [tilespmem:v28+s14+$0x0], $0xffff  }
0xa7: {  	v1 =	vld.idx.msk [tilespmem:v29+s14+$0x0], $0xffff  }
0xa8: {  	v2 =	vld.idx.msk [tilespmem:v30+s14+$0x0], $0xffff  }
0xa9: {  	v3 =	vld.idx.msk [tilespmem:v31+s14+$0x0], $0xffff;
	_ =	sdelay $0x1  }
0xaa: {  	[tilespmem:$0x670] =	vst v0  }
0xab: {  	v4 =	vmov s14;
	[tilespmem:$0x770] =	vst v1  }
0xac: {  	[tilespmem:$0x870] =	vst v2  }
0xad: {  	[tilespmem:$0x970] =	vst v3;
	v1 =	vsub.s32 v3, v1  }
0xae: {  	v0 =	vsub.s32 v2, v0;
	[tilespmem:$0xA70] =	vst v1  }
0xaf: {  	[tilespmem:$0xB70] =	vst v0  }
0xb0: {  	v0 =	vld.idx.msk [tilespmem:v4+s29+$0x0], $0xffff;
	_ =	sdelay $0x4  }
0xb1: {  	vm0 =	vgt.s32 v0, $0x0  }
0xb2: {  	s8 =	simm.s32 $0xC40;
	v0 =	vsel vm0, v56, v48  }
0xb3: {  	v1 =	vsel vm0, v57, v49;
	[tilespmem:s8+$0xFFFFFFC0] =	vst v0  }
0xb4: {  	v2 =	vsel vm0, v58, v50;
	[tilespmem:s8+$0xFFFFFFD0] =	vst v1  }
0xb5: {  	s28 =	simm.s32 $0x1;
	v4 =	vsel vm0, v59, v51;
	v3 =	vsel vm0, v62, v54;
	v1 =	vsel vm0, v60, v52;
	[tilespmem:s8+$0xFFFFFFE0] =	vst v2  }
0xb6: {  	s11 =	simm.s32 $0x2;
	v0 =	vsel vm0, v61, v53;
	v2 =	vsel vm0, v63, v55;
	[tilespmem:s8+$0xFFFFFFF0] =	vst v4;
	v4 =	vmov s28  }
.LBB2_2:
0xb7: {  	p0 =	sne.s32 s11, $0x7F;
	[tilespmem:s8+$0x0] =	vst v1  }
0xb8: {  	[tilespmem:s8+$0x10] =	vst v0  }
0xb9: {  	[tilespmem:s8+$0x20] =	vst v3  }
0xba: {  	[tilespmem:s8+$0x30] =	vst v2  }
0xbb: {  	v0 =	vld.idx.msk [tilespmem:v4+s29+$0x0], $0xffff;
	_ =	sdelay $0x5  }
0xbc: {  	vm0 =	vgt.s32 v0, $0x0  }
.Ltmp0:
0xbd: {  	s8 =	sadd.s32 $0x80, s8;
	v0 =	vsel vm0, v56, v48;
	v2 =	vsel vm0, v57, v49;
	v4 =	vsel vm0, v58, v50;
	(pc) =	sbr.rel @p0 .LBB2_2-.Ltmp0, $4  }
0xbe: {  	v5 =	vsel vm0, v59, v51;
	v1 =	vsel vm0, v60, v52;
	[tilespmem:s8+$0xFFFFFFC0] =	vst v0;
	v0 =	vsel vm0, v61, v53  }
0xbf: {  	v3 =	vsel vm0, v62, v54;
	[tilespmem:s8+$0xFFFFFFD0] =	vst v2;
	v2 =	vsel vm0, v63, v55  }
0xc0: {  	[tilespmem:s8+$0xFFFFFFE0] =	vst v4  }
0xc1: {  	v4 =	vmov s11;
	s11 =	sadd.s32 $0x1, s11;
	[tilespmem:s8+$0xFFFFFFF0] =	vst v5  }
0xc2: {  	[tilespmem:s8+$0x0] =	vst v1  }
0xc3: {  	[tilespmem:s8+$0x10] =	vst v0  }
0xc4: {  	[tilespmem:s8+$0x20] =	vst v3  }
0xc5: {  	[tilespmem:s8+$0x30] =	vst v2  }
0xc6: {  	v0 =	vld.idx.msk [tilespmem:v4+s29+$0x0], $0xffff;
	_ =	sdelay $0x4  }
0xc7: {  	vm0 =	vgt.s32 v0, $0x0  }
0xc8: {  	s22 =	sadd.s32 $0x80, s8;
	v0 =	vsel vm0, v56, v48  }
0xc9: {  	v13 =	vsel vm0, v57, v49;
	[tilespmem:s22+$0xFFFFFFC0] =	vst v0  }
0xca: {  	v14 =	vsel vm0, v58, v50;
	[tilespmem:s22+$0xFFFFFFD0] =	vst v13  }
0xcb: {  	v15 =	vsel vm0, v59, v51;
	[tilespmem:s22+$0xFFFFFFE0] =	vst v14  }
0xcc: {  	v16 =	vsel vm0, v60, v52;
	[tilespmem:s22+$0xFFFFFFF0] =	vst v15  }
0xcd: {  	v17 =	vsel vm0, v61, v53;
	[tilespmem:s22+$0x0] =	vst v16  }
0xce: {  	v18 =	vsel vm0, v62, v54;
	[tilespmem:s22+$0x10] =	vst v17  }
0xcf: {  	v19 =	vsel vm0, v63, v55;
	[tilespmem:s22+$0x20] =	vst v18  }
0xd0: {  	s24 =	simm.s32 $0x400;
	[tilespmem:s22+$0x30] =	vst v19  }
0xd1: {  	[tilespmem:s10], [sflag:$0x1] =	stream.indirect.gather.add.f32 [hbm:s3], $0x80, s24, s31, $0xb8;
	[tilespmem:$0x8E00] =	vst v63  }
0xd2: {  	s25 =	simm.s32 $0x600  }
0xd3: {  	[tilespmem:s10], [sflag:$0x1] =	stream.indirect.gather.add.f32 [hbm:s4], $0x80, s25, s31, $0xb8;
	[tilespmem:$0x8E00] =	vst v63  }
0xd4: {  	s26 =	simm.s32 $0x700  }
0xd5: {  	[tilespmem:s10], [sflag:$0x1] =	stream.indirect.gather.add.f32 [hbm:s5], $0x80, s26, s31, $0xb8;
	[tilespmem:$0x8E00] =	vst v63  }
0xd6: {  	s11 =	simm.s32 $0x800  }
0xd7: {  	[tilespmem:s10], [sflag:$0x1] =	stream.indirect.gather.add.f32 [hbm:s4], $0x80, s11, s31, $0xb8;
	[tilespmem:$0x8E00] =	vst v63  }
0xd8: {  	s20 =	simm.s32 $0x900  }
0xd9: {  	[tilespmem:s10], [sflag:$0x1] =	stream.indirect.gather.add.f32 [hbm:s5], $0x80, s20, s31, $0xb8;
	[tilespmem:$0x8E00] =	vst v63  }
0xda: {  	s21 =	simm.s32 $0xA00  }
0xdb: {  	[tilespmem:s10], [sflag:$0x1] =	stream.indirect.gather.add.f32 [hbm:s6], $0x80, s21, s31, $0xb8;
	[tilespmem:$0x8E00] =	vst v63  }
0xdc: {  	s22 =	simm.s32 $0xB00  }
0xdd: {  	[tilespmem:s10], [sflag:$0x1] =	stream.indirect.gather.add.f32 [hbm:s7], $0x80, s22, s31, $0xb8;
	[tilespmem:$0x8E00] =	vst v63  }
0xde: {  	s24 =	rddreg [dreg:$0x10];
	s11 =	simm.s32 $0x480;
	s20 =	simm.s32 $0x0  }
0xdf: {  	[tilespmem:s11], [sflag:$0x4] =	stream.linear.gather [hbm4b:s24+s20], $0x80, $0x38;
	[tilespmem:$0x8E00] =	vst v63  }
0xe0: {  	s25 =	rddreg [dreg:$0x11]  }
0xe1: {  	[tilespmem:s16], [sflag:$0x4] =	stream.linear.gather [hbm4b:s25+s20], $0x200, $0x38;
	[tilespmem:$0x8E00] =	vst v63  }
0xe2: {  	s28 =	simm.s32 $0x0;
	s26 =	rddreg [dreg:$0x12]  }
0xe3: {  	[tilespmem:s17], [sflag:$0x4] =	stream.linear.gather [hbm4b:s26+s20], $0x80, $0x38;
	[tilespmem:$0x8E00] =	vst v63  }
.LBB2_4:
0xe4: {  	_ =	swait.ge [sflag:s18], $0x80  }
0xe5: {  	[sflag:s18] =	ssyncset.done $0x0  }
0xe6: {  	[sflag:s18] =	ssyncadd.s32 $0xFFFFFF80  }
0xe7: {  	_ =	swait.ge [sflag:s18], $0x200  }
0xe8: {  	[sflag:s18] =	ssyncset.done $0x0  }
0xe9: {  	[sflag:s18] =	ssyncadd.s32 $0xFFFFFE00  }
0xea: {  	_ =	swait.ge [sflag:s18], $0x80  }
0xeb: {  	v1 =	vld [tilespmem:$0x1FEA0]  }
0xec: {  	v2 =	vld [tilespmem:$0x1FEB0]  }
0xed: {  	v3 =	vld [tilespmem:$0x1FEC0];
	_ =	sdelay $0x2  }
0xee: {  	[sflag:s18] =	ssyncset.done $0x0  }
0xef: {  	[sflag:s18] =	ssyncadd.s32 $0xFFFFFF80  }
0xf0: {  	v0 =	vld.idx.msk [tilespmem:v22+s16+$0x0], $0xffff  }
0xf1: {  	v1 =	vld.idx.msk [tilespmem:v1+s16+$0x0], $0xffff  }
0xf2: {  	v2 =	vld.idx.msk [tilespmem:v2+s16+$0x0], $0xffff  }
0xf3: {  	v3 =	vld.idx.msk [tilespmem:v3+s16+$0x0], $0xffff;
	_ =	sdelay $0x1  }
0xf4: {  	[tilespmem:$0x680] =	vst v0  }
0xf5: {  	[tilespmem:$0x780] =	vst v1  }
0xf6: {  	[tilespmem:$0x880] =	vst v2;
	v0 =	vsub.s32 v2, v0;
	v2 =	vld [tilespmem:$0x1FEF0]  }
0xf7: {  	v1 =	vsub.s32 v3, v1;
	[tilespmem:$0xB80] =	vst v0;
	v0 =	vld [tilespmem:$0x1FED0]  }
0xf8: {  	[tilespmem:$0xA80] =	vst v1;
	v1 =	vld [tilespmem:$0x1FEE0]  }
0xf9: {  	[tilespmem:$0x980] =	vst v3;
	v3 =	vld [tilespmem:$0x1FF00];
	_ =	sdelay $0x4  }
0xfa: {  	v2 =	vld.idx.msk [tilespmem:v2+s16+$0x0], $0xffff  }
0xfb: {  	v0 =	vld.idx.msk [tilespmem:v0+s16+$0x0], $0xffff  }
0xfc: {  	v1 =	vld.idx.msk [tilespmem:v1+s16+$0x0], $0xffff  }
0xfd: {  	v3 =	vld.idx.msk [tilespmem:v3+s16+$0x0], $0xffff;
	_ =	sdelay $0x1  }
0xfe: {  	[tilespmem:$0x890] =	vst v2  }
0xff: {  	[tilespmem:$0x690] =	vst v0  }
0x100: {  	[tilespmem:$0x790] =	vst v1;
	v0 =	vsub.s32 v2, v0;
	v2 =	vld [tilespmem:$0x1FF30]  }
0x101: {  	v1 =	vsub.s32 v3, v1;
	[tilespmem:$0xB90] =	vst v0;
	v0 =	vld [tilespmem:$0x1FF10]  }
0x102: {  	[tilespmem:$0xA90] =	vst v1;
	v1 =	vld [tilespmem:$0x1FF20]  }
0x103: {  	[tilespmem:$0x990] =	vst v3;
	v3 =	vld [tilespmem:$0x1FF40];
	_ =	sdelay $0x4  }
0x104: {  	v2 =	vld.idx.msk [tilespmem:v2+s16+$0x0], $0xffff  }
0x105: {  	v0 =	vld.idx.msk [tilespmem:v0+s16+$0x0], $0xffff  }
0x106: {  	v1 =	vld.idx.msk [tilespmem:v1+s16+$0x0], $0xffff  }
0x107: {  	v3 =	vld.idx.msk [tilespmem:v3+s16+$0x0], $0xffff;
	_ =	sdelay $0x1  }
0x108: {  	[tilespmem:$0x8A0] =	vst v2  }
0x109: {  	[tilespmem:$0x6A0] =	vst v0  }
0x10a: {  	[tilespmem:$0x7A0] =	vst v1;
	v0 =	vsub.s32 v2, v0;
	v2 =	vld [tilespmem:$0x1FF70]  }
0x10b: {  	v1 =	vsub.s32 v3, v1;
	[tilespmem:$0xBA0] =	vst v0;
	v0 =	vld [tilespmem:$0x1FF50]  }
0x10c: {  	[tilespmem:$0xAA0] =	vst v1;
	v1 =	vld [tilespmem:$0x1FF60]  }
0x10d: {  	[tilespmem:$0x9A0] =	vst v3;
	v3 =	vld [tilespmem:$0x1FF80];
	_ =	sdelay $0x4  }
0x10e: {  	v2 =	vld.idx.msk [tilespmem:v2+s16+$0x0], $0xffff  }
0x10f: {  	v0 =	vld.idx.msk [tilespmem:v0+s16+$0x0], $0xffff  }
0x110: {  	v1 =	vld.idx.msk [tilespmem:v1+s16+$0x0], $0xffff  }
0x111: {  	v3 =	vld.idx.msk [tilespmem:v3+s16+$0x0], $0xffff;
	_ =	sdelay $0x1  }
0x112: {  	[tilespmem:$0x8B0] =	vst v2  }
0x113: {  	[tilespmem:$0x6B0] =	vst v0  }
0x114: {  	[tilespmem:$0x7B0] =	vst v1;
	v0 =	vsub.s32 v2, v0;
	v2 =	vld [tilespmem:$0x1FFB0]  }
0x115: {  	v1 =	vsub.s32 v3, v1;
	[tilespmem:$0xBB0] =	vst v0;
	v0 =	vld [tilespmem:$0x1FF90]  }
0x116: {  	[tilespmem:$0xAB0] =	vst v1;
	v1 =	vld [tilespmem:$0x1FFA0]  }
0x117: {  	[tilespmem:$0x9B0] =	vst v3;
	v3 =	vld [tilespmem:$0x1FFC0];
	_ =	sdelay $0x4  }
0x118: {  	v2 =	vld.idx.msk [tilespmem:v2+s16+$0x0], $0xffff  }
0x119: {  	v0 =	vld.idx.msk [tilespmem:v0+s16+$0x0], $0xffff  }
0x11a: {  	v1 =	vld.idx.msk [tilespmem:v1+s16+$0x0], $0xffff  }
0x11b: {  	v3 =	vld.idx.msk [tilespmem:v3+s16+$0x0], $0xffff;
	_ =	sdelay $0x1  }
0x11c: {  	[tilespmem:$0x8C0] =	vst v2  }
0x11d: {  	[tilespmem:$0x6C0] =	vst v0  }
0x11e: {  	[tilespmem:$0x7C0] =	vst v1;
	v0 =	vsub.s32 v2, v0;
	v2 =	vld [tilespmem:$0x1FFF0]  }
0x11f: {  	v1 =	vsub.s32 v3, v1;
	[tilespmem:$0xBC0] =	vst v0;
	v0 =	vld [tilespmem:$0x1FFD0]  }
0x120: {  	[tilespmem:$0xAC0] =	vst v1;
	v1 =	vld [tilespmem:$0x1FFE0];
	_ =	sdelay $0x3  }
0x121: {  	[tilespmem:$0x9C0] =	vst v3  }
0x122: {  	v3 =	vld.idx.msk [tilespmem:v23+s16+$0x0], $0xffff  }
0x123: {  	v2 =	vld.idx.msk [tilespmem:v2+s16+$0x0], $0xffff  }
0x124: {  	v0 =	vld.idx.msk [tilespmem:v0+s16+$0x0], $0xffff  }
0x125: {  	v1 =	vld.idx.msk [tilespmem:v1+s16+$0x0], $0xffff;
	_ =	sdelay $0x1  }
0x126: {  	[tilespmem:$0x9D0] =	vst v3  }
0x127: {  	[tilespmem:$0x8D0] =	vst v2  }
0x128: {  	[tilespmem:$0x6D0] =	vst v0  }
0x129: {  	[tilespmem:$0x7D0] =	vst v1;
	v1 =	vsub.s32 v3, v1  }
0x12a: {  	v0 =	vsub.s32 v2, v0;
	[tilespmem:$0xAD0] =	vst v1  }
0x12b: {  	[tilespmem:$0xBD0] =	vst v0  }
0x12c: {  	v0 =	vld.idx.msk [tilespmem:v24+s16+$0x0], $0xffff  }
0x12d: {  	v1 =	vld.idx.msk [tilespmem:v25+s16+$0x0], $0xffff  }
0x12e: {  	v2 =	vld.idx.msk [tilespmem:v26+s16+$0x0], $0xffff  }
0x12f: {  	v3 =	vld.idx.msk [tilespmem:v27+s16+$0x0], $0xffff;
	_ =	sdelay $0x1  }
0x130: {  	[tilespmem:$0x6E0] =	vst v0  }
0x131: {  	[tilespmem:$0x7E0] =	vst v1  }
0x132: {  	[tilespmem:$0x8E0] =	vst v2  }
0x133: {  	[tilespmem:$0x9E0] =	vst v3;
	v1 =	vsub.s32 v3, v1  }
0x134: {  	v0 =	vsub.s32 v2, v0;
	[tilespmem:$0xAE0] =	vst v1  }
0x135: {  	[tilespmem:$0xBE0] =	vst v0  }
0x136: {  	v0 =	vld.idx.msk [tilespmem:v28+s16+$0x0], $0xffff  }
0x137: {  	v1 =	vld.idx.msk [tilespmem:v29+s16+$0x0], $0xffff  }
0x138: {  	v2 =	vld.idx.msk [tilespmem:v30+s16+$0x0], $0xffff  }
0x139: {  	v3 =	vld.idx.msk [tilespmem:v31+s16+$0x0], $0xffff;
	_ =	sdelay $0x1  }
0x13a: {  	[tilespmem:$0x6F0] =	vst v0  }
0x13b: {  	[tilespmem:$0x7F0] =	vst v1  }
0x13c: {  	[tilespmem:$0x8F0] =	vst v2  }
0x13d: {  	s8 =	simm.s32 $0x0;
	[tilespmem:$0x9F0] =	vst v3;
	v1 =	vsub.s32 v3, v1  }
0x13e: {  	p0 =	seq.s32 s28, $0x0;
	v0 =	vsub.s32 v2, v0;
	[tilespmem:$0xAF0] =	vst v1;
	v1 =	vmov s8  }
0x13f: {  	[tilespmem:$0xBF0] =	vst v0;
	s8 =	simm.s32 @!p0 $0x6  }
0x140: {  	_ =	swait.ge @!p0 [sflag:s8], $0x4000  }
0x141: {  	[sflag:s8] =	ssyncset.done @!p0 $0x0  }
0x142: {  	[sflag:s8] =	ssyncadd.s32 @!p0 $0xFFFFC000  }
0x143: {  	v0 =	vld.idx.msk [tilespmem:v1+s17+$0x0], $0xffff;
	_ =	sdelay $0x4  }
0x144: {  	vm0 =	vgt.s32 v0, $0x0  }
0x145: {  	s8 =	simm.s32 $0x4C40;
	v0 =	vsel vm0, v56, v48  }
0x146: {  	v1 =	vsel vm0, v57, v49;
	[tilespmem:s8+$0xFFFFFFC0] =	vst v0  }
0x147: {  	s11 =	simm.s32 $0x1;
	v2 =	vsel vm0, v58, v50;
	[tilespmem:s8+$0xFFFFFFD0] =	vst v1  }
0x148: {  	s20 =	sshll.u32 s28, $0x8;
	v4 =	vmov s11;
	v5 =	vsel vm0, v59, v51;
	v3 =	vsel vm0, v62, v54;
	[tilespmem:s8+$0xFFFFFFE0] =	vst v2  }
0x149: {  	s21 =	sadd.s32 s15, s20;
	s11 =	simm.s32 $0x2;
	v1 =	vsel vm0, v60, v52;
	v0 =	vsel vm0, v61, v53;
	v2 =	vsel vm0, v63, v55;
	[tilespmem:s8+$0xFFFFFFF0] =	vst v5  }
.LBB2_5:
0x14a: {  	p0 =	sne.s32 s11, $0x7F;
	[tilespmem:s8+$0x0] =	vst v1  }
0x14b: {  	[tilespmem:s8+$0x10] =	vst v0  }
0x14c: {  	[tilespmem:s8+$0x20] =	vst v3  }
0x14d: {  	[tilespmem:s8+$0x30] =	vst v2  }
0x14e: {  	v0 =	vld.idx.msk [tilespmem:v4+s17+$0x0], $0xffff;
	_ =	sdelay $0x5  }
0x14f: {  	vm0 =	vgt.s32 v0, $0x0  }
.Ltmp1:
0x150: {  	s8 =	sadd.s32 $0x80, s8;
	v0 =	vsel vm0, v56, v48;
	v2 =	vsel vm0, v57, v49;
	v4 =	vsel vm0, v58, v50;
	(pc) =	sbr.rel @p0 .LBB2_5-.Ltmp1, $4  }
0x151: {  	v5 =	vsel vm0, v59, v51;
	v1 =	vsel vm0, v60, v52;
	[tilespmem:s8+$0xFFFFFFC0] =	vst v0;
	v0 =	vsel vm0, v61, v53  }
0x152: {  	v3 =	vsel vm0, v62, v54;
	[tilespmem:s8+$0xFFFFFFD0] =	vst v2;
	v2 =	vsel vm0, v63, v55  }
0x153: {  	[tilespmem:s8+$0xFFFFFFE0] =	vst v4  }
0x154: {  	v4 =	vmov s11;
	s11 =	sadd.s32 $0x1, s11;
	[tilespmem:s8+$0xFFFFFFF0] =	vst v5  }
0x155: {  	[tilespmem:s8+$0x0] =	vst v1  }
0x156: {  	[tilespmem:s8+$0x10] =	vst v0  }
0x157: {  	[tilespmem:s8+$0x20] =	vst v3  }
0x158: {  	[tilespmem:s8+$0x30] =	vst v2  }
0x159: {  	v0 =	vld.idx.msk [tilespmem:v4+s17+$0x0], $0xffff;
	_ =	sdelay $0x4  }
0x15a: {  	vm0 =	vgt.s32 v0, $0x0  }
0x15b: {  	s26 =	sadd.s32 $0x80, s8;
	v0 =	vsel vm0, v56, v48  }
0x15c: {  	v1 =	vsel vm0, v57, v49;
	[tilespmem:s26+$0xFFFFFFC0] =	vst v0  }
0x15d: {  	v0 =	vsel vm0, v58, v50;
	[tilespmem:s26+$0xFFFFFFD0] =	vst v1  }
0x15e: {  	v1 =	vsel vm0, v59, v51;
	[tilespmem:s26+$0xFFFFFFE0] =	vst v0  }
0x15f: {  	v0 =	vsel vm0, v60, v52;
	[tilespmem:s26+$0xFFFFFFF0] =	vst v1  }
0x160: {  	v1 =	vsel vm0, v61, v53;
	[tilespmem:s26+$0x0] =	vst v0  }
0x161: {  	v0 =	vsel vm0, v62, v54;
	[tilespmem:s26+$0x10] =	vst v1  }
0x162: {  	v1 =	vsel vm0, v63, v55;
	[tilespmem:s26+$0x20] =	vst v0  }
0x163: {  	s11 =	simm.s32 $0x480;
	[tilespmem:s26+$0x30] =	vst v1  }
0x164: {  	[tilespmem:s19], [sflag:$0x2] =	stream.indirect.gather.add.f32 [hbm:s3], $0x80, s11, s31, $0xb8;
	[tilespmem:$0x8E00] =	vst v63  }
0x165: {  	s22 =	simm.s32 $0x680  }
0x166: {  	[tilespmem:s19], [sflag:$0x2] =	stream.indirect.gather.add.f32 [hbm:s4], $0x80, s22, s31, $0xb8;
	[tilespmem:$0x8E00] =	vst v63  }
0x167: {  	s24 =	simm.s32 $0x780  }
0x168: {  	[tilespmem:s19], [sflag:$0x2] =	stream.indirect.gather.add.f32 [hbm:s5], $0x80, s24, s31, $0xb8;
	[tilespmem:$0x8E00] =	vst v63  }
0x169: {  	s25 =	simm.s32 $0x880  }
0x16a: {  	[tilespmem:s19], [sflag:$0x2] =	stream.indirect.gather.add.f32 [hbm:s4], $0x80, s25, s31, $0xb8;
	[tilespmem:$0x8E00] =	vst v63  }
0x16b: {  	s26 =	simm.s32 $0x980  }
0x16c: {  	[tilespmem:s19], [sflag:$0x2] =	stream.indirect.gather.add.f32 [hbm:s5], $0x80, s26, s31, $0xb8;
	[tilespmem:$0x8E00] =	vst v63  }
0x16d: {  	s11 =	simm.s32 $0xA80  }
0x16e: {  	[tilespmem:s19], [sflag:$0x2] =	stream.indirect.gather.add.f32 [hbm:s6], $0x80, s11, s31, $0xb8;
	[tilespmem:$0x8E00] =	vst v63  }
0x16f: {  	s22 =	simm.s32 $0xB80  }
0x170: {  	[tilespmem:s19], [sflag:$0x2] =	stream.indirect.gather.add.f32 [hbm:s7], $0x80, s22, s31, $0xb8;
	[tilespmem:$0x8E00] =	vst v63  }
0x171: {  	_ =	swait.ge [sflag:s9], $0x4000  }
0x172: {  	[sflag:s9] =	ssyncset.done $0x0  }
0x173: {  	[sflag:s9] =	ssyncadd.s32 $0xFFFFC000  }
0x174: {  	_ =	swait.ge [sflag:s9], $0x4000  }
0x175: {  	[sflag:s9] =	ssyncset.done $0x0  }
0x176: {  	[sflag:s9] =	ssyncadd.s32 $0xFFFFC000  }
0x177: {  	_ =	swait.ge [sflag:s9], $0x4000  }
0x178: {  	[sflag:s9] =	ssyncset.done $0x0  }
0x179: {  	[sflag:s9] =	ssyncadd.s32 $0xFFFFC000  }
0x17a: {  	_ =	swait.ge [sflag:s9], $0x4000  }
0x17b: {  	[sflag:s9] =	ssyncset.done $0x0  }
0x17c: {  	[sflag:s9] =	ssyncadd.s32 $0xFFFFC000  }
0x17d: {  	_ =	swait.ge [sflag:s9], $0x4000  }
0x17e: {  	[sflag:s9] =	ssyncset.done $0x0  }
0x17f: {  	[sflag:s9] =	ssyncadd.s32 $0xFFFFC000  }
0x180: {  	_ =	swait.ge [sflag:s9], $0x4000  }
0x181: {  	p0 =	seq.s32 s28, $0x18;
	[sflag:s9] =	ssyncset.done $0x0  }
0x182: {  	s8 =	sadd.s32 @!p0 $0x100, s21;
	[sflag:s9] =	ssyncadd.s32 $0xFFFFC000  }
0x183: {  	s24 =	simm.s32 @!p0 $0x0;
	s26 =	simm.s32 @!p0 $0x400;
	_ =	swait.ge [sflag:s9], $0x4000  }
0x184: {  	s11 =	sshrl.u32 @!p0 s8, $0x3;
	s8 =	sshrl.u32 @!p0 s8, $0x1;
	[sflag:s9] =	ssyncset.done $0x0  }
0x185: {  	s8 =	sand.u32 @!p0 $0x1FFFFF80, s8;
	s22 =	sadd.s32 @!p0 s0, s11;
	[sflag:s9] =	ssyncadd.s32 $0xFFFFC000  }
0x186: {  	[tilespmem:s26], [sflag:$0x3] =	stream.linear.gather @!p0 [hbm4b:s22+s24], $0x80, $0x38;
	[tilespmem:$0x8E00] =	vst v63  }
0x187: {  	s8 =	sadd.s32 @!p0 s1, s8  }
0x188: {  	[tilespmem:s24], [sflag:$0x3] =	stream.linear.gather @!p0 [hbm4b:s8+s24], $0x200, $0x38;
	[tilespmem:$0x8E00] =	vst v63  }
0x189: {  	s22 =	simm.s32 $0x0;
	s8 =	sadd.s32 @!p0 s2, s11;
	s11 =	simm.s32 @!p0 $0x500  }
0x18a: {  	[tilespmem:s11], [sflag:$0x3] =	stream.linear.gather @!p0 [hbm4b:s8+s24], $0x80, $0x38;
	[tilespmem:$0x8E00] =	vst v63  }
0x18b: {  	v11 =	vld [tilespmem:s22+$0xC00];
	_ =	sdelay $0x1  }
0x18c: {  	v12 =	vld [tilespmem:s22+$0xC10];
	_ =	sdelay $0x1  }
0x18d: {  	v13 =	vld [tilespmem:s22+$0xC20]  }
0x18e: {  	v0 =	vadd.f32 $0.0e+00, v11  }
0x18f: {  	v14 =	vld [tilespmem:s22+$0xC30]  }
0x190: {  	v0 =	vadd.f32 v12, v0  }
0x191: {  	v15 =	vld [tilespmem:s22+$0xC40];
	v1 =	vmul.f32 v11, v11;
	v2 =	vmul.f32 v12, v12  }
0x192: {  	v0 =	vadd.f32 v13, v0  }
0x193: {  	v4 =	vld [tilespmem:s22+$0xC50];
	v3 =	vmul.f32 v13, v13;
	v1 =	vadd.f32 v2, v1  }
0x194: {  	v0 =	vadd.f32 v14, v0  }
0x195: {  	v16 =	vld [tilespmem:s22+$0xC60];
	v2 =	vmul.f32 v14, v14;
	v1 =	vadd.f32 v3, v1  }
0x196: {  	v0 =	vadd.f32 v15, v0  }
0x197: {  	v7 =	vld [tilespmem:s22+$0xC70];
	v1 =	vadd.f32 v2, v1;
	v2 =	vmul.f32 v15, v15  }
0x198: {  	v0 =	vadd.f32 v4, v0  }
0x199: {  	v1 =	vadd.f32 v2, v1;
	v2 =	vmul.f32 v4, v4  }
0x19a: {  	v0 =	vadd.f32 v16, v0  }
0x19b: {  	v3 =	vmul.f32 v16, v16;
	v1 =	vadd.f32 v2, v1  }
0x19c: {  	v0 =	vadd.f32 v7, v0  }
0x19d: {  	v2 =	vmul.f32 v7, v7;
	v1 =	vadd.f32 v3, v1  }
0x19e: {  	(xrf2) =	vadd.scan.msk.f32 $0xffff, v0  }
0x19f: {  	v0 =	vadd.f32 v2, v1;
	_ =	sdelay $0x1  }
0x1a0: {  	(xrf2) =	vadd.scan.msk.f32 $0xffff, v0;
	_ =	sdelay $0x5  }
0x1a1: {  	v1 =	vld [tilespmem:s22+$0xC80]  }
0x1a2: {  	v0, _, _ =	vpop (xrf2)  }
0x1a3: {  	v2 =	vld [tilespmem:s22+$0xC90];
	(v2sf) =	vpush v0, $0xF;
	_ =	sdelay $0x1  }
0x1a4: {  	v5 =	vld [tilespmem:s22+$0xCA0];
	v0, _, _ =	vpop (xrf2)  }
0x1a5: {  	v6 =	vadd.f32 $0.0e+00, v1;
	(v2sf) =	vpush v0, $0xF  }
0x1a6: {  	v3 =	vld [tilespmem:s22+$0xCB0]  }
0x1a7: {  	v0 =	vadd.f32 v2, v6  }
0x1a8: {  	v8 =	vmul.f32 v1, v1;
	v9 =	vmul.f32 v2, v2;
	v6 =	vld [tilespmem:s22+$0xCC0]  }
0x1a9: {  	v0 =	vadd.f32 v5, v0  }
0x1aa: {  	v10 =	vmul.f32 v5, v5;
	v8 =	vadd.f32 v9, v8;
	v9 =	vld [tilespmem:s22+$0xCD0]  }
0x1ab: {  	v0 =	vadd.f32 v3, v0  }
0x1ac: {  	v17 =	vmul.f32 v3, v3;
	v10 =	vadd.f32 v10, v8;
	v8 =	vld [tilespmem:s22+$0xCE0]  }
0x1ad: {  	v0 =	vadd.f32 v6, v0  }
0x1ae: {  	v17 =	vadd.f32 v17, v10;
	v10 =	vld [tilespmem:s22+$0xCF0];
	v18 =	vmul.f32 v6, v6  }
0x1af: {  	v0 =	vadd.f32 v9, v0  }
0x1b0: {  	v17 =	vadd.f32 v18, v17;
	v18 =	vmul.f32 v9, v9  }
0x1b1: {  	v0 =	vadd.f32 v8, v0;
	s24 =	spop (v2sf)  }
0x1b2: {  	v17 =	vadd.f32 v18, v17;
	v18 =	vmul.f32 v8, v8;
	s8 =	smul.f32 $7.812500000e-03, s24  }
0x1b3: {  	v0 =	vadd.f32 v10, v0  }
0x1b4: {  	v17 =	vadd.f32 v18, v17;
	v18 =	vmul.f32 v10, v10;
	s26 =	spop (v2sf);
	s25 =	smul.f32 s8, s8  }
0x1b5: {  	(xrf2) =	vadd.scan.msk.f32 $0xffff, v0;
	s24 =	smul.f32 $7.812500000e-03, s26  }
0x1b6: {  	v0 =	vadd.f32 v18, v17  }
0x1b7: {  	s11 =	ssub.f32 s24, s25  }
0x1b8: {  	(xrf2) =	vadd.scan.msk.f32 $0xffff, v0  }
0x1b9: {  	s11 =	sadd.f32 $9.999999960e-13, s11;
	_ =	sdelay $0x1  }
0x1ba: {  	v0 =	vmov s11  }
0x1bb: {  	v17 =	vshra.s32 v0, $0x1;
	v0 =	vmul.f32 $5.000000000e-01, v0  }
0x1bc: {  	v17 =	vsub.s32 $0x5F3759DF, v17  }
0x1bd: {  	v18 =	vmul.f32 v17, v0  }
0x1be: {  	v19, _, _ =	vpop (xrf2)  }
0x1bf: {  	(v2sf) =	vpush v19, $0xF;
	v18 =	vmul.f32 v17, v18;
	_ =	sdelay $0x1  }
0x1c0: {  	v19, _, _ =	vpop (xrf2);
	v18 =	vsub.f32 $1.500000000e+00, v18  }
0x1c1: {  	(v2sf) =	vpush v19, $0xF  }
0x1c2: {  	v17 =	vmul.f32 v17, v18;
	_ =	sdelay $0x1  }
0x1c3: {  	v18 =	vmul.f32 v17, v0;
	_ =	sdelay $0x1  }
0x1c4: {  	v18 =	vmul.f32 v18, v17;
	_ =	sdelay $0x1  }
0x1c5: {  	v18 =	vsub.f32 $1.500000000e+00, v18;
	_ =	sdelay $0x1  }
0x1c6: {  	v17 =	vmul.f32 v18, v17;
	_ =	sdelay $0x1  }
0x1c7: {  	v0 =	vmul.f32 v17, v0  }
0x1c8: {  	s24 =	spop (v2sf)  }
0x1c9: {  	s11 =	smul.f32 $7.812500000e-03, s24;
	v0 =	vmul.f32 v0, v17;
	_ =	sdelay $0x1  }
0x1ca: {  	s25 =	spop (v2sf);
	s24 =	smul.f32 s11, s11;
	v0 =	vsub.f32 $1.500000000e+00, v0  }
0x1cb: {  	s26 =	smul.f32 $7.812500000e-03, s25  }
0x1cc: {  	v17 =	vmul.f32 v0, v17  }
0x1cd: {  	s24 =	ssub.f32 s26, s24  }
0x1ce: {  	v0 =	vmul.f32 s8, v17;
	v12 =	vmul.f32 v17, v12  }
0x1cf: {  	s26 =	sadd.f32 $9.999999960e-13, s24;
	v13 =	vmul.f32 v17, v13;
	v15 =	vmul.f32 v17, v15  }
0x1d0: {  	v11 =	vmul.f32 v17, v11;
	v18 =	vsub.f32 v12, v0;
	v12 =	vmul.f32 v17, v14  }
0x1d1: {  	v14 =	vmul.f32 v17, v16;
	v20 =	vsub.f32 v15, v0;
	v15 =	vmov s26  }
0x1d2: {  	v21 =	vshra.s32 v15, $0x1;
	v16 =	vmul.f32 $5.000000000e-01, v15;
	v18 =	vmul.f32 v18, v33  }
0x1d3: {  	v19 =	vsub.f32 v11, v0;
	v15 =	vsub.f32 v14, v0;
	v14 =	vsub.s32 $0x5F3759DF, v21  }
0x1d4: {  	s24 =	simm.s32 $0x400;
	v11 =	vadd.f32 v18, v41;
	v18 =	vmul.f32 v20, v36;
	v20 =	vmul.f32 v14, v16  }
.LBB2_7:
0x1d5: {  	p1 =	sne.s32 s24, $0xFC00;
	v19 =	vmul.f32 v19, v32;
	v13 =	vsub.f32 v13, v0;
	v4 =	vmul.f32 v17, v4;
	s8 =	smov.u32 s24;
	s24 =	sadd.s32 $0x400, s24  }
0x1d6: {  	v15 =	vmul.f32 v15, v38;
	[tilespmem:s22+$0xC10] =	vst v11;
	v11 =	vadd.f32 v18, v44;
	v18 =	vmul.f32 v14, v20  }
0x1d7: {  	v19 =	vadd.f32 v19, v40;
	v13 =	vmul.f32 v13, v34;
	v4 =	vsub.f32 v4, v0  }
0x1d8: {  	v7 =	vmul.f32 v17, v7;
	v15 =	vadd.f32 v15, v46;
	[tilespmem:s22+$0xC40] =	vst v11;
	v17 =	vsub.f32 $1.500000000e+00, v18  }
0x1d9: {  	v12 =	vsub.f32 v12, v0;
	s8 =	sshra.s32 s8, $0x2;
	[tilespmem:s22+$0xC00] =	vst v19;
	v13 =	vadd.f32 v13, v42;
	v4 =	vmul.f32 v4, v37  }
0x1da: {  	v0 =	vsub.f32 v7, v0;
	v11 =	vld [tilespmem:s8+$0xC00];
	[tilespmem:s22+$0xC60] =	vst v15;
	v7 =	vmul.f32 v14, v17  }
0x1db: {  	[tilespmem:s22+$0xC20] =	vst v13;
	v13 =	vmul.f32 v12, v35;
	v4 =	vadd.f32 v4, v45  }
0x1dc: {  	v0 =	vmul.f32 v0, v39;
	v12 =	vld [tilespmem:s8+$0xC10];
	v14 =	vmul.f32 v7, v16  }
0x1dd: {  	v15 =	vadd.f32 v13, v43;
	[tilespmem:s22+$0xC50] =	vst v4  }
0x1de: {  	v0 =	vadd.f32 v0, v47;
	v13 =	vld [tilespmem:s8+$0xC20];
	v4 =	vmul.f32 v14, v7  }
0x1df: {  	v17 =	vadd.f32 $0.0e+00, v11;
	[tilespmem:s22+$0xC30] =	vst v15  }
0x1e0: {  	v18 =	vmul.f32 v11, v11;
	v14 =	vld [tilespmem:s8+$0xC30];
	[tilespmem:s22+$0xC70] =	vst v0;
	v0 =	vsub.f32 $1.500000000e+00, v4  }
0x1e1: {  	v4 =	vadd.f32 v12, v17;
	v17 =	vmul.f32 v12, v12  }
0x1e2: {  	v15 =	vld [tilespmem:s8+$0xC40];
	v0 =	vmul.f32 v0, v7  }
0x1e3: {  	v7 =	vadd.f32 v13, v4;
	v19 =	vmul.f32 v13, v13  }
0x1e4: {  	v17 =	vadd.f32 v17, v18;
	v4 =	vld [tilespmem:s8+$0xC50];
	v18 =	vmul.f32 v0, v16  }
0x1e5: {  	v7 =	vadd.f32 v14, v7;
	v20 =	vmul.f32 v14, v14  }
0x1e6: {  	v17 =	vadd.f32 v19, v17;
	v16 =	vld [tilespmem:s8+$0xC60];
	v18 =	vmul.f32 v18, v0  }
0x1e7: {  	v19 =	vadd.f32 v15, v7  }
0x1e8: {  	v17 =	vadd.f32 v20, v17;
	v20 =	vmul.f32 v15, v15;
	v7 =	vld [tilespmem:s8+$0xC70];
	v18 =	vsub.f32 $1.500000000e+00, v18  }
0x1e9: {  	v19 =	vadd.f32 v4, v19  }
0x1ea: {  	v17 =	vadd.f32 v20, v17;
	v20 =	vmul.f32 v4, v4;
	v0 =	vmul.f32 v18, v0  }
0x1eb: {  	v18 =	vadd.f32 v16, v19;
	v19 =	vmul.f32 v16, v16  }
0x1ec: {  	v17 =	vadd.f32 v20, v17;
	v20 =	vmul.f32 s11, v0;
	v5 =	vmul.f32 v0, v5  }
0x1ed: {  	v3 =	vmul.f32 v0, v3;
	v18 =	vadd.f32 v7, v18;
	v21 =	vmul.f32 v7, v7  }
0x1ee: {  	v2 =	vmul.f32 v0, v2;
	v10 =	vmul.f32 v0, v10;
	v17 =	vadd.f32 v19, v17  }
0x1ef: {  	v1 =	vmul.f32 v0, v1;
	v9 =	vmul.f32 v0, v9;
	v3 =	vsub.f32 v3, v20;
	(xrf2) =	vadd.scan.msk.f32 $0xffff, v18  }
0x1f0: {  	v6 =	vmul.f32 v0, v6;
	v0 =	vmul.f32 v0, v8;
	v17 =	vadd.f32 v21, v17  }
0x1f1: {  	v1 =	vsub.f32 v1, v20;
	v8 =	vsub.f32 v9, v20;
	v3 =	vmul.f32 v3, v35  }
0x1f2: {  	v5 =	vsub.f32 v5, v20;
	v0 =	vsub.f32 v0, v20;
	(xrf2) =	vadd.scan.msk.f32 $0xffff, v17  }
0x1f3: {  	v2 =	vsub.f32 v2, v20;
	v1 =	vmul.f32 v1, v32;
	v3 =	vadd.f32 v3, v43  }
0x1f4: {  	v6 =	vsub.f32 v6, v20;
	v5 =	vmul.f32 v5, v34;
	v0 =	vmul.f32 v0, v38  }
0x1f5: {  	v9 =	vsub.f32 v10, v20;
	v2 =	vmul.f32 v2, v33;
	v1 =	vadd.f32 v1, v40;
	[tilespmem:s22+$0xCB0] =	vst v3  }
0x1f6: {  	v10 =	vmul.f32 v8, v37;
	v5 =	vadd.f32 v5, v42;
	v0 =	vadd.f32 v0, v46  }
0x1f7: {  	v6 =	vmul.f32 v6, v36;
	v9 =	vmul.f32 v9, v39;
	v2 =	vadd.f32 v2, v41;
	v3 =	vld [tilespmem:s8+$0xCB0];
	[tilespmem:s22+$0xC80] =	vst v1  }
0x1f8: {  	v1 =	vld [tilespmem:s8+$0xC80];
	[tilespmem:s22+$0xCA0] =	vst v5;
	v5 =	vadd.f32 v10, v45  }
0x1f9: {  	v6 =	vadd.f32 v6, v44;
	v9 =	vadd.f32 v9, v47;
	v8, _, _ =	vpop (xrf2);
	[tilespmem:s22+$0xC90] =	vst v2  }
0x1fa: {  	v2 =	vld [tilespmem:s8+$0xC90];
	(v2sf) =	vpush v8, $0xF;
	[tilespmem:s22+$0xCD0] =	vst v5  }
0x1fb: {  	v5 =	vld [tilespmem:s8+$0xCA0];
	[tilespmem:s22+$0xCF0] =	vst v9  }
0x1fc: {  	v8, _, _ =	vpop (xrf2);
	[tilespmem:s22+$0xCC0] =	vst v6  }
0x1fd: {  	v10 =	vmul.f32 v3, v3;
	v6 =	vadd.f32 $0.0e+00, v1;
	(v2sf) =	vpush v8, $0xF;
	[tilespmem:s22+$0xCE0] =	vst v0;
	s22 =	smov.u32 s8  }
0x1fe: {  	v0 =	vmul.f32 v1, v1  }
0x1ff: {  	v8 =	vadd.f32 v2, v6;
	v9 =	vmul.f32 v2, v2  }
0x200: {  	v17 =	vmul.f32 v5, v5;
	v6 =	vld [tilespmem:s22+$0xCC0]  }
0x201: {  	v0 =	vadd.f32 v9, v0;
	v8 =	vadd.f32 v5, v8  }
0x202: {  	v9 =	vld [tilespmem:s22+$0xCD0]  }
0x203: {  	v0 =	vadd.f32 v17, v0;
	v17 =	vadd.f32 v3, v8  }
0x204: {  	v8 =	vld [tilespmem:s22+$0xCE0]  }
0x205: {  	v0 =	vadd.f32 v10, v0;
	v17 =	vadd.f32 v6, v17;
	v18 =	vmul.f32 v6, v6  }
0x206: {  	v10 =	vld [tilespmem:s22+$0xCF0]  }
0x207: {  	v0 =	vadd.f32 v18, v0;
	v17 =	vadd.f32 v9, v17;
	v18 =	vmul.f32 v9, v9;
	_ =	sdelay $0x1  }
0x208: {  	v0 =	vadd.f32 v18, v0;
	v17 =	vadd.f32 v8, v17;
	v18 =	vmul.f32 v8, v8;
	s8 =	spop (v2sf)  }
0x209: {  	s8 =	smul.f32 $7.812500000e-03, s8  }
0x20a: {  	v0 =	vadd.f32 v18, v0;
	v17 =	vadd.f32 v10, v17;
	v18 =	vmul.f32 v10, v10  }
0x20b: {  	s11 =	smul.f32 s8, s8;
	s26 =	spop (v2sf)  }
0x20c: {  	v0 =	vadd.f32 v18, v0;
	s26 =	smul.f32 $7.812500000e-03, s26;
	(xrf2) =	vadd.scan.msk.f32 $0xffff, v17;
	_ =	sdelay $0x1  }
0x20d: {  	s11 =	ssub.f32 s26, s11  }
0x20e: {  	(xrf2) =	vadd.scan.msk.f32 $0xffff, v0  }
0x20f: {  	s11 =	sadd.f32 $9.999999960e-13, s11;
	_ =	sdelay $0x1  }
0x210: {  	v0 =	vmov s11  }
0x211: {  	v17 =	vshra.s32 v0, $0x1;
	v0 =	vmul.f32 $5.000000000e-01, v0  }
0x212: {  	v17 =	vsub.s32 $0x5F3759DF, v17  }
0x213: {  	v18 =	vmul.f32 v17, v0  }
0x214: {  	v19, _, _ =	vpop (xrf2)  }
0x215: {  	v18 =	vmul.f32 v17, v18;
	(v2sf) =	vpush v19, $0xF;
	_ =	sdelay $0x1  }
0x216: {  	v18 =	vsub.f32 $1.500000000e+00, v18;
	v19, _, _ =	vpop (xrf2)  }
0x217: {  	(v2sf) =	vpush v19, $0xF  }
0x218: {  	v17 =	vmul.f32 v17, v18;
	_ =	sdelay $0x1  }
0x219: {  	v18 =	vmul.f32 v17, v0;
	_ =	sdelay $0x1  }
0x21a: {  	v18 =	vmul.f32 v18, v17;
	_ =	sdelay $0x1  }
0x21b: {  	v18 =	vsub.f32 $1.500000000e+00, v18;
	_ =	sdelay $0x1  }
0x21c: {  	v17 =	vmul.f32 v18, v17;
	_ =	sdelay $0x1  }
0x21d: {  	v0 =	vmul.f32 v17, v0  }
0x21e: {  	s11 =	spop (v2sf)  }
0x21f: {  	v0 =	vmul.f32 v0, v17;
	s11 =	smul.f32 $7.812500000e-03, s11;
	_ =	sdelay $0x1  }
0x220: {  	v0 =	vsub.f32 $1.500000000e+00, v0;
	s26 =	smul.f32 s11, s11;
	s25 =	spop (v2sf)  }
0x221: {  	s25 =	smul.f32 $7.812500000e-03, s25  }
0x222: {  	v17 =	vmul.f32 v0, v17  }
0x223: {  	s25 =	ssub.f32 s25, s26  }
0x224: {  	v0 =	vmul.f32 s8, v17;
	v12 =	vmul.f32 v17, v12  }
0x225: {  	v13 =	vmul.f32 v17, v13;
	v15 =	vmul.f32 v17, v15;
	s8 =	sadd.f32 $9.999999960e-13, s25  }
.Ltmp2:
0x226: {  	v18 =	vsub.f32 v12, v0;
	v12 =	vmul.f32 v17, v14;
	v14 =	vmul.f32 v17, v16;
	(pc) =	sbr.rel @p1 .LBB2_7-.Ltmp2, $4  }
0x227: {  	v11 =	vmul.f32 v17, v11;
	v20 =	vsub.f32 v15, v0;
	v15 =	vmov s8  }
0x228: {  	v18 =	vmul.f32 v18, v33;
	v21 =	vshra.s32 v15, $0x1;
	v16 =	vmul.f32 $5.000000000e-01, v15  }
0x229: {  	v19 =	vsub.f32 v11, v0;
	v15 =	vsub.f32 v14, v0;
	v14 =	vsub.s32 $0x5F3759DF, v21  }
0x22a: {  	v11 =	vadd.f32 v18, v41;
	v18 =	vmul.f32 v20, v36;
	v20 =	vmul.f32 v14, v16  }
0x22b: {  	_ = 	snop  }
0x22c: {  	v20 =	vmul.f32 v14, v20;
	_ =	sdelay $0x1  }
0x22d: {  	v20 =	vsub.f32 $1.500000000e+00, v20;
	_ =	sdelay $0x1  }
0x22e: {  	v14 =	vmul.f32 v14, v20;
	_ =	sdelay $0x1  }
0x22f: {  	v20 =	vmul.f32 v14, v16;
	_ =	sdelay $0x1  }
0x230: {  	v20 =	vmul.f32 v20, v14;
	_ =	sdelay $0x1  }
0x231: {  	v20 =	vsub.f32 $1.500000000e+00, v20;
	_ =	sdelay $0x1  }
0x232: {  	v14 =	vmul.f32 v20, v14;
	_ =	sdelay $0x1  }
0x233: {  	v16 =	vmul.f32 v14, v16  }
0x234: {  	v19 =	vmul.f32 v19, v32  }
0x235: {  	v13 =	vsub.f32 v13, v0;
	v4 =	vmul.f32 v17, v4;
	v16 =	vmul.f32 v16, v14  }
0x236: {  	v7 =	vmul.f32 v17, v7;
	v12 =	vsub.f32 v12, v0;
	v18 =	vadd.f32 v18, v44  }
0x237: {  	v15 =	vmul.f32 v15, v38;
	v19 =	vadd.f32 v19, v40;
	v16 =	vsub.f32 $1.500000000e+00, v16  }
0x238: {  	v4 =	vsub.f32 v4, v0;
	v13 =	vmul.f32 v13, v34;
	v0 =	vsub.f32 v7, v0  }
0x239: {  	v17 =	vadd.f32 v15, v46;
	v12 =	vmul.f32 v12, v35;
	v14 =	vmul.f32 v16, v14  }
0x23a: {  	v4 =	vmul.f32 v4, v37;
	v13 =	vadd.f32 v13, v42;
	v0 =	vmul.f32 v0, v39  }
0x23b: {  	[tilespmem:s22+$0xC10] =	vst v11;
	v12 =	vadd.f32 v12, v43;
	v11 =	vmul.f32 s11, v14;
	v3 =	vmul.f32 v14, v3  }
0x23c: {  	[tilespmem:s22+$0xC40] =	vst v18;
	v4 =	vadd.f32 v4, v45;
	v0 =	vadd.f32 v0, v47;
	v1 =	vmul.f32 v14, v1  }
0x23d: {  	[tilespmem:s22+$0xC00] =	vst v19;
	v5 =	vmul.f32 v14, v5;
	v2 =	vmul.f32 v14, v2;
	v3 =	vsub.f32 v3, v11  }
0x23e: {  	[tilespmem:s22+$0xC60] =	vst v17;
	v15 =	vmul.f32 v14, v10;
	v9 =	vmul.f32 v14, v9;
	v1 =	vsub.f32 v1, v11  }
0x23f: {  	[tilespmem:s22+$0xC20] =	vst v13;
	v6 =	vmul.f32 v14, v6;
	v5 =	vsub.f32 v5, v11;
	v3 =	vmul.f32 v3, v35  }
0x240: {  	[tilespmem:s22+$0xC30] =	vst v12;
	v16 =	vmul.f32 v14, v8;
	v2 =	vsub.f32 v2, v11;
	v1 =	vmul.f32 v1, v32  }
0x241: {  	[tilespmem:s22+$0xC50] =	vst v4;
	v17 =	vsub.f32 v9, v11;
	v5 =	vmul.f32 v5, v34;
	v3 =	vadd.f32 v3, v43  }
0x242: {  	[tilespmem:s22+$0xC70] =	vst v0;
	v9 =	vsub.f32 v15, v11;
	v19 =	vmul.f32 v2, v33;
	v18 =	vadd.f32 v1, v40  }
0x243: {  	v4 =	vsub.f32 v16, v11;
	v12 =	vmul.f32 v17, v37;
	v10 =	vadd.f32 v5, v42;
	[tilespmem:s22+$0xCB0] =	vst v3  }
0x244: {  	v6 =	vsub.f32 v6, v11;
	v14 =	vmul.f32 v9, v39;
	v13 =	vadd.f32 v19, v41;
	[tilespmem:s22+$0xC80] =	vst v18  }
0x245: {  	v4 =	vmul.f32 v4, v38;
	v16 =	vadd.f32 v12, v45;
	[tilespmem:s22+$0xCA0] =	vst v10  }
0x246: {  	v15 =	vmul.f32 v6, v36;
	v17 =	vadd.f32 v14, v47;
	[tilespmem:s22+$0xC90] =	vst v13  }
.Ltmp3:
0x247: {  	v19 =	vadd.f32 v4, v46;
	[tilespmem:s22+$0xCD0] =	vst v16;
	(pc) =	sbr.rel @p0 .LBB2_12-.Ltmp3, $4  }
0x248: {  	v18 =	vadd.f32 v15, v44;
	[tilespmem:s22+$0xCF0] =	vst v17  }
0x249: {  	s8 =	sshll.u32 s21, $0x4;
	[tilespmem:s22+$0xCE0] =	vst v19  }
0x24a: {  	s8 =	sadd.s32 s13, s8;
	[tilespmem:s22+$0xCC0] =	vst v18  }
0x24b: {  	[hbm4b:s8+s14] =	stream.linear.scatter [tilespmem:s10], [sflag:$0x5], $0x4000, $0x38;
	[tilespmem:$0x8E00] =	vst v63  }
0x24c: {  	_ =	swait.ge [sflag:s30], $0x80  }
0x24d: {  	[sflag:s30] =	ssyncset.done $0x0  }
0x24e: {  	[sflag:s30] =	ssyncadd.s32 $0xFFFFFF80  }
0x24f: {  	_ =	swait.ge [sflag:s30], $0x200  }
0x250: {  	[sflag:s30] =	ssyncset.done $0x0  }
0x251: {  	[sflag:s30] =	ssyncadd.s32 $0xFFFFFE00  }
0x252: {  	_ =	swait.ge [sflag:s30], $0x80  }
0x253: {  	v1 =	vld [tilespmem:$0x1FEA0]  }
0x254: {  	v2 =	vld [tilespmem:$0x1FEB0]  }
0x255: {  	v3 =	vld [tilespmem:$0x1FEC0];
	_ =	sdelay $0x2  }
0x256: {  	[sflag:s30] =	ssyncset.done $0x0  }
0x257: {  	s8 =	simm.s32 $0x0;
	[sflag:s30] =	ssyncadd.s32 $0xFFFFFF80  }
0x258: {  	v0 =	vld.idx.msk [tilespmem:v22+s8+$0x0], $0xffff  }
0x259: {  	v1 =	vld.idx.msk [tilespmem:v1+s8+$0x0], $0xffff  }
0x25a: {  	v2 =	vld.idx.msk [tilespmem:v2+s8+$0x0], $0xffff  }
0x25b: {  	v3 =	vld.idx.msk [tilespmem:v3+s8+$0x0], $0xffff;
	_ =	sdelay $0x1  }
0x25c: {  	[tilespmem:$0x600] =	vst v0  }
0x25d: {  	[tilespmem:$0x700] =	vst v1  }
0x25e: {  	[tilespmem:$0x800] =	vst v2;
	v0 =	vsub.s32 v2, v0;
	v2 =	vld [tilespmem:$0x1FEF0]  }
0x25f: {  	v1 =	vsub.s32 v3, v1;
	[tilespmem:$0xB00] =	vst v0;
	v0 =	vld [tilespmem:$0x1FED0]  }
0x260: {  	[tilespmem:$0xA00] =	vst v1;
	v1 =	vld [tilespmem:$0x1FEE0]  }
0x261: {  	[tilespmem:$0x900] =	vst v3;
	v3 =	vld [tilespmem:$0x1FF00];
	_ =	sdelay $0x4  }
0x262: {  	v2 =	vld.idx.msk [tilespmem:v2+s8+$0x0], $0xffff  }
0x263: {  	v0 =	vld.idx.msk [tilespmem:v0+s8+$0x0], $0xffff  }
0x264: {  	v1 =	vld.idx.msk [tilespmem:v1+s8+$0x0], $0xffff  }
0x265: {  	v3 =	vld.idx.msk [tilespmem:v3+s8+$0x0], $0xffff;
	_ =	sdelay $0x1  }
0x266: {  	[tilespmem:$0x810] =	vst v2  }
0x267: {  	[tilespmem:$0x610] =	vst v0  }
0x268: {  	[tilespmem:$0x710] =	vst v1;
	v0 =	vsub.s32 v2, v0;
	v2 =	vld [tilespmem:$0x1FF30]  }
0x269: {  	v1 =	vsub.s32 v3, v1;
	[tilespmem:$0xB10] =	vst v0;
	v0 =	vld [tilespmem:$0x1FF10]  }
0x26a: {  	[tilespmem:$0xA10] =	vst v1;
	v1 =	vld [tilespmem:$0x1FF20]  }
0x26b: {  	[tilespmem:$0x910] =	vst v3;
	v3 =	vld [tilespmem:$0x1FF40];
	_ =	sdelay $0x4  }
0x26c: {  	v2 =	vld.idx.msk [tilespmem:v2+s8+$0x0], $0xffff  }
0x26d: {  	v0 =	vld.idx.msk [tilespmem:v0+s8+$0x0], $0xffff  }
0x26e: {  	v1 =	vld.idx.msk [tilespmem:v1+s8+$0x0], $0xffff  }
0x26f: {  	v3 =	vld.idx.msk [tilespmem:v3+s8+$0x0], $0xffff;
	_ =	sdelay $0x1  }
0x270: {  	[tilespmem:$0x820] =	vst v2  }
0x271: {  	[tilespmem:$0x620] =	vst v0  }
0x272: {  	[tilespmem:$0x720] =	vst v1;
	v0 =	vsub.s32 v2, v0;
	v2 =	vld [tilespmem:$0x1FF70]  }
0x273: {  	v1 =	vsub.s32 v3, v1;
	[tilespmem:$0xB20] =	vst v0;
	v0 =	vld [tilespmem:$0x1FF50]  }
0x274: {  	[tilespmem:$0xA20] =	vst v1;
	v1 =	vld [tilespmem:$0x1FF60]  }
0x275: {  	[tilespmem:$0x920] =	vst v3;
	v3 =	vld [tilespmem:$0x1FF80];
	_ =	sdelay $0x4  }
0x276: {  	v2 =	vld.idx.msk [tilespmem:v2+s8+$0x0], $0xffff  }
0x277: {  	v0 =	vld.idx.msk [tilespmem:v0+s8+$0x0], $0xffff  }
0x278: {  	v1 =	vld.idx.msk [tilespmem:v1+s8+$0x0], $0xffff  }
0x279: {  	v3 =	vld.idx.msk [tilespmem:v3+s8+$0x0], $0xffff;
	_ =	sdelay $0x1  }
0x27a: {  	[tilespmem:$0x830] =	vst v2  }
0x27b: {  	[tilespmem:$0x630] =	vst v0  }
0x27c: {  	[tilespmem:$0x730] =	vst v1;
	v0 =	vsub.s32 v2, v0;
	v2 =	vld [tilespmem:$0x1FFB0]  }
0x27d: {  	v1 =	vsub.s32 v3, v1;
	[tilespmem:$0xB30] =	vst v0;
	v0 =	vld [tilespmem:$0x1FF90]  }
0x27e: {  	[tilespmem:$0xA30] =	vst v1;
	v1 =	vld [tilespmem:$0x1FFA0]  }
0x27f: {  	[tilespmem:$0x930] =	vst v3;
	v3 =	vld [tilespmem:$0x1FFC0];
	_ =	sdelay $0x4  }
0x280: {  	v2 =	vld.idx.msk [tilespmem:v2+s8+$0x0], $0xffff  }
0x281: {  	v0 =	vld.idx.msk [tilespmem:v0+s8+$0x0], $0xffff  }
0x282: {  	v1 =	vld.idx.msk [tilespmem:v1+s8+$0x0], $0xffff  }
0x283: {  	v3 =	vld.idx.msk [tilespmem:v3+s8+$0x0], $0xffff;
	_ =	sdelay $0x1  }
0x284: {  	[tilespmem:$0x840] =	vst v2  }
0x285: {  	[tilespmem:$0x640] =	vst v0  }
0x286: {  	[tilespmem:$0x740] =	vst v1;
	v0 =	vsub.s32 v2, v0;
	v2 =	vld [tilespmem:$0x1FFF0]  }
0x287: {  	v1 =	vsub.s32 v3, v1;
	[tilespmem:$0xB40] =	vst v0;
	v0 =	vld [tilespmem:$0x1FFD0]  }
0x288: {  	[tilespmem:$0xA40] =	vst v1;
	v1 =	vld [tilespmem:$0x1FFE0];
	_ =	sdelay $0x3  }
0x289: {  	[tilespmem:$0x940] =	vst v3  }
0x28a: {  	v3 =	vld.idx.msk [tilespmem:v23+s8+$0x0], $0xffff  }
0x28b: {  	v2 =	vld.idx.msk [tilespmem:v2+s8+$0x0], $0xffff  }
0x28c: {  	v0 =	vld.idx.msk [tilespmem:v0+s8+$0x0], $0xffff  }
0x28d: {  	v1 =	vld.idx.msk [tilespmem:v1+s8+$0x0], $0xffff;
	_ =	sdelay $0x1  }
0x28e: {  	[tilespmem:$0x950] =	vst v3  }
0x28f: {  	[tilespmem:$0x850] =	vst v2  }
0x290: {  	[tilespmem:$0x650] =	vst v0  }
0x291: {  	[tilespmem:$0x750] =	vst v1;
	v1 =	vsub.s32 v3, v1  }
0x292: {  	v0 =	vsub.s32 v2, v0;
	[tilespmem:$0xA50] =	vst v1  }
0x293: {  	[tilespmem:$0xB50] =	vst v0  }
0x294: {  	v0 =	vld.idx.msk [tilespmem:v24+s8+$0x0], $0xffff  }
0x295: {  	v1 =	vld.idx.msk [tilespmem:v25+s8+$0x0], $0xffff  }
0x296: {  	v2 =	vld.idx.msk [tilespmem:v26+s8+$0x0], $0xffff  }
0x297: {  	v3 =	vld.idx.msk [tilespmem:v27+s8+$0x0], $0xffff;
	_ =	sdelay $0x1  }
0x298: {  	[tilespmem:$0x660] =	vst v0  }
0x299: {  	[tilespmem:$0x760] =	vst v1  }
0x29a: {  	[tilespmem:$0x860] =	vst v2  }
0x29b: {  	[tilespmem:$0x960] =	vst v3;
	v1 =	vsub.s32 v3, v1  }
0x29c: {  	v0 =	vsub.s32 v2, v0;
	[tilespmem:$0xA60] =	vst v1  }
0x29d: {  	[tilespmem:$0xB60] =	vst v0  }
0x29e: {  	v0 =	vld.idx.msk [tilespmem:v28+s8+$0x0], $0xffff  }
0x29f: {  	v1 =	vld.idx.msk [tilespmem:v29+s8+$0x0], $0xffff  }
0x2a0: {  	v2 =	vld.idx.msk [tilespmem:v30+s8+$0x0], $0xffff  }
0x2a1: {  	v3 =	vld.idx.msk [tilespmem:v31+s8+$0x0], $0xffff;
	_ =	sdelay $0x1  }
0x2a2: {  	[tilespmem:$0x670] =	vst v0  }
0x2a3: {  	[tilespmem:$0x770] =	vst v1  }
0x2a4: {  	[tilespmem:$0x870] =	vst v2  }
0x2a5: {  	[tilespmem:$0x970] =	vst v3;
	v1 =	vsub.s32 v3, v1  }
0x2a6: {  	v0 =	vsub.s32 v2, v0;
	[tilespmem:$0xA70] =	vst v1;
	v1 =	vmov s8  }
0x2a7: {  	[tilespmem:$0xB70] =	vst v0  }
0x2a8: {  	_ =	swait.ge [sflag:s23], $0x4000  }
0x2a9: {  	[sflag:s23] =	ssyncset.done $0x0  }
0x2aa: {  	[sflag:s23] =	ssyncadd.s32 $0xFFFFC000  }
0x2ab: {  	v0 =	vld.idx.msk [tilespmem:v1+s29+$0x0], $0xffff;
	_ =	sdelay $0x4  }
0x2ac: {  	vm0 =	vgt.s32 v0, $0x0  }
0x2ad: {  	s8 =	simm.s32 $0xC40;
	v0 =	vsel vm0, v56, v48  }
0x2ae: {  	v1 =	vsel vm0, v57, v49;
	[tilespmem:s8+$0xFFFFFFC0] =	vst v0  }
0x2af: {  	s11 =	simm.s32 $0x1;
	v2 =	vsel vm0, v58, v50;
	[tilespmem:s8+$0xFFFFFFD0] =	vst v1  }
0x2b0: {  	v4 =	vmov s11;
	v5 =	vsel vm0, v59, v51;
	v3 =	vsel vm0, v62, v54;
	[tilespmem:s8+$0xFFFFFFE0] =	vst v2  }
0x2b1: {  	s11 =	simm.s32 $0x2;
	v1 =	vsel vm0, v60, v52;
	v0 =	vsel vm0, v61, v53;
	v2 =	vsel vm0, v63, v55;
	[tilespmem:s8+$0xFFFFFFF0] =	vst v5  }
.LBB2_10:
0x2b2: {  	p1 =	sne.s32 s11, $0x7F;
	[tilespmem:s8+$0x0] =	vst v1  }
0x2b3: {  	[tilespmem:s8+$0x10] =	vst v0  }
0x2b4: {  	[tilespmem:s8+$0x20] =	vst v3  }
0x2b5: {  	[tilespmem:s8+$0x30] =	vst v2  }
0x2b6: {  	v0 =	vld.idx.msk [tilespmem:v4+s29+$0x0], $0xffff;
	_ =	sdelay $0x5  }
0x2b7: {  	vm0 =	vgt.s32 v0, $0x0  }
.Ltmp4:
0x2b8: {  	s8 =	sadd.s32 $0x80, s8;
	v0 =	vsel vm0, v56, v48;
	v2 =	vsel vm0, v57, v49;
	v4 =	vsel vm0, v58, v50;
	(pc) =	sbr.rel @p1 .LBB2_10-.Ltmp4, $4  }
0x2b9: {  	v5 =	vsel vm0, v59, v51;
	v1 =	vsel vm0, v60, v52;
	[tilespmem:s8+$0xFFFFFFC0] =	vst v0;
	v0 =	vsel vm0, v61, v53  }
0x2ba: {  	v3 =	vsel vm0, v62, v54;
	[tilespmem:s8+$0xFFFFFFD0] =	vst v2;
	v2 =	vsel vm0, v63, v55  }
0x2bb: {  	[tilespmem:s8+$0xFFFFFFE0] =	vst v4  }
0x2bc: {  	v4 =	vmov s11;
	s11 =	sadd.s32 $0x1, s11;
	[tilespmem:s8+$0xFFFFFFF0] =	vst v5  }
0x2bd: {  	[tilespmem:s8+$0x0] =	vst v1  }
0x2be: {  	[tilespmem:s8+$0x10] =	vst v0  }
0x2bf: {  	[tilespmem:s8+$0x20] =	vst v3  }
0x2c0: {  	[tilespmem:s8+$0x30] =	vst v2  }
0x2c1: {  	v0 =	vld.idx.msk [tilespmem:v4+s29+$0x0], $0xffff;
	_ =	sdelay $0x4  }
0x2c2: {  	vm0 =	vgt.s32 v0, $0x0  }
0x2c3: {  	s25 =	sadd.s32 $0x80, s8;
	v0 =	vsel vm0, v56, v48  }
0x2c4: {  	v13 =	vsel vm0, v57, v49;
	[tilespmem:s25+$0xFFFFFFC0] =	vst v0  }
0x2c5: {  	v14 =	vsel vm0, v58, v50;
	[tilespmem:s25+$0xFFFFFFD0] =	vst v13  }
0x2c6: {  	v15 =	vsel vm0, v59, v51;
	[tilespmem:s25+$0xFFFFFFE0] =	vst v14  }
0x2c7: {  	v16 =	vsel vm0, v60, v52;
	[tilespmem:s25+$0xFFFFFFF0] =	vst v15  }
0x2c8: {  	v17 =	vsel vm0, v61, v53;
	[tilespmem:s25+$0x0] =	vst v16  }
0x2c9: {  	v18 =	vsel vm0, v62, v54;
	[tilespmem:s25+$0x10] =	vst v17  }
0x2ca: {  	v19 =	vsel vm0, v63, v55;
	[tilespmem:s25+$0x20] =	vst v18  }
0x2cb: {  	s26 =	simm.s32 $0x400;
	[tilespmem:s25+$0x30] =	vst v19  }
0x2cc: {  	[tilespmem:s10], [sflag:$0x1] =	stream.indirect.gather.add.f32 [hbm:s3], $0x80, s26, s31, $0xb8;
	[tilespmem:$0x8E00] =	vst v63  }
0x2cd: {  	s11 =	simm.s32 $0x600  }
0x2ce: {  	[tilespmem:s10], [sflag:$0x1] =	stream.indirect.gather.add.f32 [hbm:s4], $0x80, s11, s31, $0xb8;
	[tilespmem:$0x8E00] =	vst v63  }
0x2cf: {  	s21 =	simm.s32 $0x700  }
0x2d0: {  	[tilespmem:s10], [sflag:$0x1] =	stream.indirect.gather.add.f32 [hbm:s5], $0x80, s21, s31, $0xb8;
	[tilespmem:$0x8E00] =	vst v63  }
0x2d1: {  	s22 =	simm.s32 $0x800  }
0x2d2: {  	[tilespmem:s10], [sflag:$0x1] =	stream.indirect.gather.add.f32 [hbm:s4], $0x80, s22, s31, $0xb8;
	[tilespmem:$0x8E00] =	vst v63  }
0x2d3: {  	s24 =	simm.s32 $0x900  }
0x2d4: {  	[tilespmem:s10], [sflag:$0x1] =	stream.indirect.gather.add.f32 [hbm:s5], $0x80, s24, s31, $0xb8;
	[tilespmem:$0x8E00] =	vst v63  }
0x2d5: {  	s25 =	simm.s32 $0xA00  }
0x2d6: {  	[tilespmem:s10], [sflag:$0x1] =	stream.indirect.gather.add.f32 [hbm:s6], $0x80, s25, s31, $0xb8;
	[tilespmem:$0x8E00] =	vst v63  }
0x2d7: {  	s26 =	simm.s32 $0xB00  }
0x2d8: {  	[tilespmem:s10], [sflag:$0x1] =	stream.indirect.gather.add.f32 [hbm:s7], $0x80, s26, s31, $0xb8;
	[tilespmem:$0x8E00] =	vst v63  }
.LBB2_12:
0x2d9: {  	_ =	swait.ge [sflag:s12], $0x4000  }
0x2da: {  	[sflag:s12] =	ssyncset.done $0x0  }
0x2db: {  	[sflag:s12] =	ssyncadd.s32 $0xFFFFC000  }
0x2dc: {  	_ =	swait.ge [sflag:s12], $0x4000  }
0x2dd: {  	[sflag:s12] =	ssyncset.done $0x0  }
0x2de: {  	[sflag:s12] =	ssyncadd.s32 $0xFFFFC000  }
0x2df: {  	_ =	swait.ge [sflag:s12], $0x4000  }
0x2e0: {  	[sflag:s12] =	ssyncset.done $0x0  }
0x2e1: {  	[sflag:s12] =	ssyncadd.s32 $0xFFFFC000  }
0x2e2: {  	_ =	swait.ge [sflag:s12], $0x4000  }
0x2e3: {  	[sflag:s12] =	ssyncset.done $0x0  }
0x2e4: {  	[sflag:s12] =	ssyncadd.s32 $0xFFFFC000  }
0x2e5: {  	_ =	swait.ge [sflag:s12], $0x4000  }
0x2e6: {  	[sflag:s12] =	ssyncset.done $0x0  }
0x2e7: {  	[sflag:s12] =	ssyncadd.s32 $0xFFFFC000  }
0x2e8: {  	_ =	swait.ge [sflag:s12], $0x4000  }
0x2e9: {  	s8 =	sadd.s32 s20, s15;
	[sflag:s12] =	ssyncset.done $0x0  }
0x2ea: {  	s20 =	sadd.s32 $0x80, s8;
	[sflag:s12] =	ssyncadd.s32 $0xFFFFC000  }
0x2eb: {  	s22 =	simm.s32 @!p0 $0x0;
	s8 =	sadd.s32 @!p0 $0x100, s20;
	_ =	swait.ge [sflag:s12], $0x4000  }
0x2ec: {  	s24 =	simm.s32 @!p0 $0x480;
	s11 =	sshrl.u32 @!p0 s8, $0x3;
	[sflag:s12] =	ssyncset.done $0x0  }
0x2ed: {  	s8 =	sshrl.u32 @!p0 s8, $0x1;
	s21 =	sadd.s32 @!p0 s0, s11;
	[sflag:s12] =	ssyncadd.s32 $0xFFFFC000  }
0x2ee: {  	[tilespmem:s24], [sflag:$0x4] =	stream.linear.gather @!p0 [hbm4b:s21+s22], $0x80, $0x38;
	[tilespmem:$0x8E00] =	vst v63  }
0x2ef: {  	s8 =	sadd.s32 @!p0 s1, s8;
	s21 =	simm.s32 @!p0 $0x200  }
0x2f0: {  	[tilespmem:s21], [sflag:$0x4] =	stream.linear.gather @!p0 [hbm4b:s8+s22], $0x200, $0x38;
	[tilespmem:$0x8E00] =	vst v63  }
0x2f1: {  	s8 =	sadd.s32 @!p0 s2, s11;
	s11 =	simm.s32 @!p0 $0x580;
	s21 =	simm.s32 $0x0  }
0x2f2: {  	[tilespmem:s11], [sflag:$0x4] =	stream.linear.gather @!p0 [hbm4b:s8+s22], $0x80, $0x38;
	[tilespmem:$0x8E00] =	vst v63  }
0x2f3: {  	v11 =	vld [tilespmem:s21+$0x4C00];
	_ =	sdelay $0x1  }
0x2f4: {  	v12 =	vld [tilespmem:s21+$0x4C10];
	_ =	sdelay $0x1  }
0x2f5: {  	v13 =	vld [tilespmem:s21+$0x4C20]  }
0x2f6: {  	v0 =	vadd.f32 $0.0e+00, v11  }
0x2f7: {  	v14 =	vld [tilespmem:s21+$0x4C30]  }
0x2f8: {  	v0 =	vadd.f32 v12, v0  }
0x2f9: {  	v15 =	vld [tilespmem:s21+$0x4C40];
	v1 =	vmul.f32 v11, v11;
	v2 =	vmul.f32 v12, v12  }
0x2fa: {  	v0 =	vadd.f32 v13, v0  }
0x2fb: {  	v4 =	vld [tilespmem:s21+$0x4C50];
	v3 =	vmul.f32 v13, v13;
	v1 =	vadd.f32 v2, v1  }
0x2fc: {  	v0 =	vadd.f32 v14, v0  }
0x2fd: {  	v16 =	vld [tilespmem:s21+$0x4C60];
	v2 =	vmul.f32 v14, v14;
	v1 =	vadd.f32 v3, v1  }
0x2fe: {  	v0 =	vadd.f32 v15, v0  }
0x2ff: {  	v7 =	vld [tilespmem:s21+$0x4C70];
	v1 =	vadd.f32 v2, v1;
	v2 =	vmul.f32 v15, v15  }
0x300: {  	v0 =	vadd.f32 v4, v0  }
0x301: {  	v1 =	vadd.f32 v2, v1;
	v2 =	vmul.f32 v4, v4  }
0x302: {  	v0 =	vadd.f32 v16, v0  }
0x303: {  	v3 =	vmul.f32 v16, v16;
	v1 =	vadd.f32 v2, v1  }
0x304: {  	v0 =	vadd.f32 v7, v0  }
0x305: {  	v2 =	vmul.f32 v7, v7;
	v1 =	vadd.f32 v3, v1  }
0x306: {  	(xrf2) =	vadd.scan.msk.f32 $0xffff, v0  }
0x307: {  	v0 =	vadd.f32 v2, v1;
	_ =	sdelay $0x1  }
0x308: {  	(xrf2) =	vadd.scan.msk.f32 $0xffff, v0;
	_ =	sdelay $0x5  }
0x309: {  	v1 =	vld [tilespmem:s21+$0x4C80]  }
0x30a: {  	v0, _, _ =	vpop (xrf2)  }
0x30b: {  	v2 =	vld [tilespmem:s21+$0x4C90];
	(v2sf) =	vpush v0, $0xF;
	_ =	sdelay $0x1  }
0x30c: {  	v5 =	vld [tilespmem:s21+$0x4CA0];
	v0, _, _ =	vpop (xrf2)  }
0x30d: {  	v6 =	vadd.f32 $0.0e+00, v1;
	(v2sf) =	vpush v0, $0xF  }
0x30e: {  	v3 =	vld [tilespmem:s21+$0x4CB0]  }
0x30f: {  	v0 =	vadd.f32 v2, v6  }
0x310: {  	v8 =	vmul.f32 v1, v1;
	v9 =	vmul.f32 v2, v2;
	v6 =	vld [tilespmem:s21+$0x4CC0]  }
0x311: {  	v0 =	vadd.f32 v5, v0  }
0x312: {  	v10 =	vmul.f32 v5, v5;
	v8 =	vadd.f32 v9, v8;
	v9 =	vld [tilespmem:s21+$0x4CD0]  }
0x313: {  	v0 =	vadd.f32 v3, v0  }
0x314: {  	v17 =	vmul.f32 v3, v3;
	v10 =	vadd.f32 v10, v8;
	v8 =	vld [tilespmem:s21+$0x4CE0]  }
0x315: {  	v0 =	vadd.f32 v6, v0  }
0x316: {  	v17 =	vadd.f32 v17, v10;
	v10 =	vld [tilespmem:s21+$0x4CF0];
	v18 =	vmul.f32 v6, v6  }
0x317: {  	v0 =	vadd.f32 v9, v0  }
0x318: {  	v17 =	vadd.f32 v18, v17;
	v18 =	vmul.f32 v9, v9  }
0x319: {  	v0 =	vadd.f32 v8, v0;
	s25 =	spop (v2sf)  }
0x31a: {  	v17 =	vadd.f32 v18, v17;
	v18 =	vmul.f32 v8, v8;
	s8 =	smul.f32 $7.812500000e-03, s25  }
0x31b: {  	v0 =	vadd.f32 v10, v0  }
0x31c: {  	v17 =	vadd.f32 v18, v17;
	v18 =	vmul.f32 v10, v10;
	s24 =	spop (v2sf);
	s26 =	smul.f32 s8, s8  }
0x31d: {  	(xrf2) =	vadd.scan.msk.f32 $0xffff, v0;
	s22 =	smul.f32 $7.812500000e-03, s24  }
0x31e: {  	v0 =	vadd.f32 v18, v17  }
0x31f: {  	s11 =	ssub.f32 s22, s26  }
0x320: {  	(xrf2) =	vadd.scan.msk.f32 $0xffff, v0  }
0x321: {  	s11 =	sadd.f32 $9.999999960e-13, s11;
	_ =	sdelay $0x1  }
0x322: {  	v0 =	vmov s11  }
0x323: {  	v17 =	vshra.s32 v0, $0x1;
	v0 =	vmul.f32 $5.000000000e-01, v0  }
0x324: {  	v17 =	vsub.s32 $0x5F3759DF, v17  }
0x325: {  	v18 =	vmul.f32 v17, v0  }
0x326: {  	v19, _, _ =	vpop (xrf2)  }
0x327: {  	(v2sf) =	vpush v19, $0xF;
	v18 =	vmul.f32 v17, v18;
	_ =	sdelay $0x1  }
0x328: {  	v19, _, _ =	vpop (xrf2);
	v18 =	vsub.f32 $1.500000000e+00, v18  }
0x329: {  	(v2sf) =	vpush v19, $0xF  }
0x32a: {  	v17 =	vmul.f32 v17, v18;
	_ =	sdelay $0x1  }
0x32b: {  	v18 =	vmul.f32 v17, v0;
	_ =	sdelay $0x1  }
0x32c: {  	v18 =	vmul.f32 v18, v17;
	_ =	sdelay $0x1  }
0x32d: {  	v18 =	vsub.f32 $1.500000000e+00, v18;
	_ =	sdelay $0x1  }
0x32e: {  	v17 =	vmul.f32 v18, v17;
	_ =	sdelay $0x1  }
0x32f: {  	v0 =	vmul.f32 v17, v0  }
0x330: {  	s25 =	spop (v2sf)  }
0x331: {  	s11 =	smul.f32 $7.812500000e-03, s25;
	v0 =	vmul.f32 v0, v17;
	_ =	sdelay $0x1  }
0x332: {  	s25 =	spop (v2sf);
	s26 =	smul.f32 s11, s11;
	v0 =	vsub.f32 $1.500000000e+00, v0  }
0x333: {  	s24 =	smul.f32 $7.812500000e-03, s25  }
0x334: {  	v17 =	vmul.f32 v0, v17  }
0x335: {  	s22 =	ssub.f32 s24, s26  }
0x336: {  	v0 =	vmul.f32 s8, v17;
	v12 =	vmul.f32 v17, v12  }
0x337: {  	s26 =	sadd.f32 $9.999999960e-13, s22;
	v13 =	vmul.f32 v17, v13;
	v15 =	vmul.f32 v17, v15  }
0x338: {  	v11 =	vmul.f32 v17, v11;
	v18 =	vsub.f32 v12, v0;
	v12 =	vmul.f32 v17, v14  }
0x339: {  	v14 =	vmul.f32 v17, v16;
	v20 =	vsub.f32 v15, v0;
	v15 =	vmov s26  }
0x33a: {  	v21 =	vshra.s32 v15, $0x1;
	v16 =	vmul.f32 $5.000000000e-01, v15;
	v18 =	vmul.f32 v18, v33  }
0x33b: {  	v19 =	vsub.f32 v11, v0;
	v15 =	vsub.f32 v14, v0;
	v14 =	vsub.s32 $0x5F3759DF, v21  }
0x33c: {  	s22 =	simm.s32 $0x400;
	v11 =	vadd.f32 v18, v41;
	v18 =	vmul.f32 v20, v36;
	v20 =	vmul.f32 v14, v16  }
.LBB2_13:
0x33d: {  	p0 =	sne.s32 s22, $0xFC00;
	v19 =	vmul.f32 v19, v32;
	v13 =	vsub.f32 v13, v0;
	v4 =	vmul.f32 v17, v4;
	s8 =	smov.u32 s22;
	s22 =	sadd.s32 $0x400, s22  }
0x33e: {  	v15 =	vmul.f32 v15, v38;
	[tilespmem:s21+$0x4C10] =	vst v11;
	v11 =	vadd.f32 v18, v44;
	v18 =	vmul.f32 v14, v20  }
0x33f: {  	v19 =	vadd.f32 v19, v40;
	v13 =	vmul.f32 v13, v34;
	v4 =	vsub.f32 v4, v0  }
0x340: {  	v7 =	vmul.f32 v17, v7;
	v15 =	vadd.f32 v15, v46;
	[tilespmem:s21+$0x4C40] =	vst v11;
	v17 =	vsub.f32 $1.500000000e+00, v18  }
0x341: {  	v12 =	vsub.f32 v12, v0;
	s8 =	sshra.s32 s8, $0x2;
	[tilespmem:s21+$0x4C00] =	vst v19;
	v13 =	vadd.f32 v13, v42;
	v4 =	vmul.f32 v4, v37  }
0x342: {  	v0 =	vsub.f32 v7, v0;
	v11 =	vld [tilespmem:s8+$0x4C00];
	[tilespmem:s21+$0x4C60] =	vst v15;
	v7 =	vmul.f32 v14, v17  }
0x343: {  	[tilespmem:s21+$0x4C20] =	vst v13;
	v13 =	vmul.f32 v12, v35;
	v4 =	vadd.f32 v4, v45  }
0x344: {  	v0 =	vmul.f32 v0, v39;
	v12 =	vld [tilespmem:s8+$0x4C10];
	v14 =	vmul.f32 v7, v16  }
0x345: {  	v15 =	vadd.f32 v13, v43;
	[tilespmem:s21+$0x4C50] =	vst v4  }
0x346: {  	v0 =	vadd.f32 v0, v47;
	v13 =	vld [tilespmem:s8+$0x4C20];
	v4 =	vmul.f32 v14, v7  }
0x347: {  	v17 =	vadd.f32 $0.0e+00, v11;
	[tilespmem:s21+$0x4C30] =	vst v15  }
0x348: {  	v18 =	vmul.f32 v11, v11;
	v14 =	vld [tilespmem:s8+$0x4C30];
	[tilespmem:s21+$0x4C70] =	vst v0;
	v0 =	vsub.f32 $1.500000000e+00, v4  }
0x349: {  	v4 =	vadd.f32 v12, v17;
	v17 =	vmul.f32 v12, v12  }
0x34a: {  	v15 =	vld [tilespmem:s8+$0x4C40];
	v0 =	vmul.f32 v0, v7  }
0x34b: {  	v7 =	vadd.f32 v13, v4;
	v19 =	vmul.f32 v13, v13  }
0x34c: {  	v17 =	vadd.f32 v17, v18;
	v4 =	vld [tilespmem:s8+$0x4C50];
	v18 =	vmul.f32 v0, v16  }
0x34d: {  	v7 =	vadd.f32 v14, v7;
	v20 =	vmul.f32 v14, v14  }
0x34e: {  	v17 =	vadd.f32 v19, v17;
	v16 =	vld [tilespmem:s8+$0x4C60];
	v18 =	vmul.f32 v18, v0  }
0x34f: {  	v19 =	vadd.f32 v15, v7  }
0x350: {  	v17 =	vadd.f32 v20, v17;
	v20 =	vmul.f32 v15, v15;
	v7 =	vld [tilespmem:s8+$0x4C70];
	v18 =	vsub.f32 $1.500000000e+00, v18  }
0x351: {  	v19 =	vadd.f32 v4, v19  }
0x352: {  	v17 =	vadd.f32 v20, v17;
	v20 =	vmul.f32 v4, v4;
	v0 =	vmul.f32 v18, v0  }
0x353: {  	v18 =	vadd.f32 v16, v19;
	v19 =	vmul.f32 v16, v16  }
0x354: {  	v17 =	vadd.f32 v20, v17;
	v20 =	vmul.f32 s11, v0;
	v5 =	vmul.f32 v0, v5  }
0x355: {  	v3 =	vmul.f32 v0, v3;
	v18 =	vadd.f32 v7, v18;
	v21 =	vmul.f32 v7, v7  }
0x356: {  	v2 =	vmul.f32 v0, v2;
	v10 =	vmul.f32 v0, v10;
	v17 =	vadd.f32 v19, v17  }
0x357: {  	v1 =	vmul.f32 v0, v1;
	v9 =	vmul.f32 v0, v9;
	v3 =	vsub.f32 v3, v20;
	(xrf2) =	vadd.scan.msk.f32 $0xffff, v18  }
0x358: {  	v6 =	vmul.f32 v0, v6;
	v0 =	vmul.f32 v0, v8;
	v17 =	vadd.f32 v21, v17  }
0x359: {  	v1 =	vsub.f32 v1, v20;
	v8 =	vsub.f32 v9, v20;
	v3 =	vmul.f32 v3, v35  }
0x35a: {  	v5 =	vsub.f32 v5, v20;
	v0 =	vsub.f32 v0, v20;
	(xrf2) =	vadd.scan.msk.f32 $0xffff, v17  }
0x35b: {  	v2 =	vsub.f32 v2, v20;
	v1 =	vmul.f32 v1, v32;
	v3 =	vadd.f32 v3, v43  }
0x35c: {  	v6 =	vsub.f32 v6, v20;
	v5 =	vmul.f32 v5, v34;
	v0 =	vmul.f32 v0, v38  }
0x35d: {  	v9 =	vsub.f32 v10, v20;
	v2 =	vmul.f32 v2, v33;
	v1 =	vadd.f32 v1, v40;
	[tilespmem:s21+$0x4CB0] =	vst v3  }
0x35e: {  	v10 =	vmul.f32 v8, v37;
	v5 =	vadd.f32 v5, v42;
	v0 =	vadd.f32 v0, v46  }
0x35f: {  	v6 =	vmul.f32 v6, v36;
	v9 =	vmul.f32 v9, v39;
	v2 =	vadd.f32 v2, v41;
	v3 =	vld [tilespmem:s8+$0x4CB0];
	[tilespmem:s21+$0x4C80] =	vst v1  }
0x360: {  	v1 =	vld [tilespmem:s8+$0x4C80];
	[tilespmem:s21+$0x4CA0] =	vst v5;
	v5 =	vadd.f32 v10, v45  }
0x361: {  	v6 =	vadd.f32 v6, v44;
	v9 =	vadd.f32 v9, v47;
	v8, _, _ =	vpop (xrf2);
	[tilespmem:s21+$0x4C90] =	vst v2  }
0x362: {  	v2 =	vld [tilespmem:s8+$0x4C90];
	(v2sf) =	vpush v8, $0xF;
	[tilespmem:s21+$0x4CD0] =	vst v5  }
0x363: {  	v5 =	vld [tilespmem:s8+$0x4CA0];
	[tilespmem:s21+$0x4CF0] =	vst v9  }
0x364: {  	v8, _, _ =	vpop (xrf2);
	[tilespmem:s21+$0x4CC0] =	vst v6  }
0x365: {  	v10 =	vmul.f32 v3, v3;
	v6 =	vadd.f32 $0.0e+00, v1;
	(v2sf) =	vpush v8, $0xF;
	[tilespmem:s21+$0x4CE0] =	vst v0;
	s21 =	smov.u32 s8  }
0x366: {  	v0 =	vmul.f32 v1, v1  }
0x367: {  	v8 =	vadd.f32 v2, v6;
	v9 =	vmul.f32 v2, v2  }
0x368: {  	v17 =	vmul.f32 v5, v5;
	v6 =	vld [tilespmem:s21+$0x4CC0]  }
0x369: {  	v0 =	vadd.f32 v9, v0;
	v8 =	vadd.f32 v5, v8  }
0x36a: {  	v9 =	vld [tilespmem:s21+$0x4CD0]  }
0x36b: {  	v0 =	vadd.f32 v17, v0;
	v17 =	vadd.f32 v3, v8  }
0x36c: {  	v8 =	vld [tilespmem:s21+$0x4CE0]  }
0x36d: {  	v0 =	vadd.f32 v10, v0;
	v17 =	vadd.f32 v6, v17;
	v18 =	vmul.f32 v6, v6  }
0x36e: {  	v10 =	vld [tilespmem:s21+$0x4CF0]  }
0x36f: {  	v0 =	vadd.f32 v18, v0;
	v17 =	vadd.f32 v9, v17;
	v18 =	vmul.f32 v9, v9;
	_ =	sdelay $0x1  }
0x370: {  	v0 =	vadd.f32 v18, v0;
	v17 =	vadd.f32 v8, v17;
	v18 =	vmul.f32 v8, v8;
	s8 =	spop (v2sf)  }
0x371: {  	s8 =	smul.f32 $7.812500000e-03, s8  }
0x372: {  	v0 =	vadd.f32 v18, v0;
	v17 =	vadd.f32 v10, v17;
	v18 =	vmul.f32 v10, v10  }
0x373: {  	s11 =	smul.f32 s8, s8;
	s24 =	spop (v2sf)  }
0x374: {  	v0 =	vadd.f32 v18, v0;
	s24 =	smul.f32 $7.812500000e-03, s24;
	(xrf2) =	vadd.scan.msk.f32 $0xffff, v17;
	_ =	sdelay $0x1  }
0x375: {  	s11 =	ssub.f32 s24, s11  }
0x376: {  	(xrf2) =	vadd.scan.msk.f32 $0xffff, v0  }
0x377: {  	s11 =	sadd.f32 $9.999999960e-13, s11;
	_ =	sdelay $0x1  }
0x378: {  	v0 =	vmov s11  }
0x379: {  	v17 =	vshra.s32 v0, $0x1;
	v0 =	vmul.f32 $5.000000000e-01, v0  }
0x37a: {  	v17 =	vsub.s32 $0x5F3759DF, v17  }
0x37b: {  	v18 =	vmul.f32 v17, v0  }
0x37c: {  	v19, _, _ =	vpop (xrf2)  }
0x37d: {  	v18 =	vmul.f32 v17, v18;
	(v2sf) =	vpush v19, $0xF;
	_ =	sdelay $0x1  }
0x37e: {  	v18 =	vsub.f32 $1.500000000e+00, v18;
	v19, _, _ =	vpop (xrf2)  }
0x37f: {  	(v2sf) =	vpush v19, $0xF  }
0x380: {  	v17 =	vmul.f32 v17, v18;
	_ =	sdelay $0x1  }
0x381: {  	v18 =	vmul.f32 v17, v0;
	_ =	sdelay $0x1  }
0x382: {  	v18 =	vmul.f32 v18, v17;
	_ =	sdelay $0x1  }
0x383: {  	v18 =	vsub.f32 $1.500000000e+00, v18;
	_ =	sdelay $0x1  }
0x384: {  	v17 =	vmul.f32 v18, v17;
	_ =	sdelay $0x1  }
0x385: {  	v0 =	vmul.f32 v17, v0  }
0x386: {  	s11 =	spop (v2sf)  }
0x387: {  	v0 =	vmul.f32 v0, v17;
	s11 =	smul.f32 $7.812500000e-03, s11;
	_ =	sdelay $0x1  }
0x388: {  	v0 =	vsub.f32 $1.500000000e+00, v0;
	s24 =	smul.f32 s11, s11;
	s25 =	spop (v2sf)  }
0x389: {  	s25 =	smul.f32 $7.812500000e-03, s25  }
0x38a: {  	v17 =	vmul.f32 v0, v17  }
0x38b: {  	s24 =	ssub.f32 s25, s24  }
0x38c: {  	v0 =	vmul.f32 s8, v17;
	v12 =	vmul.f32 v17, v12  }
0x38d: {  	v13 =	vmul.f32 v17, v13;
	v15 =	vmul.f32 v17, v15;
	s8 =	sadd.f32 $9.999999960e-13, s24  }
.Ltmp5:
0x38e: {  	v18 =	vsub.f32 v12, v0;
	v12 =	vmul.f32 v17, v14;
	v14 =	vmul.f32 v17, v16;
	(pc) =	sbr.rel @p0 .LBB2_13-.Ltmp5, $4  }
0x38f: {  	v11 =	vmul.f32 v17, v11;
	v20 =	vsub.f32 v15, v0;
	v15 =	vmov s8  }
0x390: {  	v18 =	vmul.f32 v18, v33;
	v21 =	vshra.s32 v15, $0x1;
	v16 =	vmul.f32 $5.000000000e-01, v15  }
0x391: {  	v19 =	vsub.f32 v11, v0;
	v15 =	vsub.f32 v14, v0;
	v14 =	vsub.s32 $0x5F3759DF, v21  }
0x392: {  	v11 =	vadd.f32 v18, v41;
	v18 =	vmul.f32 v20, v36;
	v20 =	vmul.f32 v14, v16  }
0x393: {  	_ = 	snop  }
0x394: {  	v20 =	vmul.f32 v14, v20;
	_ =	sdelay $0x1  }
0x395: {  	v20 =	vsub.f32 $1.500000000e+00, v20;
	_ =	sdelay $0x1  }
0x396: {  	v14 =	vmul.f32 v14, v20;
	_ =	sdelay $0x1  }
0x397: {  	v20 =	vmul.f32 v14, v16;
	_ =	sdelay $0x1  }
0x398: {  	v20 =	vmul.f32 v20, v14;
	_ =	sdelay $0x1  }
0x399: {  	v20 =	vsub.f32 $1.500000000e+00, v20;
	_ =	sdelay $0x1  }
0x39a: {  	v14 =	vmul.f32 v20, v14;
	_ =	sdelay $0x1  }
0x39b: {  	v16 =	vmul.f32 v14, v16  }
0x39c: {  	v19 =	vmul.f32 v19, v32  }
0x39d: {  	v13 =	vsub.f32 v13, v0;
	v4 =	vmul.f32 v17, v4;
	v16 =	vmul.f32 v16, v14  }
0x39e: {  	v7 =	vmul.f32 v17, v7;
	v12 =	vsub.f32 v12, v0;
	v18 =	vadd.f32 v18, v44  }
0x39f: {  	v15 =	vmul.f32 v15, v38;
	v19 =	vadd.f32 v19, v40;
	v16 =	vsub.f32 $1.500000000e+00, v16  }
0x3a0: {  	v4 =	vsub.f32 v4, v0;
	v13 =	vmul.f32 v13, v34;
	v0 =	vsub.f32 v7, v0  }
0x3a1: {  	v17 =	vadd.f32 v15, v46;
	v12 =	vmul.f32 v12, v35;
	v14 =	vmul.f32 v16, v14  }
0x3a2: {  	v4 =	vmul.f32 v4, v37;
	v13 =	vadd.f32 v13, v42;
	v0 =	vmul.f32 v0, v39  }
0x3a3: {  	[tilespmem:s21+$0x4C10] =	vst v11;
	v12 =	vadd.f32 v12, v43;
	v11 =	vmul.f32 s11, v14;
	v3 =	vmul.f32 v14, v3  }
0x3a4: {  	[tilespmem:s21+$0x4C40] =	vst v18;
	v4 =	vadd.f32 v4, v45;
	v0 =	vadd.f32 v0, v47;
	v1 =	vmul.f32 v14, v1  }
0x3a5: {  	[tilespmem:s21+$0x4C00] =	vst v19;
	v5 =	vmul.f32 v14, v5;
	v2 =	vmul.f32 v14, v2;
	v3 =	vsub.f32 v3, v11  }
0x3a6: {  	[tilespmem:s21+$0x4C60] =	vst v17;
	v15 =	vmul.f32 v14, v10;
	v9 =	vmul.f32 v14, v9;
	v1 =	vsub.f32 v1, v11  }
0x3a7: {  	[tilespmem:s21+$0x4C20] =	vst v13;
	v6 =	vmul.f32 v14, v6;
	v5 =	vsub.f32 v5, v11;
	v3 =	vmul.f32 v3, v35  }
0x3a8: {  	[tilespmem:s21+$0x4C30] =	vst v12;
	v16 =	vmul.f32 v14, v8;
	v2 =	vsub.f32 v2, v11;
	v1 =	vmul.f32 v1, v32  }
0x3a9: {  	[tilespmem:s21+$0x4C50] =	vst v4;
	v17 =	vsub.f32 v9, v11;
	v5 =	vmul.f32 v5, v34;
	v3 =	vadd.f32 v3, v43  }
0x3aa: {  	[tilespmem:s21+$0x4C70] =	vst v0;
	v9 =	vsub.f32 v15, v11;
	v19 =	vmul.f32 v2, v33;
	v18 =	vadd.f32 v1, v40  }
0x3ab: {  	v4 =	vsub.f32 v16, v11;
	v12 =	vmul.f32 v17, v37;
	v10 =	vadd.f32 v5, v42;
	[tilespmem:s21+$0x4CB0] =	vst v3  }
0x3ac: {  	v6 =	vsub.f32 v6, v11;
	v14 =	vmul.f32 v9, v39;
	v13 =	vadd.f32 v19, v41;
	[tilespmem:s21+$0x4C80] =	vst v18  }
0x3ad: {  	s28 =	sadd.s32 $0x1, s28;
	v4 =	vmul.f32 v4, v38;
	v16 =	vadd.f32 v12, v45;
	[tilespmem:s21+$0x4CA0] =	vst v10  }
0x3ae: {  	p0 =	sne.s32 s28, $0x19;
	v15 =	vmul.f32 v6, v36;
	v17 =	vadd.f32 v14, v47;
	[tilespmem:s21+$0x4C90] =	vst v13  }
.Ltmp6:
0x3af: {  	v19 =	vadd.f32 v4, v46;
	[tilespmem:s21+$0x4CD0] =	vst v16;
	(pc) =	sbr.rel @p0 .LBB2_4-.Ltmp6, $4  }
0x3b0: {  	v18 =	vadd.f32 v15, v44;
	[tilespmem:s21+$0x4CF0] =	vst v17  }
0x3b1: {  	s8 =	sshll.u32 s20, $0x4;
	[tilespmem:s21+$0x4CE0] =	vst v19  }
0x3b2: {  	s8 =	sadd.s32 s13, s8;
	[tilespmem:s21+$0x4CC0] =	vst v18  }
0x3b3: {  	[hbm4b:s8+s14] =	stream.linear.scatter [tilespmem:s19], [sflag:$0x6], $0x4000, $0x38;
	[tilespmem:$0x8E00] =	vst v63  }
0x3b4: {  	_ =	swait.ge [sflag:s23], $0x4000  }
0x3b5: {  	[sflag:s23] =	ssyncset.done $0x0  }
0x3b6: {  	s11 =	simm.s32 $0x6;
	[sflag:s23] =	ssyncadd.s32 $0xFFFFC000  }
0x3b7: {  	_ =	swait.ge [sflag:s11], $0x4000  }
0x3b8: {  	s20 =	rddreg [dreg:$0x14]  }
0x3b9: {  	s8 =	rddreg [dreg:$0x13];
	s20 =	sadd.s32 $0x1, s20  }
0x3ba: {  	p0 =	sne.s32 s20, s8  }
.Ltmp7:
0x3bb: {  	_ = 	snop;
	(pc) =	sbr.rel @p0 .LBB2_1-.Ltmp7, $3  }
0x3bc: {  	_ =	sdelay $0x1  }
0x3bd: {  	[sflag:s11] =	ssyncset.done $0x0  }
0x3be: {  	[sflag:s11] =	ssyncadd.s32 $0xFFFFC000  }
0x3bf: {  	_ =	sfence.sel $0x180000  }
0x3c0: {  	[bflag:$0x0] =	sbarrier.arrive $0xFFFF  }
0x3c1: {  	_ =	strace $0x90000047  }
0x3c2: {  	s0 =	stileid.u32;
	[bflag:$0x2] =	sbarrier.arrive $0xFFFF  }
0x3c3: {  	p0 =	sne.s32 s0, $0x0;
	s0 =	rddreg [dreg:$0xc]  }
0x3c4: {  	s0 =	sadd.s32 @!p0 $0x100000, s0  }
0x3c5: {  	[sflag:s0] =	ssyncadd.tile.s32 @!p0 $0x1;
	_ =	shalt  }
.Lfunc_end2:
_tile_overlayer_lowered:
.L_overlay_start_2:
0x3c6: {  	(tag) =	ssettag $0x2  }
0x3c7: {  	s0 =	rddreg [dreg:$0x0];
	s2 =	stileid.u32  }
0x3c8: {  	s1 =	rddreg [dreg:$0x1];
	p0 =	sne.s32 s2, $0x0  }
0x3c9: {  	s3 =	rddreg [dreg:$0x2];
	[bflag:$0x3] =	sbarrier.arrive $0xFFFF;
	s2 =	simm.s32 @!p0 $0x1C07  }
0x3ca: {  	[timem:s3], [sflag:s2] =	dma.local @!p0 [hbm:s0], s1  }
0x3cb: {  	s0 =	simm.s32 @!p0 $0x7  }
0x3cc: {  	_ =	swait.ge @!p0 [sflag:s0], s1  }
0x3cd: {  	s1 =	ssub.s32 @!p0 $0x0, s1;
	[sflag:s0] =	ssyncset.done @!p0 $0x0  }
0x3ce: {  	[sflag:s0] =	ssyncadd.s32 @!p0 s1  }
0x3cf: {  	[bflag:$0x3] =	sbarrier.arrive $0xFFFF  }
0x3d0: {  	_ =	shalt  }

</sc_bundles>
